<compile_context>
chip_gen: v7x
topology: tpu7x:2x2x1
jax: 0.10.2.dev20260603
libtpu: 0.0.44.dev20260713+nightly
codegen_flags: <defaults>
</compile_context>

<pallas_src>
import functools

import jax
import jax.numpy as jnp
from jax import lax
from jax.experimental import pallas as pl
from jax.experimental.pallas import tpu as pltpu
from jax.experimental.pallas import tpu_sc as plsc

_NUM_HEADS = 16
_AREA = 256
_N = _AREA * _AREA
_TABLE = 961 * _NUM_HEADS

_info = plsc.get_sparse_core_info()
_NC, _NS, _L = _info.num_cores, _info.num_subcores, _info.num_lanes
_NW = _NC * _NS
_CHUNK = _N // _NW
_GROUPS = _CHUNK // _L

_MESH = plsc.VectorSubcoreMesh(core_axis_name="c", subcore_axis_name="s")


@functools.partial(
    pl.kernel,
    mesh=_MESH,
    out_type=jax.ShapeDtypeStruct((_NUM_HEADS, _N), jnp.float32),
    scratch_types=[
        pltpu.VMEM((_TABLE,), jnp.float32),
        pltpu.VMEM((_CHUNK,), jnp.int32),
        pltpu.VMEM((_NUM_HEADS, _CHUNK), jnp.float32),
        pltpu.SemaphoreType.DMA,
        pltpu.SemaphoreType.DMA,
        pltpu.SemaphoreType.DMA,
    ],
    compiler_params=pltpu.CompilerParams(needs_layout_passes=False),
)
def _rpb_gather(table_hbm, idx_hbm, out_hbm, table_v, idx_v, out_v,
                sem_t, sem_i, sem_o):
    wid = lax.axis_index("s") * _NC + lax.axis_index("c")
    base = wid * _CHUNK
    ct = pltpu.async_copy(table_hbm, table_v, sem_t)
    ci = pltpu.async_copy(idx_hbm.at[pl.ds(base, _CHUNK)], idx_v, sem_i)
    ct.wait()
    ci.wait()

    quarter = _CHUNK // 4
    outs = []
    for q in range(4):
        @plsc.parallel_loop(q * (_GROUPS // 4), (q + 1) * (_GROUPS // 4),
                            unroll=2)
        def _group(g):
            off = g * _L
            idxv = idx_v[pl.ds(off, _L)]
            flat = idxv * _NUM_HEADS
            for h in range(_NUM_HEADS):
                out_v[h, pl.ds(off, _L)] = plsc.load_gather(
                    table_v, [flat + h])

        outs.append(pltpu.async_copy(
            out_v.at[:, pl.ds(q * quarter, quarter)],
            out_hbm.at[:, pl.ds(base + q * quarter, quarter)],
            sem_o,
        ))
    for c in outs:
        c.wait()


def kernel(relative_position_bias_table, relative_position_index):
    out = _rpb_gather(
        relative_position_bias_table.reshape(-1),
        relative_position_index.reshape(-1),
    )
    return out.reshape(_NUM_HEADS, _AREA, _AREA)

# --- scband reference (transcript-rebuilt; emitter-appended) ---
"""Pipeline reference for scband-relative-position-bias2-d-37649683317337 (READ-ONLY COPY).

The authoritative reference and input builder live on the scoring server;
editing this copy changes nothing except your own understanding.
"""

import jax, jax.numpy as jnp
import numpy as np

WINDOW_H = 16
WINDOW_W = 16
NUM_HEADS = 16

def _build_relative_position_index(wh, ww):
    coords_h = np.arange(wh)
    coords_w = np.arange(ww)
    coords = np.stack(np.meshgrid(coords_h, coords_w, indexing='ij'))  # [2, wh, ww]
    coords_flatten = coords.reshape(2, -1)  # [2, wh*ww]
    relative_coords = coords_flatten[:, :, None] - coords_flatten[:, None, :]  # [2, N, N]
    relative_coords = relative_coords.transpose(1, 2, 0).copy()  # [N, N, 2]
    relative_coords[:, :, 0] += wh - 1
    relative_coords[:, :, 1] += ww - 1
    relative_coords[:, :, 0] *= 2 * ww - 1
    relative_position_index = relative_coords.sum(-1)  # [N, N]
    return jnp.asarray(relative_position_index, dtype=jnp.int32)

def setup_inputs(seed: int = 0) -> dict:
    key = jax.random.key(seed)
    table_size = (2 * WINDOW_H - 1) * (2 * WINDOW_W - 1)
    # trunc_normal_(std=0.02) approximated by clipped normal
    table = jnp.clip(jax.random.normal(key, (table_size, NUM_HEADS), dtype=jnp.float32) * 0.02, -0.04, 0.04)
    rel_idx = _build_relative_position_index(WINDOW_H, WINDOW_W)
    return {"relative_position_bias_table": table, "relative_position_index": rel_idx}

def reference(relative_position_bias_table, relative_position_index):
    window_area = WINDOW_H * WINDOW_W
    flat_idx = relative_position_index.reshape(-1)  # [N*N]
    bias = jnp.take(relative_position_bias_table, flat_idx, axis=0)  # [N*N, H]
    bias = bias.reshape(window_area, window_area, -1)  # [N, N, H]
    bias = jnp.transpose(bias, (2, 0, 1))  # [H, N, N]
    return bias

if __name__ == "__main__":
    import jax
    _d = setup_inputs()
    print(jax.jit(kernel)(*tuple(_d.values())))

</pallas_src>

<mosaic_0001>
#map = affine_map<(d0, d1) -> (0)>
#map1 = affine_map<(d0, d1) -> (0, 0)>
module attributes {stable_mosaic.version = 14 : i64} {
  func.func @_rpb_gather(%arg0: i32, %arg1: i32, %arg2: memref<15376xf32, #tpu.memory_space<hbm>>, %arg3: memref<65536xi32, #tpu.memory_space<hbm>>, %arg4: memref<16x65536xf32, #tpu.memory_space<hbm>>, %arg5: memref<15376xf32, #tpu.memory_space<vmem>>, %arg6: memref<2048xi32, #tpu.memory_space<vmem>>, %arg7: memref<16x2048xf32, #tpu.memory_space<vmem>>, %arg8: memref<!tpu.dma_semaphore, #tpu.memory_space<semaphore_mem>>, %arg9: memref<!tpu.dma_semaphore, #tpu.memory_space<semaphore_mem>>, %arg10: memref<!tpu.dma_semaphore, #tpu.memory_space<semaphore_mem>>) attributes {dimension_semantics = [#tpu.dimension_semantics<core_parallel>, #tpu.dimension_semantics<subcore_parallel>], iteration_bounds = array<i64: 2, 16>, scalar_prefetch = 0 : i64, scratch_operands = 6 : i64, tpu.core_type = #tpu.core_type<sc_vector_subcore>, window_params = [{transform_indices = #map}, {transform_indices = #map}, {transform_indices = #map1}]} {
    %mul3A = arith.constant 2 : i32
    %mul3A_0 = arith.muli %arg1, %mul3A : i32
    %add3A = arith.addi %mul3A_0, %arg0 : i32
    %mul3A_1 = arith.constant 2048 : i32
    %mul3A_2 = arith.muli %add3A, %mul3A_1 : i32
    tpu.enqueue_dma source(%arg2 : memref<15376xf32, #tpu.memory_space<hbm>>) target(%arg5 : memref<15376xf32, #tpu.memory_space<vmem>>) target_semaphore(%arg8 : memref<!tpu.dma_semaphore, #tpu.memory_space<semaphore_mem>>)
    %dma_start3A = tpu.memref_slice %arg3[%mul3A_2] : memref<65536xi32, #tpu.memory_space<hbm>> -> memref<2048xi32, #tpu.memory_space<hbm>>
    %dma_start3A_3 = tpu.memref_slice %arg3[%mul3A_2] : memref<65536xi32, #tpu.memory_space<hbm>> -> memref<2048xi32, #tpu.memory_space<hbm>>
    tpu.enqueue_dma source(%dma_start3A_3 : memref<2048xi32, #tpu.memory_space<hbm>>) target(%arg6 : memref<2048xi32, #tpu.memory_space<vmem>>) target_semaphore(%arg9 : memref<!tpu.dma_semaphore, #tpu.memory_space<semaphore_mem>>)
    tpu.wait_dma2 semaphore(%arg8 : memref<!tpu.dma_semaphore, #tpu.memory_space<semaphore_mem>>) src(%arg2 : memref<15376xf32, #tpu.memory_space<hbm>>) dst(%arg5 : memref<15376xf32, #tpu.memory_space<vmem>>)
    %dma_wait3A = tpu.memref_slice %arg3[%mul3A_2] : memref<65536xi32, #tpu.memory_space<hbm>> -> memref<2048xi32, #tpu.memory_space<hbm>>
    %dma_wait3A_4 = tpu.memref_slice %arg3[%mul3A_2] : memref<65536xi32, #tpu.memory_space<hbm>> -> memref<2048xi32, #tpu.memory_space<hbm>>
    tpu.wait_dma2 semaphore(%arg9 : memref<!tpu.dma_semaphore, #tpu.memory_space<semaphore_mem>>) src(%dma_wait3A_4 : memref<2048xi32, #tpu.memory_space<hbm>>) dst(%arg6 : memref<2048xi32, #tpu.memory_space<vmem>>)
    %parallel_loop3A = arith.constant 0 : i32
    %parallel_loop3A_5 = arith.constant 32 : i32
    %parallel_loop3A_6 = arith.constant 1 : i32
    scf.for %parallel_loop3A_104 = %parallel_loop3A to %parallel_loop3A_5 step %parallel_loop3A_6  : i32 {
      %parallel_loop3A_105 = arith.constant 16 : i32
      %parallel_loop3A_106 = arith.muli %parallel_loop3A_104, %parallel_loop3A_105 : i32
      %parallel_loop3A_107 = arith.index_cast %parallel_loop3A_106 : i32 to index
      %parallel_loop3A_108 = tpu.vector_load %arg6[%parallel_loop3A_107] {strides = array<i32>} : memref<2048xi32, #tpu.memory_space<vmem>>, vector<16xi32>,
      %parallel_loop3A_109 = arith.constant 16 : i32
      %parallel_loop3A_110 = vector.broadcast %parallel_loop3A_109 : i32 to vector<16xi32>
      %parallel_loop3A_111 = arith.muli %parallel_loop3A_108, %parallel_loop3A_110 : vector<16xi32>
      %parallel_loop3A_112 = arith.constant 0 : i32
      %parallel_loop3A_113 = vector.broadcast %parallel_loop3A_112 : i32 to vector<16xi32>
      %parallel_loop3A_114 = arith.addi %parallel_loop3A_111, %parallel_loop3A_113 : vector<16xi32>
      %parallel_loop3A_115 = tpu.vector_load_idx %arg5[%parallel_loop3A_114] : memref<15376xf32, #tpu.memory_space<vmem>>[vector<16xi32>], vector<16xf32>,
      %parallel_loop3A_116 = arith.constant 0 : i32
      %parallel_loop3A_117 = arith.index_cast %parallel_loop3A_116 : i32 to index
      %parallel_loop3A_118 = arith.index_cast %parallel_loop3A_106 : i32 to index
      %parallel_loop3A_119 = tpu.vector_load %arg7[%parallel_loop3A_117, %parallel_loop3A_118] {strides = array<i32>} : memref<16x2048xf32, #tpu.memory_space<vmem>>, vector<16xf32>,
      tpu.vector_store %arg7[%parallel_loop3A_117, %parallel_loop3A_118], %parallel_loop3A_115 {strides = array<i32>} : memref<16x2048xf32, #tpu.memory_space<vmem>>, vector<16xf32>,
      %parallel_loop3A_120 = arith.constant 1 : i32
      %parallel_loop3A_121 = vector.broadcast %parallel_loop3A_120 : i32 to vector<16xi32>
      %parallel_loop3A_122 = arith.addi %parallel_loop3A_111, %parallel_loop3A_121 : vector<16xi32>
      %parallel_loop3A_123 = tpu.vector_load_idx %arg5[%parallel_loop3A_122] : memref<15376xf32, #tpu.memory_space<vmem>>[vector<16xi32>], vector<16xf32>,
      %parallel_loop3A_124 = arith.constant 1 : i32
      %parallel_loop3A_125 = arith.index_cast %parallel_loop3A_124 : i32 to index
      %parallel_loop3A_126 = arith.index_cast %parallel_loop3A_106 : i32 to index
      %parallel_loop3A_127 = tpu.vector_load %arg7[%parallel_loop3A_125, %parallel_loop3A_126] {strides = array<i32>} : memref<16x2048xf32, #tpu.memory_space<vmem>>, vector<16xf32>,
      tpu.vector_store %arg7[%parallel_loop3A_125, %parallel_loop3A_126], %parallel_loop3A_123 {strides = array<i32>} : memref<16x2048xf32, #tpu.memory_space<vmem>>, vector<16xf32>,
      %parallel_loop3A_128 = arith.constant 2 : i32
      %parallel_loop3A_129 = vector.broadcast %parallel_loop3A_128 : i32 to vector<16xi32>
      %parallel_loop3A_130 = arith.addi %parallel_loop3A_111, %parallel_loop3A_129 : vector<16xi32>
      %parallel_loop3A_131 = tpu.vector_load_idx %arg5[%parallel_loop3A_130] : memref<15376xf32, #tpu.memory_space<vmem>>[vector<16xi32>], vector<16xf32>,
      %parallel_loop3A_132 = arith.constant 2 : i32
      %parallel_loop3A_133 = arith.index_cast %parallel_loop3A_132 : i32 to index
      %parallel_loop3A_134 = arith.index_cast %parallel_loop3A_106 : i32 to index
      %parallel_loop3A_135 = tpu.vector_load %arg7[%parallel_loop3A_133, %parallel_loop3A_134] {strides = array<i32>} : memref<16x2048xf32, #tpu.memory_space<vmem>>, vector<16xf32>,
      tpu.vector_store %arg7[%parallel_loop3A_133, %parallel_loop3A_134], %parallel_loop3A_131 {strides = array<i32>} : memref<16x2048xf32, #tpu.memory_space<vmem>>, vector<16xf32>,
      %parallel_loop3A_136 = arith.constant 3 : i32
      %parallel_loop3A_137 = vector.broadcast %parallel_loop3A_136 : i32 to vector<16xi32>
      %parallel_loop3A_138 = arith.addi %parallel_loop3A_111, %parallel_loop3A_137 : vector<16xi32>
      %parallel_loop3A_139 = tpu.vector_load_idx %arg5[%parallel_loop3A_138] : memref<15376xf32, #tpu.memory_space<vmem>>[vector<16xi32>], vector<16xf32>,
      %parallel_loop3A_140 = arith.constant 3 : i32
      %parallel_loop3A_141 = arith.index_cast %parallel_loop3A_140 : i32 to index
      %parallel_loop3A_142 = arith.index_cast %parallel_loop3A_106 : i32 to index
      %parallel_loop3A_143 = tpu.vector_load %arg7[%parallel_loop3A_141, %parallel_loop3A_142] {strides = array<i32>} : memref<16x2048xf32, #tpu.memory_space<vmem>>, vector<16xf32>,
      tpu.vector_store %arg7[%parallel_loop3A_141, %parallel_loop3A_142], %parallel_loop3A_139 {strides = array<i32>} : memref<16x2048xf32, #tpu.memory_space<vmem>>, vector<16xf32>,
      %parallel_loop3A_144 = arith.constant 4 : i32
      %parallel_loop3A_145 = vector.broadcast %parallel_loop3A_144 : i32 to vector<16xi32>
      %parallel_loop3A_146 = arith.addi %parallel_loop3A_111, %parallel_loop3A_145 : vector<16xi32>
      %parallel_loop3A_147 = tpu.vector_load_idx %arg5[%parallel_loop3A_146] : memref<15376xf32, #tpu.memory_space<vmem>>[vector<16xi32>], vector<16xf32>,
      %parallel_loop3A_148 = arith.constant 4 : i32
      %parallel_loop3A_149 = arith.index_cast %parallel_loop3A_148 : i32 to index
      %parallel_loop3A_150 = arith.index_cast %parallel_loop3A_106 : i32 to index
      %parallel_loop3A_151 = tpu.vector_load %arg7[%parallel_loop3A_149, %parallel_loop3A_150] {strides = array<i32>} : memref<16x2048xf32, #tpu.memory_space<vmem>>, vector<16xf32>,
      tpu.vector_store %arg7[%parallel_loop3A_149, %parallel_loop3A_150], %parallel_loop3A_147 {strides = array<i32>} : memref<16x2048xf32, #tpu.memory_space<vmem>>, vector<16xf32>,
      %parallel_loop3A_152 = arith.constant 5 : i32
      %parallel_loop3A_153 = vector.broadcast %parallel_loop3A_152 : i32 to vector<16xi32>
      %parallel_loop3A_154 = arith.addi %parallel_loop3A_111, %parallel_loop3A_153 : vector<16xi32>
      %parallel_loop3A_155 = tpu.vector_load_idx %arg5[%parallel_loop3A_154] : memref<15376xf32, #tpu.memory_space<vmem>>[vector<16xi32>], vector<16xf32>,
      %parallel_loop3A_156 = arith.constant 5 : i32
      %parallel_loop3A_157 = arith.index_cast %parallel_loop3A_156 : i32 to index
      %parallel_loop3A_158 = arith.index_cast %parallel_loop3A_106 : i32 to index
      %parallel_loop3A_159 = tpu.vector_load %arg7[%parallel_loop3A_157, %parallel_loop3A_158] {strides = array<i32>} : memref<16x2048xf32, #tpu.memory_space<vmem>>, vector<16xf32>,
      tpu.vector_store %arg7[%parallel_loop3A_157, %parallel_loop3A_158], %parallel_loop3A_155 {strides = array<i32>} : memref<16x2048xf32, #tpu.memory_space<vmem>>, vector<16xf32>,
      %parallel_loop3A_160 = arith.constant 6 : i32
      %parallel_loop3A_161 = vector.broadcast %parallel_loop3A_160 : i32 to vector<16xi32>
      %parallel_loop3A_162 = arith.addi %parallel_loop3A_111, %parallel_loop3A_161 : vector<16xi32>
      %parallel_loop3A_163 = tpu.vector_load_idx %arg5[%parallel_loop3A_162] : memref<15376xf32, #tpu.memory_space<vmem>>[vector<16xi32>], vector<16xf32>,
      %parallel_loop3A_164 = arith.constant 6 : i32
      %parallel_loop3A_165 = arith.index_cast %parallel_loop3A_164 : i32 to index
      %parallel_loop3A_166 = arith.index_cast %parallel_loop3A_106 : i32 to index
      %parallel_loop3A_167 = tpu.vector_load %arg7[%parallel_loop3A_165, %parallel_loop3A_166] {strides = array<i32>} : memref<16x2048xf32, #tpu.memory_space<vmem>>, vector<16xf32>,
      tpu.vector_store %arg7[%parallel_loop3A_165, %parallel_loop3A_166], %parallel_loop3A_163 {strides = array<i32>} : memref<16x2048xf32, #tpu.memory_space<vmem>>, vector<16xf32>,
      %parallel_loop3A_168 = arith.constant 7 : i32
      %parallel_loop3A_169 = vector.broadcast %parallel_loop3A_168 : i32 to vector<16xi32>
      %parallel_loop3A_170 = arith.addi %parallel_loop3A_111, %parallel_loop3A_169 : vector<16xi32>
      %parallel_loop3A_171 = tpu.vector_load_idx %arg5[%parallel_loop3A_170] : memref<15376xf32, #tpu.memory_space<vmem>>[vector<16xi32>], vector<16xf32>,
      %parallel_loop3A_172 = arith.constant 7 : i32
      %parallel_loop3A_173 = arith.index_cast %parallel_loop3A_172 : i32 to index
      %parallel_loop3A_174 = arith.index_cast %parallel_loop3A_106 : i32 to index
      %parallel_loop3A_175 = tpu.vector_load %arg7[%parallel_loop3A_173, %parallel_loop3A_174] {strides = array<i32>} : memref<16x2048xf32, #tpu.memory_space<vmem>>, vector<16xf32>,
      tpu.vector_store %arg7[%parallel_loop3A_173, %parallel_loop3A_174], %parallel_loop3A_171 {strides = array<i32>} : memref<16x2048xf32, #tpu.memory_space<vmem>>, vector<16xf32>,
      %parallel_loop3A_176 = arith.constant 8 : i32
      %parallel_loop3A_177 = vector.broadcast %parallel_loop3A_176 : i32 to vector<16xi32>
      %parallel_loop3A_178 = arith.addi %parallel_loop3A_111, %parallel_loop3A_177 : vector<16xi32>
      %parallel_loop3A_179 = tpu.vector_load_idx %arg5[%parallel_loop3A_178] : memref<15376xf32, #tpu.memory_space<vmem>>[vector<16xi32>], vector<16xf32>,
      %parallel_loop3A_180 = arith.constant 8 : i32
      %parallel_loop3A_181 = arith.index_cast %parallel_loop3A_180 : i32 to index
      %parallel_loop3A_182 = arith.index_cast %parallel_loop3A_106 : i32 to index
      %parallel_loop3A_183 = tpu.vector_load %arg7[%parallel_loop3A_181, %parallel_loop3A_182] {strides = array<i32>} : memref<16x2048xf32, #tpu.memory_space<vmem>>, vector<16xf32>,
      tpu.vector_store %arg7[%parallel_loop3A_181, %parallel_loop3A_182], %parallel_loop3A_179 {strides = array<i32>} : memref<16x2048xf32, #tpu.memory_space<vmem>>, vector<16xf32>,
      %parallel_loop3A_184 = arith.constant 9 : i32
      %parallel_loop3A_185 = vector.broadcast %parallel_loop3A_184 : i32 to vector<16xi32>
      %parallel_loop3A_186 = arith.addi %parallel_loop3A_111, %parallel_loop3A_185 : vector<16xi32>
      %parallel_loop3A_187 = tpu.vector_load_idx %arg5[%parallel_loop3A_186] : memref<15376xf32, #tpu.memory_space<vmem>>[vector<16xi32>], vector<16xf32>,
      %parallel_loop3A_188 = arith.constant 9 : i32
      %parallel_loop3A_189 = arith.index_cast %parallel_loop3A_188 : i32 to index
      %parallel_loop3A_190 = arith.index_cast %parallel_loop3A_106 : i32 to index
      %parallel_loop3A_191 = tpu.vector_load %arg7[%parallel_loop3A_189, %parallel_loop3A_190] {strides = array<i32>} : memref<16x2048xf32, #tpu.memory_space<vmem>>, vector<16xf32>,
      tpu.vector_store %arg7[%parallel_loop3A_189, %parallel_loop3A_190], %parallel_loop3A_187 {strides = array<i32>} : memref<16x2048xf32, #tpu.memory_space<vmem>>, vector<16xf32>,
      %parallel_loop3A_192 = arith.constant 10 : i32
      %parallel_loop3A_193 = vector.broadcast %parallel_loop3A_192 : i32 to vector<16xi32>
      %parallel_loop3A_194 = arith.addi %parallel_loop3A_111, %parallel_loop3A_193 : vector<16xi32>
      %parallel_loop3A_195 = tpu.vector_load_idx %arg5[%parallel_loop3A_194] : memref<15376xf32, #tpu.memory_space<vmem>>[vector<16xi32>], vector<16xf32>,
      %parallel_loop3A_196 = arith.constant 10 : i32
      %parallel_loop3A_197 = arith.index_cast %parallel_loop3A_196 : i32 to index
      %parallel_loop3A_198 = arith.index_cast %parallel_loop3A_106 : i32 to index
      %parallel_loop3A_199 = tpu.vector_load %arg7[%parallel_loop3A_197, %parallel_loop3A_198] {strides = array<i32>} : memref<16x2048xf32, #tpu.memory_space<vmem>>, vector<16xf32>,
      tpu.vector_store %arg7[%parallel_loop3A_197, %parallel_loop3A_198], %parallel_loop3A_195 {strides = array<i32>} : memref<16x2048xf32, #tpu.memory_space<vmem>>, vector<16xf32>,
      %parallel_loop3A_200 = arith.constant 11 : i32
      %parallel_loop3A_201 = vector.broadcast %parallel_loop3A_200 : i32 to vector<16xi32>
      %parallel_loop3A_202 = arith.addi %parallel_loop3A_111, %parallel_loop3A_201 : vector<16xi32>
      %parallel_loop3A_203 = tpu.vector_load_idx %arg5[%parallel_loop3A_202] : memref<15376xf32, #tpu.memory_space<vmem>>[vector<16xi32>], vector<16xf32>,
      %parallel_loop3A_204 = arith.constant 11 : i32
      %parallel_loop3A_205 = arith.index_cast %parallel_loop3A_204 : i32 to index
      %parallel_loop3A_206 = arith.index_cast %parallel_loop3A_106 : i32 to index
      %parallel_loop3A_207 = tpu.vector_load %arg7[%parallel_loop3A_205, %parallel_loop3A_206] {strides = array<i32>} : memref<16x2048xf32, #tpu.memory_space<vmem>>, vector<16xf32>,
      tpu.vector_store %arg7[%parallel_loop3A_205, %parallel_loop3A_206], %parallel_loop3A_203 {strides = array<i32>} : memref<16x2048xf32, #tpu.memory_space<vmem>>, vector<16xf32>,
      %parallel_loop3A_208 = arith.constant 12 : i32
      %parallel_loop3A_209 = vector.broadcast %parallel_loop3A_208 : i32 to vector<16xi32>
      %parallel_loop3A_210 = arith.addi %parallel_loop3A_111, %parallel_loop3A_209 : vector<16xi32>
      %parallel_loop3A_211 = tpu.vector_load_idx %arg5[%parallel_loop3A_210] : memref<15376xf32, #tpu.memory_space<vmem>>[vector<16xi32>], vector<16xf32>,
      %parallel_loop3A_212 = arith.constant 12 : i32
      %parallel_loop3A_213 = arith.index_cast %parallel_loop3A_212 : i32 to index
      %parallel_loop3A_214 = arith.index_cast %parallel_loop3A_106 : i32 to index
      %parallel_loop3A_215 = tpu.vector_load %arg7[%parallel_loop3A_213, %parallel_loop3A_214] {strides = array<i32>} : memref<16x2048xf32, #tpu.memory_space<vmem>>, vector<16xf32>,
      tpu.vector_store %arg7[%parallel_loop3A_213, %parallel_loop3A_214], %parallel_loop3A_211 {strides = array<i32>} : memref<16x2048xf32, #tpu.memory_space<vmem>>, vector<16xf32>,
      %parallel_loop3A_216 = arith.constant 13 : i32
      %parallel_loop3A_217 = vector.broadcast %parallel_loop3A_216 : i32 to vector<16xi32>
      %parallel_loop3A_218 = arith.addi %parallel_loop3A_111, %parallel_loop3A_217 : vector<16xi32>
      %parallel_loop3A_219 = tpu.vector_load_idx %arg5[%parallel_loop3A_218] : memref<15376xf32, #tpu.memory_space<vmem>>[vector<16xi32>], vector<16xf32>,
      %parallel_loop3A_220 = arith.constant 13 : i32
      %parallel_loop3A_221 = arith.index_cast %parallel_loop3A_220 : i32 to index
      %parallel_loop3A_222 = arith.index_cast %parallel_loop3A_106 : i32 to index
      %parallel_loop3A_223 = tpu.vector_load %arg7[%parallel_loop3A_221, %parallel_loop3A_222] {strides = array<i32>} : memref<16x2048xf32, #tpu.memory_space<vmem>>, vector<16xf32>,
      tpu.vector_store %arg7[%parallel_loop3A_221, %parallel_loop3A_222], %parallel_loop3A_219 {strides = array<i32>} : memref<16x2048xf32, #tpu.memory_space<vmem>>, vector<16xf32>,
      %parallel_loop3A_224 = arith.constant 14 : i32
      %parallel_loop3A_225 = vector.broadcast %parallel_loop3A_224 : i32 to vector<16xi32>
      %parallel_loop3A_226 = arith.addi %parallel_loop3A_111, %parallel_loop3A_225 : vector<16xi32>
      %parallel_loop3A_227 = tpu.vector_load_idx %arg5[%parallel_loop3A_226] : memref<15376xf32, #tpu.memory_space<vmem>>[vector<16xi32>], vector<16xf32>,
      %parallel_loop3A_228 = arith.constant 14 : i32
      %parallel_loop3A_229 = arith.index_cast %parallel_loop3A_228 : i32 to index
      %parallel_loop3A_230 = arith.index_cast %parallel_loop3A_106 : i32 to index
      %parallel_loop3A_231 = tpu.vector_load %arg7[%parallel_loop3A_229, %parallel_loop3A_230] {strides = array<i32>} : memref<16x2048xf32, #tpu.memory_space<vmem>>, vector<16xf32>,
      tpu.vector_store %arg7[%parallel_loop3A_229, %parallel_loop3A_230], %parallel_loop3A_227 {strides = array<i32>} : memref<16x2048xf32, #tpu.memory_space<vmem>>, vector<16xf32>,
      %parallel_loop3A_232 = arith.constant 15 : i32
      %parallel_loop3A_233 = vector.broadcast %parallel_loop3A_232 : i32 to vector<16xi32>
      %parallel_loop3A_234 = arith.addi %parallel_loop3A_111, %parallel_loop3A_233 : vector<16xi32>
      %parallel_loop3A_235 = tpu.vector_load_idx %arg5[%parallel_loop3A_234] : memref<15376xf32, #tpu.memory_space<vmem>>[vector<16xi32>], vector<16xf32>,
      %parallel_loop3A_236 = arith.constant 15 : i32
      %parallel_loop3A_237 = arith.index_cast %parallel_loop3A_236 : i32 to index
      %parallel_loop3A_238 = arith.index_cast %parallel_loop3A_106 : i32 to index
      %parallel_loop3A_239 = tpu.vector_load %arg7[%parallel_loop3A_237, %parallel_loop3A_238] {strides = array<i32>} : memref<16x2048xf32, #tpu.memory_space<vmem>>, vector<16xf32>,
      tpu.vector_store %arg7[%parallel_loop3A_237, %parallel_loop3A_238], %parallel_loop3A_235 {strides = array<i32>} : memref<16x2048xf32, #tpu.memory_space<vmem>>, vector<16xf32>,
    } {sc.loop_unroll_factor = 2 : i64, sc.parallel_access}
    %add3A_7 = arith.constant 0 : i32
    %add3A_8 = arith.addi %mul3A_2, %add3A_7 : i32
    %dma_start3A_9 = arith.constant 0 : i32
    %dma_start3A_10 = arith.constant 0 : i32
    %dma_start3A_11 = tpu.memref_slice %arg7[%dma_start3A_9, %dma_start3A_10] : memref<16x2048xf32, #tpu.memory_space<vmem>> -> memref<16x512xf32, #tpu.memory_space<vmem>>
    %dma_start3A_12 = arith.constant 0 : i32
    %dma_start3A_13 = tpu.memref_slice %arg4[%dma_start3A_12, %add3A_8] : memref<16x65536xf32, #tpu.memory_space<hbm>> -> memref<16x512xf32, #tpu.memory_space<hbm>>
    %dma_start3A_14 = arith.constant 0 : i32
    %dma_start3A_15 = tpu.memref_slice %arg4[%dma_start3A_14, %add3A_8] : memref<16x65536xf32, #tpu.memory_space<hbm>> -> memref<16x512xf32, #tpu.memory_space<hbm>>
    %dma_start3A_16 = arith.constant 0 : i32
    %dma_start3A_17 = arith.constant 0 : i32
    %dma_start3A_18 = tpu.memref_slice %arg7[%dma_start3A_16, %dma_start3A_17] : memref<16x2048xf32, #tpu.memory_space<vmem>> -> memref<16x512xf32, #tpu.memory_space<vmem>>
    tpu.enqueue_dma source(%dma_start3A_18 : memref<16x512xf32, #tpu.memory_space<vmem>>) target(%dma_start3A_15 : memref<16x512xf32, #tpu.memory_space<hbm>>) target_semaphore(%arg10 : memref<!tpu.dma_semaphore, #tpu.memory_space<semaphore_mem>>)
    %parallel_loop3A_19 = arith.constant 32 : i32
    %parallel_loop3A_20 = arith.constant 64 : i32
    %parallel_loop3A_21 = arith.constant 1 : i32
    scf.for %parallel_loop3A_104 = %parallel_loop3A_19 to %parallel_loop3A_20 step %parallel_loop3A_21  : i32 {
      %parallel_loop3A_105 = arith.constant 16 : i32
      %parallel_loop3A_106 = arith.muli %parallel_loop3A_104, %parallel_loop3A_105 : i32
      %parallel_loop3A_107 = arith.index_cast %parallel_loop3A_106 : i32 to index
      %parallel_loop3A_108 = tpu.vector_load %arg6[%parallel_loop3A_107] {strides = array<i32>} : memref<2048xi32, #tpu.memory_space<vmem>>, vector<16xi32>,
      %parallel_loop3A_109 = arith.constant 16 : i32
      %parallel_loop3A_110 = vector.broadcast %parallel_loop3A_109 : i32 to vector<16xi32>
      %parallel_loop3A_111 = arith.muli %parallel_loop3A_108, %parallel_loop3A_110 : vector<16xi32>
      %parallel_loop3A_112 = arith.constant 0 : i32
      %parallel_loop3A_113 = vector.broadcast %parallel_loop3A_112 : i32 to vector<16xi32>
      %parallel_loop3A_114 = arith.addi %parallel_loop3A_111, %parallel_loop3A_113 : vector<16xi32>
      %parallel_loop3A_115 = tpu.vector_load_idx %arg5[%parallel_loop3A_114] : memref<15376xf32, #tpu.memory_space<vmem>>[vector<16xi32>], vector<16xf32>,
      %parallel_loop3A_116 = arith.constant 0 : i32
      %parallel_loop3A_117 = arith.index_cast %parallel_loop3A_116 : i32 to index
      %parallel_loop3A_118 = arith.index_cast %parallel_loop3A_106 : i32 to index
      %parallel_loop3A_119 = tpu.vector_load %arg7[%parallel_loop3A_117, %parallel_loop3A_118] {strides = array<i32>} : memref<16x2048xf32, #tpu.memory_space<vmem>>, vector<16xf32>,
      tpu.vector_store %arg7[%parallel_loop3A_117, %parallel_loop3A_118], %parallel_loop3A_115 {strides = array<i32>} : memref<16x2048xf32, #tpu.memory_space<vmem>>, vector<16xf32>,
      %parallel_loop3A_120 = arith.constant 1 : i32
      %parallel_loop3A_121 = vector.broadcast %parallel_loop3A_120 : i32 to vector<16xi32>
      %parallel_loop3A_122 = arith.addi %parallel_loop3A_111, %parallel_loop3A_121 : vector<16xi32>
      %parallel_loop3A_123 = tpu.vector_load_idx %arg5[%parallel_loop3A_122] : memref<15376xf32, #tpu.memory_space<vmem>>[vector<16xi32>], vector<16xf32>,
      %parallel_loop3A_124 = arith.constant 1 : i32
      %parallel_loop3A_125 = arith.index_cast %parallel_loop3A_124 : i32 to index
      %parallel_loop3A_126 = arith.index_cast %parallel_loop3A_106 : i32 to index
      %parallel_loop3A_127 = tpu.vector_load %arg7[%parallel_loop3A_125, %parallel_loop3A_126] {strides = array<i32>} : memref<16x2048xf32, #tpu.memory_space<vmem>>, vector<16xf32>,
      tpu.vector_store %arg7[%parallel_loop3A_125, %parallel_loop3A_126], %parallel_loop3A_123 {strides = array<i32>} : memref<16x2048xf32, #tpu.memory_space<vmem>>, vector<16xf32>,
      %parallel_loop3A_128 = arith.constant 2 : i32
      %parallel_loop3A_129 = vector.broadcast %parallel_loop3A_128 : i32 to vector<16xi32>
      %parallel_loop3A_130 = arith.addi %parallel_loop3A_111, %parallel_loop3A_129 : vector<16xi32>
      %parallel_loop3A_131 = tpu.vector_load_idx %arg5[%parallel_loop3A_130] : memref<15376xf32, #tpu.memory_space<vmem>>[vector<16xi32>], vector<16xf32>,
      %parallel_loop3A_132 = arith.constant 2 : i32
      %parallel_loop3A_133 = arith.index_cast %parallel_loop3A_132 : i32 to index
      %parallel_loop3A_134 = arith.index_cast %parallel_loop3A_106 : i32 to index
      %parallel_loop3A_135 = tpu.vector_load %arg7[%parallel_loop3A_133, %parallel_loop3A_134] {strides = array<i32>} : memref<16x2048xf32, #tpu.memory_space<vmem>>, vector<16xf32>,
      tpu.vector_store %arg7[%parallel_loop3A_133, %parallel_loop3A_134], %parallel_loop3A_131 {strides = array<i32>} : memref<16x2048xf32, #tpu.memory_space<vmem>>, vector<16xf32>,
      %parallel_loop3A_136 = arith.constant 3 : i32
      %parallel_loop3A_137 = vector.broadcast %parallel_loop3A_136 : i32 to vector<16xi32>
      %parallel_loop3A_138 = arith.addi %parallel_loop3A_111, %parallel_loop3A_137 : vector<16xi32>
      %parallel_loop3A_139 = tpu.vector_load_idx %arg5[%parallel_loop3A_138] : memref<15376xf32, #tpu.memory_space<vmem>>[vector<16xi32>], vector<16xf32>,
      %parallel_loop3A_140 = arith.constant 3 : i32
      %parallel_loop3A_141 = arith.index_cast %parallel_loop3A_140 : i32 to index
      %parallel_loop3A_142 = arith.index_cast %parallel_loop3A_106 : i32 to index
      %parallel_loop3A_143 = tpu.vector_load %arg7[%parallel_loop3A_141, %parallel_loop3A_142] {strides = array<i32>} : memref<16x2048xf32, #tpu.memory_space<vmem>>, vector<16xf32>,
      tpu.vector_store %arg7[%parallel_loop3A_141, %parallel_loop3A_142], %parallel_loop3A_139 {strides = array<i32>} : memref<16x2048xf32, #tpu.memory_space<vmem>>, vector<16xf32>,
      %parallel_loop3A_144 = arith.constant 4 : i32
      %parallel_loop3A_145 = vector.broadcast %parallel_loop3A_144 : i32 to vector<16xi32>
      %parallel_loop3A_146 = arith.addi %parallel_loop3A_111, %parallel_loop3A_145 : vector<16xi32>
      %parallel_loop3A_147 = tpu.vector_load_idx %arg5[%parallel_loop3A_146] : memref<15376xf32, #tpu.memory_space<vmem>>[vector<16xi32>], vector<16xf32>,
      %parallel_loop3A_148 = arith.constant 4 : i32
      %parallel_loop3A_149 = arith.index_cast %parallel_loop3A_148 : i32 to index
      %parallel_loop3A_150 = arith.index_cast %parallel_loop3A_106 : i32 to index
      %parallel_loop3A_151 = tpu.vector_load %arg7[%parallel_loop3A_149, %parallel_loop3A_150] {strides = array<i32>} : memref<16x2048xf32, #tpu.memory_space<vmem>>, vector<16xf32>,
      tpu.vector_store %arg7[%parallel_loop3A_149, %parallel_loop3A_150], %parallel_loop3A_147 {strides = array<i32>} : memref<16x2048xf32, #tpu.memory_space<vmem>>, vector<16xf32>,
      %parallel_loop3A_152 = arith.constant 5 : i32
      %parallel_loop3A_153 = vector.broadcast %parallel_loop3A_152 : i32 to vector<16xi32>
      %parallel_loop3A_154 = arith.addi %parallel_loop3A_111, %parallel_loop3A_153 : vector<16xi32>
      %parallel_loop3A_155 = tpu.vector_load_idx %arg5[%parallel_loop3A_154] : memref<15376xf32, #tpu.memory_space<vmem>>[vector<16xi32>], vector<16xf32>,
      %parallel_loop3A_156 = arith.constant 5 : i32
      %parallel_loop3A_157 = arith.index_cast %parallel_loop3A_156 : i32 to index
      %parallel_loop3A_158 = arith.index_cast %parallel_loop3A_106 : i32 to index
      %parallel_loop3A_159 = tpu.vector_load %arg7[%parallel_loop3A_157, %parallel_loop3A_158] {strides = array<i32>} : memref<16x2048xf32, #tpu.memory_space<vmem>>, vector<16xf32>,
      tpu.vector_store %arg7[%parallel_loop3A_157, %parallel_loop3A_158], %parallel_loop3A_155 {strides = array<i32>} : memref<16x2048xf32, #tpu.memory_space<vmem>>, vector<16xf32>,
      %parallel_loop3A_160 = arith.constant 6 : i32
      %parallel_loop3A_161 = vector.broadcast %parallel_loop3A_160 : i32 to vector<16xi32>
      %parallel_loop3A_162 = arith.addi %parallel_loop3A_111, %parallel_loop3A_161 : vector<16xi32>
      %parallel_loop3A_163 = tpu.vector_load_idx %arg5[%parallel_loop3A_162] : memref<15376xf32, #tpu.memory_space<vmem>>[vector<16xi32>], vector<16xf32>,
      %parallel_loop3A_164 = arith.constant 6 : i32
      %parallel_loop3A_165 = arith.index_cast %parallel_loop3A_164 : i32 to index
      %parallel_loop3A_166 = arith.index_cast %parallel_loop3A_106 : i32 to index
      %parallel_loop3A_167 = tpu.vector_load %arg7[%parallel_loop3A_165, %parallel_loop3A_166] {strides = array<i32>} : memref<16x2048xf32, #tpu.memory_space<vmem>>, vector<16xf32>,
      tpu.vector_store %arg7[%parallel_loop3A_165, %parallel_loop3A_166], %parallel_loop3A_163 {strides = array<i32>} : memref<16x2048xf32, #tpu.memory_space<vmem>>, vector<16xf32>,
      %parallel_loop3A_168 = arith.constant 7 : i32
      %parallel_loop3A_169 = vector.broadcast %parallel_loop3A_168 : i32 to vector<16xi32>
      %parallel_loop3A_170 = arith.addi %parallel_loop3A_111, %parallel_loop3A_169 : vector<16xi32>
      %parallel_loop3A_171 = tpu.vector_load_idx %arg5[%parallel_loop3A_170] : memref<15376xf32, #tpu.memory_space<vmem>>[vector<16xi32>], vector<16xf32>,
      %parallel_loop3A_172 = arith.constant 7 : i32
      %parallel_loop3A_173 = arith.index_cast %parallel_loop3A_172 : i32 to index
      %parallel_loop3A_174 = arith.index_cast %parallel_loop3A_106 : i32 to index
      %parallel_loop3A_175 = tpu.vector_load %arg7[%parallel_loop3A_173, %parallel_loop3A_174] {strides = array<i32>} : memref<16x2048xf32, #tpu.memory_space<vmem>>, vector<16xf32>,
      tpu.vector_store %arg7[%parallel_loop3A_173, %parallel_loop3A_174], %parallel_loop3A_171 {strides = array<i32>} : memref<16x2048xf32, #tpu.memory_space<vmem>>, vector<16xf32>,
      %parallel_loop3A_176 = arith.constant 8 : i32
      %parallel_loop3A_177 = vector.broadcast %parallel_loop3A_176 : i32 to vector<16xi32>
      %parallel_loop3A_178 = arith.addi %parallel_loop3A_111, %parallel_loop3A_177 : vector<16xi32>
      %parallel_loop3A_179 = tpu.vector_load_idx %arg5[%parallel_loop3A_178] : memref<15376xf32, #tpu.memory_space<vmem>>[vector<16xi32>], vector<16xf32>,
      %parallel_loop3A_180 = arith.constant 8 : i32
      %parallel_loop3A_181 = arith.index_cast %parallel_loop3A_180 : i32 to index
      %parallel_loop3A_182 = arith.index_cast %parallel_loop3A_106 : i32 to index
      %parallel_loop3A_183 = tpu.vector_load %arg7[%parallel_loop3A_181, %parallel_loop3A_182] {strides = array<i32>} : memref<16x2048xf32, #tpu.memory_space<vmem>>, vector<16xf32>,
      tpu.vector_store %arg7[%parallel_loop3A_181, %parallel_loop3A_182], %parallel_loop3A_179 {strides = array<i32>} : memref<16x2048xf32, #tpu.memory_space<vmem>>, vector<16xf32>,
      %parallel_loop3A_184 = arith.constant 9 : i32
      %parallel_loop3A_185 = vector.broadcast %parallel_loop3A_184 : i32 to vector<16xi32>
      %parallel_loop3A_186 = arith.addi %parallel_loop3A_111, %parallel_loop3A_185 : vector<16xi32>
      %parallel_loop3A_187 = tpu.vector_load_idx %arg5[%parallel_loop3A_186] : memref<15376xf32, #tpu.memory_space<vmem>>[vector<16xi32>], vector<16xf32>,
      %parallel_loop3A_188 = arith.constant 9 : i32
      %parallel_loop3A_189 = arith.index_cast %parallel_loop3A_188 : i32 to index
      %parallel_loop3A_190 = arith.index_cast %parallel_loop3A_106 : i32 to index
      %parallel_loop3A_191 = tpu.vector_load %arg7[%parallel_loop3A_189, %parallel_loop3A_190] {strides = array<i32>} : memref<16x2048xf32, #tpu.memory_space<vmem>>, vector<16xf32>,
      tpu.vector_store %arg7[%parallel_loop3A_189, %parallel_loop3A_190], %parallel_loop3A_187 {strides = array<i32>} : memref<16x2048xf32, #tpu.memory_space<vmem>>, vector<16xf32>,
      %parallel_loop3A_192 = arith.constant 10 : i32
      %parallel_loop3A_193 = vector.broadcast %parallel_loop3A_192 : i32 to vector<16xi32>
      %parallel_loop3A_194 = arith.addi %parallel_loop3A_111, %parallel_loop3A_193 : vector<16xi32>
      %parallel_loop3A_195 = tpu.vector_load_idx %arg5[%parallel_loop3A_194] : memref<15376xf32, #tpu.memory_space<vmem>>[vector<16xi32>], vector<16xf32>,
      %parallel_loop3A_196 = arith.constant 10 : i32
      %parallel_loop3A_197 = arith.index_cast %parallel_loop3A_196 : i32 to index
      %parallel_loop3A_198 = arith.index_cast %parallel_loop3A_106 : i32 to index
      %parallel_loop3A_199 = tpu.vector_load %arg7[%parallel_loop3A_197, %parallel_loop3A_198] {strides = array<i32>} : memref<16x2048xf32, #tpu.memory_space<vmem>>, vector<16xf32>,
      tpu.vector_store %arg7[%parallel_loop3A_197, %parallel_loop3A_198], %parallel_loop3A_195 {strides = array<i32>} : memref<16x2048xf32, #tpu.memory_space<vmem>>, vector<16xf32>,
      %parallel_loop3A_200 = arith.constant 11 : i32
      %parallel_loop3A_201 = vector.broadcast %parallel_loop3A_200 : i32 to vector<16xi32>
      %parallel_loop3A_202 = arith.addi %parallel_loop3A_111, %parallel_loop3A_201 : vector<16xi32>
      %parallel_loop3A_203 = tpu.vector_load_idx %arg5[%parallel_loop3A_202] : memref<15376xf32, #tpu.memory_space<vmem>>[vector<16xi32>], vector<16xf32>,
      %parallel_loop3A_204 = arith.constant 11 : i32
      %parallel_loop3A_205 = arith.index_cast %parallel_loop3A_204 : i32 to index
      %parallel_loop3A_206 = arith.index_cast %parallel_loop3A_106 : i32 to index
      %parallel_loop3A_207 = tpu.vector_load %arg7[%parallel_loop3A_205, %parallel_loop3A_206] {strides = array<i32>} : memref<16x2048xf32, #tpu.memory_space<vmem>>, vector<16xf32>,
      tpu.vector_store %arg7[%parallel_loop3A_205, %parallel_loop3A_206], %parallel_loop3A_203 {strides = array<i32>} : memref<16x2048xf32, #tpu.memory_space<vmem>>, vector<16xf32>,
      %parallel_loop3A_208 = arith.constant 12 : i32
      %parallel_loop3A_209 = vector.broadcast %parallel_loop3A_208 : i32 to vector<16xi32>
      %parallel_loop3A_210 = arith.addi %parallel_loop3A_111, %parallel_loop3A_209 : vector<16xi32>
      %parallel_loop3A_211 = tpu.vector_load_idx %arg5[%parallel_loop3A_210] : memref<15376xf32, #tpu.memory_space<vmem>>[vector<16xi32>], vector<16xf32>,
      %parallel_loop3A_212 = arith.constant 12 : i32
      %parallel_loop3A_213 = arith.index_cast %parallel_loop3A_212 : i32 to index
      %parallel_loop3A_214 = arith.index_cast %parallel_loop3A_106 : i32 to index
      %parallel_loop3A_215 = tpu.vector_load %arg7[%parallel_loop3A_213, %parallel_loop3A_214] {strides = array<i32>} : memref<16x2048xf32, #tpu.memory_space<vmem>>, vector<16xf32>,
      tpu.vector_store %arg7[%parallel_loop3A_213, %parallel_loop3A_214], %parallel_loop3A_211 {strides = array<i32>} : memref<16x2048xf32, #tpu.memory_space<vmem>>, vector<16xf32>,
      %parallel_loop3A_216 = arith.constant 13 : i32
      %parallel_loop3A_217 = vector.broadcast %parallel_loop3A_216 : i32 to vector<16xi32>
      %parallel_loop3A_218 = arith.addi %parallel_loop3A_111, %parallel_loop3A_217 : vector<16xi32>
      %parallel_loop3A_219 = tpu.vector_load_idx %arg5[%parallel_loop3A_218] : memref<15376xf32, #tpu.memory_space<vmem>>[vector<16xi32>], vector<16xf32>,
      %parallel_loop3A_220 = arith.constant 13 : i32
      %parallel_loop3A_221 = arith.index_cast %parallel_loop3A_220 : i32 to index
      %parallel_loop3A_222 = arith.index_cast %parallel_loop3A_106 : i32 to index
      %parallel_loop3A_223 = tpu.vector_load %arg7[%parallel_loop3A_221, %parallel_loop3A_222] {strides = array<i32>} : memref<16x2048xf32, #tpu.memory_space<vmem>>, vector<16xf32>,
      tpu.vector_store %arg7[%parallel_loop3A_221, %parallel_loop3A_222], %parallel_loop3A_219 {strides = array<i32>} : memref<16x2048xf32, #tpu.memory_space<vmem>>, vector<16xf32>,
      %parallel_loop3A_224 = arith.constant 14 : i32
      %parallel_loop3A_225 = vector.broadcast %parallel_loop3A_224 : i32 to vector<16xi32>
      %parallel_loop3A_226 = arith.addi %parallel_loop3A_111, %parallel_loop3A_225 : vector<16xi32>
      %parallel_loop3A_227 = tpu.vector_load_idx %arg5[%parallel_loop3A_226] : memref<15376xf32, #tpu.memory_space<vmem>>[vector<16xi32>], vector<16xf32>,
      %parallel_loop3A_228 = arith.constant 14 : i32
      %parallel_loop3A_229 = arith.index_cast %parallel_loop3A_228 : i32 to index
      %parallel_loop3A_230 = arith.index_cast %parallel_loop3A_106 : i32 to index
      %parallel_loop3A_231 = tpu.vector_load %arg7[%parallel_loop3A_229, %parallel_loop3A_230] {strides = array<i32>} : memref<16x2048xf32, #tpu.memory_space<vmem>>, vector<16xf32>,
      tpu.vector_store %arg7[%parallel_loop3A_229, %parallel_loop3A_230], %parallel_loop3A_227 {strides = array<i32>} : memref<16x2048xf32, #tpu.memory_space<vmem>>, vector<16xf32>,
      %parallel_loop3A_232 = arith.constant 15 : i32
      %parallel_loop3A_233 = vector.broadcast %parallel_loop3A_232 : i32 to vector<16xi32>
      %parallel_loop3A_234 = arith.addi %parallel_loop3A_111, %parallel_loop3A_233 : vector<16xi32>
      %parallel_loop3A_235 = tpu.vector_load_idx %arg5[%parallel_loop3A_234] : memref<15376xf32, #tpu.memory_space<vmem>>[vector<16xi32>], vector<16xf32>,
      %parallel_loop3A_236 = arith.constant 15 : i32
      %parallel_loop3A_237 = arith.index_cast %parallel_loop3A_236 : i32 to index
      %parallel_loop3A_238 = arith.index_cast %parallel_loop3A_106 : i32 to index
      %parallel_loop3A_239 = tpu.vector_load %arg7[%parallel_loop3A_237, %parallel_loop3A_238] {strides = array<i32>} : memref<16x2048xf32, #tpu.memory_space<vmem>>, vector<16xf32>,
      tpu.vector_store %arg7[%parallel_loop3A_237, %parallel_loop3A_238], %parallel_loop3A_235 {strides = array<i32>} : memref<16x2048xf32, #tpu.memory_space<vmem>>, vector<16xf32>,
    } {sc.loop_unroll_factor = 2 : i64, sc.parallel_access}
    %add3A_22 = arith.constant 512 : i32
    %add3A_23 = arith.addi %mul3A_2, %add3A_22 : i32
    %dma_start3A_24 = arith.constant 0 : i32
    %dma_start3A_25 = arith.constant 512 : i32
    %dma_start3A_26 = tpu.memref_slice %arg7[%dma_start3A_24, %dma_start3A_25] : memref<16x2048xf32, #tpu.memory_space<vmem>> -> memref<16x512xf32, #tpu.memory_space<vmem>>
    %dma_start3A_27 = arith.constant 0 : i32
    %dma_start3A_28 = tpu.memref_slice %arg4[%dma_start3A_27, %add3A_23] : memref<16x65536xf32, #tpu.memory_space<hbm>> -> memref<16x512xf32, #tpu.memory_space<hbm>>
    %dma_start3A_29 = arith.constant 0 : i32
    %dma_start3A_30 = tpu.memref_slice %arg4[%dma_start3A_29, %add3A_23] : memref<16x65536xf32, #tpu.memory_space<hbm>> -> memref<16x512xf32, #tpu.memory_space<hbm>>
    %dma_start3A_31 = arith.constant 0 : i32
    %dma_start3A_32 = arith.constant 512 : i32
    %dma_start3A_33 = tpu.memref_slice %arg7[%dma_start3A_31, %dma_start3A_32] : memref<16x2048xf32, #tpu.memory_space<vmem>> -> memref<16x512xf32, #tpu.memory_space<vmem>>
    tpu.enqueue_dma source(%dma_start3A_33 : memref<16x512xf32, #tpu.memory_space<vmem>>) target(%dma_start3A_30 : memref<16x512xf32, #tpu.memory_space<hbm>>) target_semaphore(%arg10 : memref<!tpu.dma_semaphore, #tpu.memory_space<semaphore_mem>>)
    %parallel_loop3A_34 = arith.constant 64 : i32
    %parallel_loop3A_35 = arith.constant 96 : i32
    %parallel_loop3A_36 = arith.constant 1 : i32
    scf.for %parallel_loop3A_104 = %parallel_loop3A_34 to %parallel_loop3A_35 step %parallel_loop3A_36  : i32 {
      %parallel_loop3A_105 = arith.constant 16 : i32
      %parallel_loop3A_106 = arith.muli %parallel_loop3A_104, %parallel_loop3A_105 : i32
      %parallel_loop3A_107 = arith.index_cast %parallel_loop3A_106 : i32 to index
      %parallel_loop3A_108 = tpu.vector_load %arg6[%parallel_loop3A_107] {strides = array<i32>} : memref<2048xi32, #tpu.memory_space<vmem>>, vector<16xi32>,
      %parallel_loop3A_109 = arith.constant 16 : i32
      %parallel_loop3A_110 = vector.broadcast %parallel_loop3A_109 : i32 to vector<16xi32>
      %parallel_loop3A_111 = arith.muli %parallel_loop3A_108, %parallel_loop3A_110 : vector<16xi32>
      %parallel_loop3A_112 = arith.constant 0 : i32
      %parallel_loop3A_113 = vector.broadcast %parallel_loop3A_112 : i32 to vector<16xi32>
      %parallel_loop3A_114 = arith.addi %parallel_loop3A_111, %parallel_loop3A_113 : vector<16xi32>
      %parallel_loop3A_115 = tpu.vector_load_idx %arg5[%parallel_loop3A_114] : memref<15376xf32, #tpu.memory_space<vmem>>[vector<16xi32>], vector<16xf32>,
      %parallel_loop3A_116 = arith.constant 0 : i32
      %parallel_loop3A_117 = arith.index_cast %parallel_loop3A_116 : i32 to index
      %parallel_loop3A_118 = arith.index_cast %parallel_loop3A_106 : i32 to index
      %parallel_loop3A_119 = tpu.vector_load %arg7[%parallel_loop3A_117, %parallel_loop3A_118] {strides = array<i32>} : memref<16x2048xf32, #tpu.memory_space<vmem>>, vector<16xf32>,
      tpu.vector_store %arg7[%parallel_loop3A_117, %parallel_loop3A_118], %parallel_loop3A_115 {strides = array<i32>} : memref<16x2048xf32, #tpu.memory_space<vmem>>, vector<16xf32>,
      %parallel_loop3A_120 = arith.constant 1 : i32
      %parallel_loop3A_121 = vector.broadcast %parallel_loop3A_120 : i32 to vector<16xi32>
      %parallel_loop3A_122 = arith.addi %parallel_loop3A_111, %parallel_loop3A_121 : vector<16xi32>
      %parallel_loop3A_123 = tpu.vector_load_idx %arg5[%parallel_loop3A_122] : memref<15376xf32, #tpu.memory_space<vmem>>[vector<16xi32>], vector<16xf32>,
      %parallel_loop3A_124 = arith.constant 1 : i32
      %parallel_loop3A_125 = arith.index_cast %parallel_loop3A_124 : i32 to index
      %parallel_loop3A_126 = arith.index_cast %parallel_loop3A_106 : i32 to index
      %parallel_loop3A_127 = tpu.vector_load %arg7[%parallel_loop3A_125, %parallel_loop3A_126] {strides = array<i32>} : memref<16x2048xf32, #tpu.memory_space<vmem>>, vector<16xf32>,
      tpu.vector_store %arg7[%parallel_loop3A_125, %parallel_loop3A_126], %parallel_loop3A_123 {strides = array<i32>} : memref<16x2048xf32, #tpu.memory_space<vmem>>, vector<16xf32>,
      %parallel_loop3A_128 = arith.constant 2 : i32
      %parallel_loop3A_129 = vector.broadcast %parallel_loop3A_128 : i32 to vector<16xi32>
      %parallel_loop3A_130 = arith.addi %parallel_loop3A_111, %parallel_loop3A_129 : vector<16xi32>
      %parallel_loop3A_131 = tpu.vector_load_idx %arg5[%parallel_loop3A_130] : memref<15376xf32, #tpu.memory_space<vmem>>[vector<16xi32>], vector<16xf32>,
      %parallel_loop3A_132 = arith.constant 2 : i32
      %parallel_loop3A_133 = arith.index_cast %parallel_loop3A_132 : i32 to index
      %parallel_loop3A_134 = arith.index_cast %parallel_loop3A_106 : i32 to index
      %parallel_loop3A_135 = tpu.vector_load %arg7[%parallel_loop3A_133, %parallel_loop3A_134] {strides = array<i32>} : memref<16x2048xf32, #tpu.memory_space<vmem>>, vector<16xf32>,
      tpu.vector_store %arg7[%parallel_loop3A_133, %parallel_loop3A_134], %parallel_loop3A_131 {strides = array<i32>} : memref<16x2048xf32, #tpu.memory_space<vmem>>, vector<16xf32>,
      %parallel_loop3A_136 = arith.constant 3 : i32
      %parallel_loop3A_137 = vector.broadcast %parallel_loop3A_136 : i32 to vector<16xi32>
      %parallel_loop3A_138 = arith.addi %parallel_loop3A_111, %parallel_loop3A_137 : vector<16xi32>
      %parallel_loop3A_139 = tpu.vector_load_idx %arg5[%parallel_loop3A_138] : memref<15376xf32, #tpu.memory_space<vmem>>[vector<16xi32>], vector<16xf32>,
      %parallel_loop3A_140 = arith.constant 3 : i32
      %parallel_loop3A_141 = arith.index_cast %parallel_loop3A_140 : i32 to index
      %parallel_loop3A_142 = arith.index_cast %parallel_loop3A_106 : i32 to index
      %parallel_loop3A_143 = tpu.vector_load %arg7[%parallel_loop3A_141, %parallel_loop3A_142] {strides = array<i32>} : memref<16x2048xf32, #tpu.memory_space<vmem>>, vector<16xf32>,
      tpu.vector_store %arg7[%parallel_loop3A_141, %parallel_loop3A_142], %parallel_loop3A_139 {strides = array<i32>} : memref<16x2048xf32, #tpu.memory_space<vmem>>, vector<16xf32>,
      %parallel_loop3A_144 = arith.constant 4 : i32
      %parallel_loop3A_145 = vector.broadcast %parallel_loop3A_144 : i32 to vector<16xi32>
      %parallel_loop3A_146 = arith.addi %parallel_loop3A_111, %parallel_loop3A_145 : vector<16xi32>
      %parallel_loop3A_147 = tpu.vector_load_idx %arg5[%parallel_loop3A_146] : memref<15376xf32, #tpu.memory_space<vmem>>[vector<16xi32>], vector<16xf32>,
      %parallel_loop3A_148 = arith.constant 4 : i32
      %parallel_loop3A_149 = arith.index_cast %parallel_loop3A_148 : i32 to index
      %parallel_loop3A_150 = arith.index_cast %parallel_loop3A_106 : i32 to index
      %parallel_loop3A_151 = tpu.vector_load %arg7[%parallel_loop3A_149, %parallel_loop3A_150] {strides = array<i32>} : memref<16x2048xf32, #tpu.memory_space<vmem>>, vector<16xf32>,
      tpu.vector_store %arg7[%parallel_loop3A_149, %parallel_loop3A_150], %parallel_loop3A_147 {strides = array<i32>} : memref<16x2048xf32, #tpu.memory_space<vmem>>, vector<16xf32>,
      %parallel_loop3A_152 = arith.constant 5 : i32
      %parallel_loop3A_153 = vector.broadcast %parallel_loop3A_152 : i32 to vector<16xi32>
      %parallel_loop3A_154 = arith.addi %parallel_loop3A_111, %parallel_loop3A_153 : vector<16xi32>
      %parallel_loop3A_155 = tpu.vector_load_idx %arg5[%parallel_loop3A_154] : memref<15376xf32, #tpu.memory_space<vmem>>[vector<16xi32>], vector<16xf32>,
      %parallel_loop3A_156 = arith.constant 5 : i32
      %parallel_loop3A_157 = arith.index_cast %parallel_loop3A_156 : i32 to index
      %parallel_loop3A_158 = arith.index_cast %parallel_loop3A_106 : i32 to index
      %parallel_loop3A_159 = tpu.vector_load %arg7[%parallel_loop3A_157, %parallel_loop3A_158] {strides = array<i32>} : memref<16x2048xf32, #tpu.memory_space<vmem>>, vector<16xf32>,
      tpu.vector_store %arg7[%parallel_loop3A_157, %parallel_loop3A_158], %parallel_loop3A_155 {strides = array<i32>} : memref<16x2048xf32, #tpu.memory_space<vmem>>, vector<16xf32>,
      %parallel_loop3A_160 = arith.constant 6 : i32
      %parallel_loop3A_161 = vector.broadcast %parallel_loop3A_160 : i32 to vector<16xi32>
      %parallel_loop3A_162 = arith.addi %parallel_loop3A_111, %parallel_loop3A_161 : vector<16xi32>
      %parallel_loop3A_163 = tpu.vector_load_idx %arg5[%parallel_loop3A_162] : memref<15376xf32, #tpu.memory_space<vmem>>[vector<16xi32>], vector<16xf32>,
      %parallel_loop3A_164 = arith.constant 6 : i32
      %parallel_loop3A_165 = arith.index_cast %parallel_loop3A_164 : i32 to index
      %parallel_loop3A_166 = arith.index_cast %parallel_loop3A_106 : i32 to index
      %parallel_loop3A_167 = tpu.vector_load %arg7[%parallel_loop3A_165, %parallel_loop3A_166] {strides = array<i32>} : memref<16x2048xf32, #tpu.memory_space<vmem>>, vector<16xf32>,
      tpu.vector_store %arg7[%parallel_loop3A_165, %parallel_loop3A_166], %parallel_loop3A_163 {strides = array<i32>} : memref<16x2048xf32, #tpu.memory_space<vmem>>, vector<16xf32>,
      %parallel_loop3A_168 = arith.constant 7 : i32
      %parallel_loop3A_169 = vector.broadcast %parallel_loop3A_168 : i32 to vector<16xi32>
      %parallel_loop3A_170 = arith.addi %parallel_loop3A_111, %parallel_loop3A_169 : vector<16xi32>
      %parallel_loop3A_171 = tpu.vector_load_idx %arg5[%parallel_loop3A_170] : memref<15376xf32, #tpu.memory_space<vmem>>[vector<16xi32>], vector<16xf32>,
      %parallel_loop3A_172 = arith.constant 7 : i32
      %parallel_loop3A_173 = arith.index_cast %parallel_loop3A_172 : i32 to index
      %parallel_loop3A_174 = arith.index_cast %parallel_loop3A_106 : i32 to index
      %parallel_loop3A_175 = tpu.vector_load %arg7[%parallel_loop3A_173, %parallel_loop3A_174] {strides = array<i32>} : memref<16x2048xf32, #tpu.memory_space<vmem>>, vector<16xf32>,
      tpu.vector_store %arg7[%parallel_loop3A_173, %parallel_loop3A_174], %parallel_loop3A_171 {strides = array<i32>} : memref<16x2048xf32, #tpu.memory_space<vmem>>, vector<16xf32>,
      %parallel_loop3A_176 = arith.constant 8 : i32
      %parallel_loop3A_177 = vector.broadcast %parallel_loop3A_176 : i32 to vector<16xi32>
      %parallel_loop3A_178 = arith.addi %parallel_loop3A_111, %parallel_loop3A_177 : vector<16xi32>
      %parallel_loop3A_179 = tpu.vector_load_idx %arg5[%parallel_loop3A_178] : memref<15376xf32, #tpu.memory_space<vmem>>[vector<16xi32>], vector<16xf32>,
      %parallel_loop3A_180 = arith.constant 8 : i32
      %parallel_loop3A_181 = arith.index_cast %parallel_loop3A_180 : i32 to index
      %parallel_loop3A_182 = arith.index_cast %parallel_loop3A_106 : i32 to index
      %parallel_loop3A_183 = tpu.vector_load %arg7[%parallel_loop3A_181, %parallel_loop3A_182] {strides = array<i32>} : memref<16x2048xf32, #tpu.memory_space<vmem>>, vector<16xf32>,
      tpu.vector_store %arg7[%parallel_loop3A_181, %parallel_loop3A_182], %parallel_loop3A_179 {strides = array<i32>} : memref<16x2048xf32, #tpu.memory_space<vmem>>, vector<16xf32>,
      %parallel_loop3A_184 = arith.constant 9 : i32
      %parallel_loop3A_185 = vector.broadcast %parallel_loop3A_184 : i32 to vector<16xi32>
      %parallel_loop3A_186 = arith.addi %parallel_loop3A_111, %parallel_loop3A_185 : vector<16xi32>
      %parallel_loop3A_187 = tpu.vector_load_idx %arg5[%parallel_loop3A_186] : memref<15376xf32, #tpu.memory_space<vmem>>[vector<16xi32>], vector<16xf32>,
      %parallel_loop3A_188 = arith.constant 9 : i32
      %parallel_loop3A_189 = arith.index_cast %parallel_loop3A_188 : i32 to index
      %parallel_loop3A_190 = arith.index_cast %parallel_loop3A_106 : i32 to index
      %parallel_loop3A_191 = tpu.vector_load %arg7[%parallel_loop3A_189, %parallel_loop3A_190] {strides = array<i32>} : memref<16x2048xf32, #tpu.memory_space<vmem>>, vector<16xf32>,
      tpu.vector_store %arg7[%parallel_loop3A_189, %parallel_loop3A_190], %parallel_loop3A_187 {strides = array<i32>} : memref<16x2048xf32, #tpu.memory_space<vmem>>, vector<16xf32>,
      %parallel_loop3A_192 = arith.constant 10 : i32
      %parallel_loop3A_193 = vector.broadcast %parallel_loop3A_192 : i32 to vector<16xi32>
      %parallel_loop3A_194 = arith.addi %parallel_loop3A_111, %parallel_loop3A_193 : vector<16xi32>
      %parallel_loop3A_195 = tpu.vector_load_idx %arg5[%parallel_loop3A_194] : memref<15376xf32, #tpu.memory_space<vmem>>[vector<16xi32>], vector<16xf32>,
      %parallel_loop3A_196 = arith.constant 10 : i32
      %parallel_loop3A_197 = arith.index_cast %parallel_loop3A_196 : i32 to index
      %parallel_loop3A_198 = arith.index_cast %parallel_loop3A_106 : i32 to index
      %parallel_loop3A_199 = tpu.vector_load %arg7[%parallel_loop3A_197, %parallel_loop3A_198] {strides = array<i32>} : memref<16x2048xf32, #tpu.memory_space<vmem>>, vector<16xf32>,
      tpu.vector_store %arg7[%parallel_loop3A_197, %parallel_loop3A_198], %parallel_loop3A_195 {strides = array<i32>} : memref<16x2048xf32, #tpu.memory_space<vmem>>, vector<16xf32>,
      %parallel_loop3A_200 = arith.constant 11 : i32
      %parallel_loop3A_201 = vector.broadcast %parallel_loop3A_200 : i32 to vector<16xi32>
      %parallel_loop3A_202 = arith.addi %parallel_loop3A_111, %parallel_loop3A_201 : vector<16xi32>
      %parallel_loop3A_203 = tpu.vector_load_idx %arg5[%parallel_loop3A_202] : memref<15376xf32, #tpu.memory_space<vmem>>[vector<16xi32>], vector<16xf32>,
      %parallel_loop3A_204 = arith.constant 11 : i32
      %parallel_loop3A_205 = arith.index_cast %parallel_loop3A_204 : i32 to index
      %parallel_loop3A_206 = arith.index_cast %parallel_loop3A_106 : i32 to index
      %parallel_loop3A_207 = tpu.vector_load %arg7[%parallel_loop3A_205, %parallel_loop3A_206] {strides = array<i32>} : memref<16x2048xf32, #tpu.memory_space<vmem>>, vector<16xf32>,
      tpu.vector_store %arg7[%parallel_loop3A_205, %parallel_loop3A_206], %parallel_loop3A_203 {strides = array<i32>} : memref<16x2048xf32, #tpu.memory_space<vmem>>, vector<16xf32>,
      %parallel_loop3A_208 = arith.constant 12 : i32
      %parallel_loop3A_209 = vector.broadcast %parallel_loop3A_208 : i32 to vector<16xi32>
      %parallel_loop3A_210 = arith.addi %parallel_loop3A_111, %parallel_loop3A_209 : vector<16xi32>
      %parallel_loop3A_211 = tpu.vector_load_idx %arg5[%parallel_loop3A_210] : memref<15376xf32, #tpu.memory_space<vmem>>[vector<16xi32>], vector<16xf32>,
      %parallel_loop3A_212 = arith.constant 12 : i32
      %parallel_loop3A_213 = arith.index_cast %parallel_loop3A_212 : i32 to index
      %parallel_loop3A_214 = arith.index_cast %parallel_loop3A_106 : i32 to index
      %parallel_loop3A_215 = tpu.vector_load %arg7[%parallel_loop3A_213, %parallel_loop3A_214] {strides = array<i32>} : memref<16x2048xf32, #tpu.memory_space<vmem>>, vector<16xf32>,
      tpu.vector_store %arg7[%parallel_loop3A_213, %parallel_loop3A_214], %parallel_loop3A_211 {strides = array<i32>} : memref<16x2048xf32, #tpu.memory_space<vmem>>, vector<16xf32>,
      %parallel_loop3A_216 = arith.constant 13 : i32
      %parallel_loop3A_217 = vector.broadcast %parallel_loop3A_216 : i32 to vector<16xi32>
      %parallel_loop3A_218 = arith.addi %parallel_loop3A_111, %parallel_loop3A_217 : vector<16xi32>
      %parallel_loop3A_219 = tpu.vector_load_idx %arg5[%parallel_loop3A_218] : memref<15376xf32, #tpu.memory_space<vmem>>[vector<16xi32>], vector<16xf32>,
      %parallel_loop3A_220 = arith.constant 13 : i32
      %parallel_loop3A_221 = arith.index_cast %parallel_loop3A_220 : i32 to index
      %parallel_loop3A_222 = arith.index_cast %parallel_loop3A_106 : i32 to index
      %parallel_loop3A_223 = tpu.vector_load %arg7[%parallel_loop3A_221, %parallel_loop3A_222] {strides = array<i32>} : memref<16x2048xf32, #tpu.memory_space<vmem>>, vector<16xf32>,
      tpu.vector_store %arg7[%parallel_loop3A_221, %parallel_loop3A_222], %parallel_loop3A_219 {strides = array<i32>} : memref<16x2048xf32, #tpu.memory_space<vmem>>, vector<16xf32>,
      %parallel_loop3A_224 = arith.constant 14 : i32
      %parallel_loop3A_225 = vector.broadcast %parallel_loop3A_224 : i32 to vector<16xi32>
      %parallel_loop3A_226 = arith.addi %parallel_loop3A_111, %parallel_loop3A_225 : vector<16xi32>
      %parallel_loop3A_227 = tpu.vector_load_idx %arg5[%parallel_loop3A_226] : memref<15376xf32, #tpu.memory_space<vmem>>[vector<16xi32>], vector<16xf32>,
      %parallel_loop3A_228 = arith.constant 14 : i32
      %parallel_loop3A_229 = arith.index_cast %parallel_loop3A_228 : i32 to index
      %parallel_loop3A_230 = arith.index_cast %parallel_loop3A_106 : i32 to index
      %parallel_loop3A_231 = tpu.vector_load %arg7[%parallel_loop3A_229, %parallel_loop3A_230] {strides = array<i32>} : memref<16x2048xf32, #tpu.memory_space<vmem>>, vector<16xf32>,
      tpu.vector_store %arg7[%parallel_loop3A_229, %parallel_loop3A_230], %parallel_loop3A_227 {strides = array<i32>} : memref<16x2048xf32, #tpu.memory_space<vmem>>, vector<16xf32>,
      %parallel_loop3A_232 = arith.constant 15 : i32
      %parallel_loop3A_233 = vector.broadcast %parallel_loop3A_232 : i32 to vector<16xi32>
      %parallel_loop3A_234 = arith.addi %parallel_loop3A_111, %parallel_loop3A_233 : vector<16xi32>
      %parallel_loop3A_235 = tpu.vector_load_idx %arg5[%parallel_loop3A_234] : memref<15376xf32, #tpu.memory_space<vmem>>[vector<16xi32>], vector<16xf32>,
      %parallel_loop3A_236 = arith.constant 15 : i32
      %parallel_loop3A_237 = arith.index_cast %parallel_loop3A_236 : i32 to index
      %parallel_loop3A_238 = arith.index_cast %parallel_loop3A_106 : i32 to index
      %parallel_loop3A_239 = tpu.vector_load %arg7[%parallel_loop3A_237, %parallel_loop3A_238] {strides = array<i32>} : memref<16x2048xf32, #tpu.memory_space<vmem>>, vector<16xf32>,
      tpu.vector_store %arg7[%parallel_loop3A_237, %parallel_loop3A_238], %parallel_loop3A_235 {strides = array<i32>} : memref<16x2048xf32, #tpu.memory_space<vmem>>, vector<16xf32>,
    } {sc.loop_unroll_factor = 2 : i64, sc.parallel_access}
    %add3A_37 = arith.constant 1024 : i32
    %add3A_38 = arith.addi %mul3A_2, %add3A_37 : i32
    %dma_start3A_39 = arith.constant 0 : i32
    %dma_start3A_40 = arith.constant 1024 : i32
    %dma_start3A_41 = tpu.memref_slice %arg7[%dma_start3A_39, %dma_start3A_40] : memref<16x2048xf32, #tpu.memory_space<vmem>> -> memref<16x512xf32, #tpu.memory_space<vmem>>
    %dma_start3A_42 = arith.constant 0 : i32
    %dma_start3A_43 = tpu.memref_slice %arg4[%dma_start3A_42, %add3A_38] : memref<16x65536xf32, #tpu.memory_space<hbm>> -> memref<16x512xf32, #tpu.memory_space<hbm>>
    %dma_start3A_44 = arith.constant 0 : i32
    %dma_start3A_45 = tpu.memref_slice %arg4[%dma_start3A_44, %add3A_38] : memref<16x65536xf32, #tpu.memory_space<hbm>> -> memref<16x512xf32, #tpu.memory_space<hbm>>
    %dma_start3A_46 = arith.constant 0 : i32
    %dma_start3A_47 = arith.constant 1024 : i32
    %dma_start3A_48 = tpu.memref_slice %arg7[%dma_start3A_46, %dma_start3A_47] : memref<16x2048xf32, #tpu.memory_space<vmem>> -> memref<16x512xf32, #tpu.memory_space<vmem>>
    tpu.enqueue_dma source(%dma_start3A_48 : memref<16x512xf32, #tpu.memory_space<vmem>>) target(%dma_start3A_45 : memref<16x512xf32, #tpu.memory_space<hbm>>) target_semaphore(%arg10 : memref<!tpu.dma_semaphore, #tpu.memory_space<semaphore_mem>>)
    %parallel_loop3A_49 = arith.constant 96 : i32
    %parallel_loop3A_50 = arith.constant 128 : i32
    %parallel_loop3A_51 = arith.constant 1 : i32
    scf.for %parallel_loop3A_104 = %parallel_loop3A_49 to %parallel_loop3A_50 step %parallel_loop3A_51  : i32 {
      %parallel_loop3A_105 = arith.constant 16 : i32
      %parallel_loop3A_106 = arith.muli %parallel_loop3A_104, %parallel_loop3A_105 : i32
      %parallel_loop3A_107 = arith.index_cast %parallel_loop3A_106 : i32 to index
      %parallel_loop3A_108 = tpu.vector_load %arg6[%parallel_loop3A_107] {strides = array<i32>} : memref<2048xi32, #tpu.memory_space<vmem>>, vector<16xi32>,
      %parallel_loop3A_109 = arith.constant 16 : i32
      %parallel_loop3A_110 = vector.broadcast %parallel_loop3A_109 : i32 to vector<16xi32>
      %parallel_loop3A_111 = arith.muli %parallel_loop3A_108, %parallel_loop3A_110 : vector<16xi32>
      %parallel_loop3A_112 = arith.constant 0 : i32
      %parallel_loop3A_113 = vector.broadcast %parallel_loop3A_112 : i32 to vector<16xi32>
      %parallel_loop3A_114 = arith.addi %parallel_loop3A_111, %parallel_loop3A_113 : vector<16xi32>
      %parallel_loop3A_115 = tpu.vector_load_idx %arg5[%parallel_loop3A_114] : memref<15376xf32, #tpu.memory_space<vmem>>[vector<16xi32>], vector<16xf32>,
      %parallel_loop3A_116 = arith.constant 0 : i32
      %parallel_loop3A_117 = arith.index_cast %parallel_loop3A_116 : i32 to index
      %parallel_loop3A_118 = arith.index_cast %parallel_loop3A_106 : i32 to index
      %parallel_loop3A_119 = tpu.vector_load %arg7[%parallel_loop3A_117, %parallel_loop3A_118] {strides = array<i32>} : memref<16x2048xf32, #tpu.memory_space<vmem>>, vector<16xf32>,
      tpu.vector_store %arg7[%parallel_loop3A_117, %parallel_loop3A_118], %parallel_loop3A_115 {strides = array<i32>} : memref<16x2048xf32, #tpu.memory_space<vmem>>, vector<16xf32>,
      %parallel_loop3A_120 = arith.constant 1 : i32
      %parallel_loop3A_121 = vector.broadcast %parallel_loop3A_120 : i32 to vector<16xi32>
      %parallel_loop3A_122 = arith.addi %parallel_loop3A_111, %parallel_loop3A_121 : vector<16xi32>
      %parallel_loop3A_123 = tpu.vector_load_idx %arg5[%parallel_loop3A_122] : memref<15376xf32, #tpu.memory_space<vmem>>[vector<16xi32>], vector<16xf32>,
      %parallel_loop3A_124 = arith.constant 1 : i32
      %parallel_loop3A_125 = arith.index_cast %parallel_loop3A_124 : i32 to index
      %parallel_loop3A_126 = arith.index_cast %parallel_loop3A_106 : i32 to index
      %parallel_loop3A_127 = tpu.vector_load %arg7[%parallel_loop3A_125, %parallel_loop3A_126] {strides = array<i32>} : memref<16x2048xf32, #tpu.memory_space<vmem>>, vector<16xf32>,
      tpu.vector_store %arg7[%parallel_loop3A_125, %parallel_loop3A_126], %parallel_loop3A_123 {strides = array<i32>} : memref<16x2048xf32, #tpu.memory_space<vmem>>, vector<16xf32>,
      %parallel_loop3A_128 = arith.constant 2 : i32
      %parallel_loop3A_129 = vector.broadcast %parallel_loop3A_128 : i32 to vector<16xi32>
      %parallel_loop3A_130 = arith.addi %parallel_loop3A_111, %parallel_loop3A_129 : vector<16xi32>
      %parallel_loop3A_131 = tpu.vector_load_idx %arg5[%parallel_loop3A_130] : memref<15376xf32, #tpu.memory_space<vmem>>[vector<16xi32>], vector<16xf32>,
      %parallel_loop3A_132 = arith.constant 2 : i32
      %parallel_loop3A_133 = arith.index_cast %parallel_loop3A_132 : i32 to index
      %parallel_loop3A_134 = arith.index_cast %parallel_loop3A_106 : i32 to index
      %parallel_loop3A_135 = tpu.vector_load %arg7[%parallel_loop3A_133, %parallel_loop3A_134] {strides = array<i32>} : memref<16x2048xf32, #tpu.memory_space<vmem>>, vector<16xf32>,
      tpu.vector_store %arg7[%parallel_loop3A_133, %parallel_loop3A_134], %parallel_loop3A_131 {strides = array<i32>} : memref<16x2048xf32, #tpu.memory_space<vmem>>, vector<16xf32>,
      %parallel_loop3A_136 = arith.constant 3 : i32
      %parallel_loop3A_137 = vector.broadcast %parallel_loop3A_136 : i32 to vector<16xi32>
      %parallel_loop3A_138 = arith.addi %parallel_loop3A_111, %parallel_loop3A_137 : vector<16xi32>
      %parallel_loop3A_139 = tpu.vector_load_idx %arg5[%parallel_loop3A_138] : memref<15376xf32, #tpu.memory_space<vmem>>[vector<16xi32>], vector<16xf32>,
      %parallel_loop3A_140 = arith.constant 3 : i32
      %parallel_loop3A_141 = arith.index_cast %parallel_loop3A_140 : i32 to index
      %parallel_loop3A_142 = arith.index_cast %parallel_loop3A_106 : i32 to index
      %parallel_loop3A_143 = tpu.vector_load %arg7[%parallel_loop3A_141, %parallel_loop3A_142] {strides = array<i32>} : memref<16x2048xf32, #tpu.memory_space<vmem>>, vector<16xf32>,
      tpu.vector_store %arg7[%parallel_loop3A_141, %parallel_loop3A_142], %parallel_loop3A_139 {strides = array<i32>} : memref<16x2048xf32, #tpu.memory_space<vmem>>, vector<16xf32>,
      %parallel_loop3A_144 = arith.constant 4 : i32
      %parallel_loop3A_145 = vector.broadcast %parallel_loop3A_144 : i32 to vector<16xi32>
      %parallel_loop3A_146 = arith.addi %parallel_loop3A_111, %parallel_loop3A_145 : vector<16xi32>
      %parallel_loop3A_147 = tpu.vector_load_idx %arg5[%parallel_loop3A_146] : memref<15376xf32, #tpu.memory_space<vmem>>[vector<16xi32>], vector<16xf32>,
      %parallel_loop3A_148 = arith.constant 4 : i32
      %parallel_loop3A_149 = arith.index_cast %parallel_loop3A_148 : i32 to index
      %parallel_loop3A_150 = arith.index_cast %parallel_loop3A_106 : i32 to index
      %parallel_loop3A_151 = tpu.vector_load %arg7[%parallel_loop3A_149, %parallel_loop3A_150] {strides = array<i32>} : memref<16x2048xf32, #tpu.memory_space<vmem>>, vector<16xf32>,
      tpu.vector_store %arg7[%parallel_loop3A_149, %parallel_loop3A_150], %parallel_loop3A_147 {strides = array<i32>} : memref<16x2048xf32, #tpu.memory_space<vmem>>, vector<16xf32>,
      %parallel_loop3A_152 = arith.constant 5 : i32
      %parallel_loop3A_153 = vector.broadcast %parallel_loop3A_152 : i32 to vector<16xi32>
      %parallel_loop3A_154 = arith.addi %parallel_loop3A_111, %parallel_loop3A_153 : vector<16xi32>
      %parallel_loop3A_155 = tpu.vector_load_idx %arg5[%parallel_loop3A_154] : memref<15376xf32, #tpu.memory_space<vmem>>[vector<16xi32>], vector<16xf32>,
      %parallel_loop3A_156 = arith.constant 5 : i32
      %parallel_loop3A_157 = arith.index_cast %parallel_loop3A_156 : i32 to index
      %parallel_loop3A_158 = arith.index_cast %parallel_loop3A_106 : i32 to index
      %parallel_loop3A_159 = tpu.vector_load %arg7[%parallel_loop3A_157, %parallel_loop3A_158] {strides = array<i32>} : memref<16x2048xf32, #tpu.memory_space<vmem>>, vector<16xf32>,
      tpu.vector_store %arg7[%parallel_loop3A_157, %parallel_loop3A_158], %parallel_loop3A_155 {strides = array<i32>} : memref<16x2048xf32, #tpu.memory_space<vmem>>, vector<16xf32>,
      %parallel_loop3A_160 = arith.constant 6 : i32
      %parallel_loop3A_161 = vector.broadcast %parallel_loop3A_160 : i32 to vector<16xi32>
      %parallel_loop3A_162 = arith.addi %parallel_loop3A_111, %parallel_loop3A_161 : vector<16xi32>
      %parallel_loop3A_163 = tpu.vector_load_idx %arg5[%parallel_loop3A_162] : memref<15376xf32, #tpu.memory_space<vmem>>[vector<16xi32>], vector<16xf32>,
      %parallel_loop3A_164 = arith.constant 6 : i32
      %parallel_loop3A_165 = arith.index_cast %parallel_loop3A_164 : i32 to index
      %parallel_loop3A_166 = arith.index_cast %parallel_loop3A_106 : i32 to index
      %parallel_loop3A_167 = tpu.vector_load %arg7[%parallel_loop3A_165, %parallel_loop3A_166] {strides = array<i32>} : memref<16x2048xf32, #tpu.memory_space<vmem>>, vector<16xf32>,
      tpu.vector_store %arg7[%parallel_loop3A_165, %parallel_loop3A_166], %parallel_loop3A_163 {strides = array<i32>} : memref<16x2048xf32, #tpu.memory_space<vmem>>, vector<16xf32>,
      %parallel_loop3A_168 = arith.constant 7 : i32
      %parallel_loop3A_169 = vector.broadcast %parallel_loop3A_168 : i32 to vector<16xi32>
      %parallel_loop3A_170 = arith.addi %parallel_loop3A_111, %parallel_loop3A_169 : vector<16xi32>
      %parallel_loop3A_171 = tpu.vector_load_idx %arg5[%parallel_loop3A_170] : memref<15376xf32, #tpu.memory_space<vmem>>[vector<16xi32>], vector<16xf32>,
      %parallel_loop3A_172 = arith.constant 7 : i32
      %parallel_loop3A_173 = arith.index_cast %parallel_loop3A_172 : i32 to index
      %parallel_loop3A_174 = arith.index_cast %parallel_loop3A_106 : i32 to index
      %parallel_loop3A_175 = tpu.vector_load %arg7[%parallel_loop3A_173, %parallel_loop3A_174] {strides = array<i32>} : memref<16x2048xf32, #tpu.memory_space<vmem>>, vector<16xf32>,
      tpu.vector_store %arg7[%parallel_loop3A_173, %parallel_loop3A_174], %parallel_loop3A_171 {strides = array<i32>} : memref<16x2048xf32, #tpu.memory_space<vmem>>, vector<16xf32>,
      %parallel_loop3A_176 = arith.constant 8 : i32
      %parallel_loop3A_177 = vector.broadcast %parallel_loop3A_176 : i32 to vector<16xi32>
      %parallel_loop3A_178 = arith.addi %parallel_loop3A_111, %parallel_loop3A_177 : vector<16xi32>
      %parallel_loop3A_179 = tpu.vector_load_idx %arg5[%parallel_loop3A_178] : memref<15376xf32, #tpu.memory_space<vmem>>[vector<16xi32>], vector<16xf32>,
      %parallel_loop3A_180 = arith.constant 8 : i32
      %parallel_loop3A_181 = arith.index_cast %parallel_loop3A_180 : i32 to index
      %parallel_loop3A_182 = arith.index_cast %parallel_loop3A_106 : i32 to index
      %parallel_loop3A_183 = tpu.vector_load %arg7[%parallel_loop3A_181, %parallel_loop3A_182] {strides = array<i32>} : memref<16x2048xf32, #tpu.memory_space<vmem>>, vector<16xf32>,
      tpu.vector_store %arg7[%parallel_loop3A_181, %parallel_loop3A_182], %parallel_loop3A_179 {strides = array<i32>} : memref<16x2048xf32, #tpu.memory_space<vmem>>, vector<16xf32>,
      %parallel_loop3A_184 = arith.constant 9 : i32
      %parallel_loop3A_185 = vector.broadcast %parallel_loop3A_184 : i32 to vector<16xi32>
      %parallel_loop3A_186 = arith.addi %parallel_loop3A_111, %parallel_loop3A_185 : vector<16xi32>
      %parallel_loop3A_187 = tpu.vector_load_idx %arg5[%parallel_loop3A_186] : memref<15376xf32, #tpu.memory_space<vmem>>[vector<16xi32>], vector<16xf32>,
      %parallel_loop3A_188 = arith.constant 9 : i32
      %parallel_loop3A_189 = arith.index_cast %parallel_loop3A_188 : i32 to index
      %parallel_loop3A_190 = arith.index_cast %parallel_loop3A_106 : i32 to index
      %parallel_loop3A_191 = tpu.vector_load %arg7[%parallel_loop3A_189, %parallel_loop3A_190] {strides = array<i32>} : memref<16x2048xf32, #tpu.memory_space<vmem>>, vector<16xf32>,
      tpu.vector_store %arg7[%parallel_loop3A_189, %parallel_loop3A_190], %parallel_loop3A_187 {strides = array<i32>} : memref<16x2048xf32, #tpu.memory_space<vmem>>, vector<16xf32>,
      %parallel_loop3A_192 = arith.constant 10 : i32
      %parallel_loop3A_193 = vector.broadcast %parallel_loop3A_192 : i32 to vector<16xi32>
      %parallel_loop3A_194 = arith.addi %parallel_loop3A_111, %parallel_loop3A_193 : vector<16xi32>
      %parallel_loop3A_195 = tpu.vector_load_idx %arg5[%parallel_loop3A_194] : memref<15376xf32, #tpu.memory_space<vmem>>[vector<16xi32>], vector<16xf32>,
      %parallel_loop3A_196 = arith.constant 10 : i32
      %parallel_loop3A_197 = arith.index_cast %parallel_loop3A_196 : i32 to index
      %parallel_loop3A_198 = arith.index_cast %parallel_loop3A_106 : i32 to index
      %parallel_loop3A_199 = tpu.vector_load %arg7[%parallel_loop3A_197, %parallel_loop3A_198] {strides = array<i32>} : memref<16x2048xf32, #tpu.memory_space<vmem>>, vector<16xf32>,
      tpu.vector_store %arg7[%parallel_loop3A_197, %parallel_loop3A_198], %parallel_loop3A_195 {strides = array<i32>} : memref<16x2048xf32, #tpu.memory_space<vmem>>, vector<16xf32>,
      %parallel_loop3A_200 = arith.constant 11 : i32
      %parallel_loop3A_201 = vector.broadcast %parallel_loop3A_200 : i32 to vector<16xi32>
      %parallel_loop3A_202 = arith.addi %parallel_loop3A_111, %parallel_loop3A_201 : vector<16xi32>
      %parallel_loop3A_203 = tpu.vector_load_idx %arg5[%parallel_loop3A_202] : memref<15376xf32, #tpu.memory_space<vmem>>[vector<16xi32>], vector<16xf32>,
      %parallel_loop3A_204 = arith.constant 11 : i32
      %parallel_loop3A_205 = arith.index_cast %parallel_loop3A_204 : i32 to index
      %parallel_loop3A_206 = arith.index_cast %parallel_loop3A_106 : i32 to index
      %parallel_loop3A_207 = tpu.vector_load %arg7[%parallel_loop3A_205, %parallel_loop3A_206] {strides = array<i32>} : memref<16x2048xf32, #tpu.memory_space<vmem>>, vector<16xf32>,
      tpu.vector_store %arg7[%parallel_loop3A_205, %parallel_loop3A_206], %parallel_loop3A_203 {strides = array<i32>} : memref<16x2048xf32, #tpu.memory_space<vmem>>, vector<16xf32>,
      %parallel_loop3A_208 = arith.constant 12 : i32
      %parallel_loop3A_209 = vector.broadcast %parallel_loop3A_208 : i32 to vector<16xi32>
      %parallel_loop3A_210 = arith.addi %parallel_loop3A_111, %parallel_loop3A_209 : vector<16xi32>
      %parallel_loop3A_211 = tpu.vector_load_idx %arg5[%parallel_loop3A_210] : memref<15376xf32, #tpu.memory_space<vmem>>[vector<16xi32>], vector<16xf32>,
      %parallel_loop3A_212 = arith.constant 12 : i32
      %parallel_loop3A_213 = arith.index_cast %parallel_loop3A_212 : i32 to index
      %parallel_loop3A_214 = arith.index_cast %parallel_loop3A_106 : i32 to index
      %parallel_loop3A_215 = tpu.vector_load %arg7[%parallel_loop3A_213, %parallel_loop3A_214] {strides = array<i32>} : memref<16x2048xf32, #tpu.memory_space<vmem>>, vector<16xf32>,
      tpu.vector_store %arg7[%parallel_loop3A_213, %parallel_loop3A_214], %parallel_loop3A_211 {strides = array<i32>} : memref<16x2048xf32, #tpu.memory_space<vmem>>, vector<16xf32>,
      %parallel_loop3A_216 = arith.constant 13 : i32
      %parallel_loop3A_217 = vector.broadcast %parallel_loop3A_216 : i32 to vector<16xi32>
      %parallel_loop3A_218 = arith.addi %parallel_loop3A_111, %parallel_loop3A_217 : vector<16xi32>
      %parallel_loop3A_219 = tpu.vector_load_idx %arg5[%parallel_loop3A_218] : memref<15376xf32, #tpu.memory_space<vmem>>[vector<16xi32>], vector<16xf32>,
      %parallel_loop3A_220 = arith.constant 13 : i32
      %parallel_loop3A_221 = arith.index_cast %parallel_loop3A_220 : i32 to index
      %parallel_loop3A_222 = arith.index_cast %parallel_loop3A_106 : i32 to index
      %parallel_loop3A_223 = tpu.vector_load %arg7[%parallel_loop3A_221, %parallel_loop3A_222] {strides = array<i32>} : memref<16x2048xf32, #tpu.memory_space<vmem>>, vector<16xf32>,
      tpu.vector_store %arg7[%parallel_loop3A_221, %parallel_loop3A_222], %parallel_loop3A_219 {strides = array<i32>} : memref<16x2048xf32, #tpu.memory_space<vmem>>, vector<16xf32>,
      %parallel_loop3A_224 = arith.constant 14 : i32
      %parallel_loop3A_225 = vector.broadcast %parallel_loop3A_224 : i32 to vector<16xi32>
      %parallel_loop3A_226 = arith.addi %parallel_loop3A_111, %parallel_loop3A_225 : vector<16xi32>
      %parallel_loop3A_227 = tpu.vector_load_idx %arg5[%parallel_loop3A_226] : memref<15376xf32, #tpu.memory_space<vmem>>[vector<16xi32>], vector<16xf32>,
      %parallel_loop3A_228 = arith.constant 14 : i32
      %parallel_loop3A_229 = arith.index_cast %parallel_loop3A_228 : i32 to index
      %parallel_loop3A_230 = arith.index_cast %parallel_loop3A_106 : i32 to index
      %parallel_loop3A_231 = tpu.vector_load %arg7[%parallel_loop3A_229, %parallel_loop3A_230] {strides = array<i32>} : memref<16x2048xf32, #tpu.memory_space<vmem>>, vector<16xf32>,
      tpu.vector_store %arg7[%parallel_loop3A_229, %parallel_loop3A_230], %parallel_loop3A_227 {strides = array<i32>} : memref<16x2048xf32, #tpu.memory_space<vmem>>, vector<16xf32>,
      %parallel_loop3A_232 = arith.constant 15 : i32
      %parallel_loop3A_233 = vector.broadcast %parallel_loop3A_232 : i32 to vector<16xi32>
      %parallel_loop3A_234 = arith.addi %parallel_loop3A_111, %parallel_loop3A_233 : vector<16xi32>
      %parallel_loop3A_235 = tpu.vector_load_idx %arg5[%parallel_loop3A_234] : memref<15376xf32, #tpu.memory_space<vmem>>[vector<16xi32>], vector<16xf32>,
      %parallel_loop3A_236 = arith.constant 15 : i32
      %parallel_loop3A_237 = arith.index_cast %parallel_loop3A_236 : i32 to index
      %parallel_loop3A_238 = arith.index_cast %parallel_loop3A_106 : i32 to index
      %parallel_loop3A_239 = tpu.vector_load %arg7[%parallel_loop3A_237, %parallel_loop3A_238] {strides = array<i32>} : memref<16x2048xf32, #tpu.memory_space<vmem>>, vector<16xf32>,
      tpu.vector_store %arg7[%parallel_loop3A_237, %parallel_loop3A_238], %parallel_loop3A_235 {strides = array<i32>} : memref<16x2048xf32, #tpu.memory_space<vmem>>, vector<16xf32>,
    } {sc.loop_unroll_factor = 2 : i64, sc.parallel_access}
    %add3A_52 = arith.constant 1536 : i32
    %add3A_53 = arith.addi %mul3A_2, %add3A_52 : i32
    %dma_start3A_54 = arith.constant 0 : i32
    %dma_start3A_55 = arith.constant 1536 : i32
    %dma_start3A_56 = tpu.memref_slice %arg7[%dma_start3A_54, %dma_start3A_55] : memref<16x2048xf32, #tpu.memory_space<vmem>> -> memref<16x512xf32, #tpu.memory_space<vmem>>
    %dma_start3A_57 = arith.constant 0 : i32
    %dma_start3A_58 = tpu.memref_slice %arg4[%dma_start3A_57, %add3A_53] : memref<16x65536xf32, #tpu.memory_space<hbm>> -> memref<16x512xf32, #tpu.memory_space<hbm>>
    %dma_start3A_59 = arith.constant 0 : i32
    %dma_start3A_60 = tpu.memref_slice %arg4[%dma_start3A_59, %add3A_53] : memref<16x65536xf32, #tpu.memory_space<hbm>> -> memref<16x512xf32, #tpu.memory_space<hbm>>
    %dma_start3A_61 = arith.constant 0 : i32
    %dma_start3A_62 = arith.constant 1536 : i32
    %dma_start3A_63 = tpu.memref_slice %arg7[%dma_start3A_61, %dma_start3A_62] : memref<16x2048xf32, #tpu.memory_space<vmem>> -> memref<16x512xf32, #tpu.memory_space<vmem>>
    tpu.enqueue_dma source(%dma_start3A_63 : memref<16x512xf32, #tpu.memory_space<vmem>>) target(%dma_start3A_60 : memref<16x512xf32, #tpu.memory_space<hbm>>) target_semaphore(%arg10 : memref<!tpu.dma_semaphore, #tpu.memory_space<semaphore_mem>>)
    %dma_wait3A_64 = arith.constant 0 : i32
    %dma_wait3A_65 = arith.constant 0 : i32
    %dma_wait3A_66 = tpu.memref_slice %arg7[%dma_wait3A_64, %dma_wait3A_65] : memref<16x2048xf32, #tpu.memory_space<vmem>> -> memref<16x512xf32, #tpu.memory_space<vmem>>
    %dma_wait3A_67 = arith.constant 0 : i32
    %dma_wait3A_68 = tpu.memref_slice %arg4[%dma_wait3A_67, %add3A_8] : memref<16x65536xf32, #tpu.memory_space<hbm>> -> memref<16x512xf32, #tpu.memory_space<hbm>>
    %dma_wait3A_69 = arith.constant 0 : i32
    %dma_wait3A_70 = tpu.memref_slice %arg4[%dma_wait3A_69, %add3A_8] : memref<16x65536xf32, #tpu.memory_space<hbm>> -> memref<16x512xf32, #tpu.memory_space<hbm>>
    %dma_wait3A_71 = arith.constant 0 : i32
    %dma_wait3A_72 = arith.constant 0 : i32
    %dma_wait3A_73 = tpu.memref_slice %arg7[%dma_wait3A_71, %dma_wait3A_72] : memref<16x2048xf32, #tpu.memory_space<vmem>> -> memref<16x512xf32, #tpu.memory_space<vmem>>
    tpu.wait_dma2 semaphore(%arg10 : memref<!tpu.dma_semaphore, #tpu.memory_space<semaphore_mem>>) src(%dma_wait3A_73 : memref<16x512xf32, #tpu.memory_space<vmem>>) dst(%dma_wait3A_70 : memref<16x512xf32, #tpu.memory_space<hbm>>)
    %dma_wait3A_74 = arith.constant 0 : i32
    %dma_wait3A_75 = arith.constant 512 : i32
    %dma_wait3A_76 = tpu.memref_slice %arg7[%dma_wait3A_74, %dma_wait3A_75] : memref<16x2048xf32, #tpu.memory_space<vmem>> -> memref<16x512xf32, #tpu.memory_space<vmem>>
    %dma_wait3A_77 = arith.constant 0 : i32
    %dma_wait3A_78 = tpu.memref_slice %arg4[%dma_wait3A_77, %add3A_23] : memref<16x65536xf32, #tpu.memory_space<hbm>> -> memref<16x512xf32, #tpu.memory_space<hbm>>
    %dma_wait3A_79 = arith.constant 0 : i32
    %dma_wait3A_80 = tpu.memref_slice %arg4[%dma_wait3A_79, %add3A_23] : memref<16x65536xf32, #tpu.memory_space<hbm>> -> memref<16x512xf32, #tpu.memory_space<hbm>>
    %dma_wait3A_81 = arith.constant 0 : i32
    %dma_wait3A_82 = arith.constant 512 : i32
    %dma_wait3A_83 = tpu.memref_slice %arg7[%dma_wait3A_81, %dma_wait3A_82] : memref<16x2048xf32, #tpu.memory_space<vmem>> -> memref<16x512xf32, #tpu.memory_space<vmem>>
    tpu.wait_dma2 semaphore(%arg10 : memref<!tpu.dma_semaphore, #tpu.memory_space<semaphore_mem>>) src(%dma_wait3A_83 : memref<16x512xf32, #tpu.memory_space<vmem>>) dst(%dma_wait3A_80 : memref<16x512xf32, #tpu.memory_space<hbm>>)
    %dma_wait3A_84 = arith.constant 0 : i32
    %dma_wait3A_85 = arith.constant 1024 : i32
    %dma_wait3A_86 = tpu.memref_slice %arg7[%dma_wait3A_84, %dma_wait3A_85] : memref<16x2048xf32, #tpu.memory_space<vmem>> -> memref<16x512xf32, #tpu.memory_space<vmem>>
    %dma_wait3A_87 = arith.constant 0 : i32
    %dma_wait3A_88 = tpu.memref_slice %arg4[%dma_wait3A_87, %add3A_38] : memref<16x65536xf32, #tpu.memory_space<hbm>> -> memref<16x512xf32, #tpu.memory_space<hbm>>
    %dma_wait3A_89 = arith.constant 0 : i32
    %dma_wait3A_90 = tpu.memref_slice %arg4[%dma_wait3A_89, %add3A_38] : memref<16x65536xf32, #tpu.memory_space<hbm>> -> memref<16x512xf32, #tpu.memory_space<hbm>>
    %dma_wait3A_91 = arith.constant 0 : i32
    %dma_wait3A_92 = arith.constant 1024 : i32
    %dma_wait3A_93 = tpu.memref_slice %arg7[%dma_wait3A_91, %dma_wait3A_92] : memref<16x2048xf32, #tpu.memory_space<vmem>> -> memref<16x512xf32, #tpu.memory_space<vmem>>
    tpu.wait_dma2 semaphore(%arg10 : memref<!tpu.dma_semaphore, #tpu.memory_space<semaphore_mem>>) src(%dma_wait3A_93 : memref<16x512xf32, #tpu.memory_space<vmem>>) dst(%dma_wait3A_90 : memref<16x512xf32, #tpu.memory_space<hbm>>)
    %dma_wait3A_94 = arith.constant 0 : i32
    %dma_wait3A_95 = arith.constant 1536 : i32
    %dma_wait3A_96 = tpu.memref_slice %arg7[%dma_wait3A_94, %dma_wait3A_95] : memref<16x2048xf32, #tpu.memory_space<vmem>> -> memref<16x512xf32, #tpu.memory_space<vmem>>
    %dma_wait3A_97 = arith.constant 0 : i32
    %dma_wait3A_98 = tpu.memref_slice %arg4[%dma_wait3A_97, %add3A_53] : memref<16x65536xf32, #tpu.memory_space<hbm>> -> memref<16x512xf32, #tpu.memory_space<hbm>>
    %dma_wait3A_99 = arith.constant 0 : i32
    %dma_wait3A_100 = tpu.memref_slice %arg4[%dma_wait3A_99, %add3A_53] : memref<16x65536xf32, #tpu.memory_space<hbm>> -> memref<16x512xf32, #tpu.memory_space<hbm>>
    %dma_wait3A_101 = arith.constant 0 : i32
    %dma_wait3A_102 = arith.constant 1536 : i32
    %dma_wait3A_103 = tpu.memref_slice %arg7[%dma_wait3A_101, %dma_wait3A_102] : memref<16x2048xf32, #tpu.memory_space<vmem>> -> memref<16x512xf32, #tpu.memory_space<vmem>>
    tpu.wait_dma2 semaphore(%arg10 : memref<!tpu.dma_semaphore, #tpu.memory_space<semaphore_mem>>) src(%dma_wait3A_103 : memref<16x512xf32, #tpu.memory_space<vmem>>) dst(%dma_wait3A_100 : memref<16x512xf32, #tpu.memory_space<hbm>>)
    return
  }
}

</mosaic_0001>

<sc_bundles>
// kernel: kernel.3.cloned.1.call-start
scs
__scs_entry_jumppad:
0x0: {  	(pc) =	sbr.rel $0x88, $3  }
0x1: {  	(tag) =	ssettag $0x0;
	lr =	simm.s32 $0x1  }
0x2: {  	[smem:$0x3F9F] =	sst lr;
	_ =	strace $0xD0000000  }
0x3: {  	_ = 	snop  }
0x4: {  	_ = 	snop  }
0x5: {  	_ = 	snop  }
0x6: {  	_ = 	snop  }
0x7: {  	_ = 	snop  }
__scs_overlays_trampoline_lowered:
0x8: {  	[smem:$0x3FAE] =	sst s0  }
0x9: {  	[smem:$0x3FAF] =	sst s1  }
0xa: {  	[smem:$0x3FB0] =	sst s2  }
0xb: {  	[smem:$0x3FB1] =	sst s3  }
0xc: {  	[smem:$0x3FB2] =	sst s4  }
0xd: {  	[smem:$0x3FB3] =	sst s5  }
0xe: {  	[smem:$0x3FB4] =	sst s6  }
0xf: {  	[smem:$0x3FB5] =	sst s7  }
0x10: {  	[smem:$0x3FB6] =	sst s8  }
0x11: {  	[smem:$0x3FB7] =	sst s9;
	s0 =	simm.s32 @!p0 $0x0  }
0x12: {  	s1 =	sld [smem:$0x3F9D];
	s0 =	simm.s32 @p0 $0x1  }
0x13: {  	[smem:$0x3FB8] =	sst s0;
	s0 =	simm.s32 @!p1 $0x0  }
0x14: {  	s2 =	sld [smem:$0x3F9C];
	s0 =	simm.s32 @p1 $0x1  }
0x15: {  	[smem:$0x3FB9] =	sst s0;
	s0 =	simm.s32 @!p2 $0x0  }
0x16: {  	s3 =	sld [smem:$0x3FDB];
	s0 =	simm.s32 @p2 $0x1  }
0x17: {  	s4 =	simm.s32 $0x1BF5;
	[smem:$0x3FBB] =	sst s0  }
0x18: {  	s0 =	sld [smem:$0x3F9E];
	_ =	swait.ge [sflag:s4], $0x0  }
0x19: {  	s7 =	sld [smem:$0x3F9F]  }
0x1a: {  	s8 =	sadd.s32 $0xFFFFE003, lr  }
0x1b: {  	s9 =	sadd.s32 $0xFFFFFEF7, lr;
	s5 =	simm.s32 $0xFFFFFFFF;
	p2 =	slt.u32 s8, $0xFFFFF086  }
0x1c: {  	p1 =	slt.u32 s9, $0xF7A;
	s5 =	simm.s32 @!p2 $0x0  }
0x1d: {  	s5 =	simm.s32 @p1 $0x1;
	p0 =	seq.s32 s7, s2  }
0x1e: {  	s7 =	smul.u32 @!p0 $0xF7A, s2;
	p2 =	seq.s32 @!p0 s5, $0x0  }
0x1f: {  	s9 =	smul.u32 $0xF7A, s1;
	s8 =	simm.s32 @!p0 $0x1BF5;
	p2 =	por !p2, p0  }
0x20: {  	[sflag:s8] =	ssyncset.s32 @!p0 $0xFFFFF086;
	s6 =	sadd.s32 @!p0 s3, s7;
	s7 =	simm.s32 @!p0 $0x108  }
0x21: {  	s3 =	sadd.s32 s3, s9;
	s6 =	sadd.s32 @!p0 $0x88, s6;
	s7 =	simm.s32 @p2 $0x1082  }
0x22: {  	[simem:s7], [sflag:s8] =	dma.local @!p0 [hbm:s6], $0xF7A  }
0x23: {  	s9 =	sor.u32 $0xD0000000, s2;
	s6 =	simm.s32 $0x108;
	_ =	swait.ge @!p0 [sflag:s8], $0x0  }
0x24: {  	s3 =	sadd.s32 $0x88, s3;
	s6 =	simm.s32 @!p1 $0x1082;
	[sflag:s4] =	ssyncset.s32 $0xFFFFF086  }
0x25: {  	[simem:s6], [sflag:s4] =	dma.local [hbm:s3], $0xF7A  }
0x26: {  	[smem:$0x3F9F] =	sst s1;
	(tag) =	ssettag s2;
	_ =	strace s9  }
0x27: {  	s1 =	sld [smem:$0x3FAF]  }
0x28: {  	s2 =	sld [smem:$0x3FB0]  }
0x29: {  	s4 =	sld [smem:$0x3FB2]  }
0x2a: {  	p0 =	seq.s32 s5, $0x0;
	s5 =	sld [smem:$0x3FB3]  }
0x2b: {  	s6 =	sld [smem:$0x3FB4]  }
0x2c: {  	s7 =	sld [smem:$0x3FB5]  }
0x2d: {  	s3 =	simm.s32 $0x108;
	s8 =	sld [smem:$0x3FB6]  }
0x2e: {  	s3 =	simm.s32 @!p0 $0x1082;
	s9 =	sld [smem:$0x3FB7]  }
0x2f: {  	lr =	sadd.s32 s0, s3;
	s0 =	sld [smem:$0x3FAE]  }
0x30: {  	s3 =	sld [smem:$0x3FB1]  }
0x31: {  	[smem:$0x3FBA] =	sst s10  }
0x32: {  	s10 =	sld [smem:$0x3FB8];
	_ =	sdelay $0x3  }
0x33: {  	p0 =	seq.s32 s10, $0x1;
	s10 =	sld [smem:$0x3FBA];
	_ =	sdelay $0x3  }
0x34: {  	[smem:$0x3FBA] =	sst s10  }
0x35: {  	s10 =	sld [smem:$0x3FB9];
	_ =	sdelay $0x3  }
0x36: {  	p1 =	seq.s32 s10, $0x1;
	s10 =	sld [smem:$0x3FBA];
	_ =	sdelay $0x3  }
0x37: {  	[smem:$0x3FBA] =	sst s10  }
0x38: {  	s10 =	sld [smem:$0x3FBB]  }
0x39: {  	_ = 	snop;
	(pc) =	sbr.ind lr, $3  }
0x3a: {  	_ = 	snop  }
0x3b: {  	_ = 	snop  }
0x3c: {  	p2 =	seq.s32 s10, $0x1;
	s10 =	sld [smem:$0x3FBA]  }
0x3d: {  	_ =	shalt  }
0x3e: {  	_ =	shalt  }
0x3f: {  	_ =	shalt  }
0x40: {  	_ =	shalt  }
0x41: {  	_ =	shalt  }
0x42: {  	_ =	shalt  }
0x43: {  	_ =	shalt  }
0x44: {  	_ =	shalt  }
0x45: {  	_ =	shalt  }
0x46: {  	_ =	shalt  }
0x47: {  	_ =	shalt  }
0x48: {  	_ =	shalt  }
0x49: {  	_ =	shalt  }
0x4a: {  	_ =	shalt  }
0x4b: {  	_ =	shalt  }
0x4c: {  	_ =	shalt  }
0x4d: {  	_ =	shalt  }
0x4e: {  	_ =	shalt  }
0x4f: {  	_ =	shalt  }
0x50: {  	_ =	shalt  }
0x51: {  	_ =	shalt  }
0x52: {  	_ =	shalt  }
0x53: {  	_ =	shalt  }
0x54: {  	_ =	shalt  }
0x55: {  	_ =	shalt  }
0x56: {  	_ =	shalt  }
0x57: {  	_ =	shalt  }
0x58: {  	_ =	shalt  }
0x59: {  	_ =	shalt  }
0x5a: {  	_ =	shalt  }
0x5b: {  	_ =	shalt  }
0x5c: {  	_ =	shalt  }
0x5d: {  	_ =	shalt  }
0x5e: {  	_ =	shalt  }
0x5f: {  	_ =	shalt  }
0x60: {  	_ =	shalt  }
0x61: {  	_ =	shalt  }
0x62: {  	_ =	shalt  }
0x63: {  	_ =	shalt  }
0x64: {  	_ =	shalt  }
0x65: {  	_ =	shalt  }
0x66: {  	_ =	shalt  }
0x67: {  	_ =	shalt  }
0x68: {  	_ =	shalt  }
0x69: {  	_ =	shalt  }
0x6a: {  	_ =	shalt  }
0x6b: {  	_ =	shalt  }
0x6c: {  	_ =	shalt  }
0x6d: {  	_ =	shalt  }
0x6e: {  	_ =	shalt  }
0x6f: {  	_ =	shalt  }
0x70: {  	_ =	shalt  }
0x71: {  	_ =	shalt  }
0x72: {  	_ =	shalt  }
0x73: {  	_ =	shalt  }
0x74: {  	_ =	shalt  }
0x75: {  	_ =	shalt  }
0x76: {  	_ =	shalt  }
0x77: {  	_ =	shalt  }
0x78: {  	_ =	shalt  }
0x79: {  	_ =	shalt  }
0x7a: {  	_ =	shalt  }
0x7b: {  	_ =	shalt  }
0x7c: {  	_ =	shalt  }
0x7d: {  	_ =	shalt  }
0x7e: {  	_ =	shalt  }
0x7f: {  	_ =	shalt  }
0x80: {  	_ =	shalt  }
0x81: {  	_ =	shalt  }
0x82: {  	_ =	shalt  }
0x83: {  	_ =	shalt  }
0x84: {  	_ =	shalt  }
0x85: {  	_ =	shalt  }
0x86: {  	_ =	shalt  }
0x87: {  	_ =	shalt  }
.Lfunc_end0:
.L_simem_size_0:
called_computation_lowered:
.L_overlay_start_0:
0x88: {  	s2 =	sld [smem:$0x3FD9]  }
0x89: {  	s3 =	sld [smem:$0x3FFE];
	_ =	sdelay $0x1  }
0x8a: {  	s1 =	srdreg.scid  }
0x8b: {  	s0 =	sand.u32 $0x1, s1  }
0x8c: {  	s17 =	sshll.u32 s0, $0xA;
	s2 =	sadd.s32 s3, s2  }
0x8d: {  	s2 =	sadd.s32 s2, s17  }
0x8e: {  	[smem:$0x3FC6] =	sst s2  }
0x8f: {  	_ = 	snop  }
0x90: {  	s2 =	sld [smem:$0x3FD0];
	(tm) =	ssettm $0x1  }
0x91: {  	s18 =	sld [smem:$0x3FFB];
	_ =	sdelay $0x3  }
0x92: {  	_ =	strace s18  }
0x93: {  	s3 =	sld [smem:$0x3FFC];
	_ =	sdelay $0x3  }
0x94: {  	_ =	strace s3  }
0x95: {  	s3 =	sld [smem:$0x3FFD];
	_ =	sdelay $0x3  }
0x96: {  	_ =	strace s3  }
0x97: {  	_ =	strace $0x8FFFFFFF  }
0x98: {  	s19 =	sld [smem:$0x3FDB];
	_ =	sdelay $0x1  }
0x99: {  	s4 =	simm.s32 $_scs_section_size  }
0x9a: {  	s5 =	simm.s32 $_size__tile_overlayer_lowered;
	s6 =	simm.s32 $_tile_overlayer_lowered  }
0x9b: {  	s22 =	simm.s32 $0x1BFF;
	s21 =	sshll.u32 s6, $0x1;
	s3 =	sadd.s32 s4, s19  }
0x9c: {  	s7 =	simm.s32 $0x0;
	s20 =	sshll.u32 s5, $0x1;
	s5 =	sadd.s32 s21, s3  }
0x9d: {  	[timem:s7], [sflag:s22] =	dma.local [hbm:s5], s20  }
0x9e: {  	_ =	swait.ge [sflag:s22], s20  }
0x9f: {  	s4 =	ssub.s32 $0x0, s20;
	[sflag:s22] =	ssyncset.done $0x0  }
0xa0: {  	[sflag:s22] =	ssyncadd.s32 s4;
	_ =	sdelay $0x1  }
0xa1: {  	s23 =	simm.s32 $0x1B8B  }
0xa2: {  	_ =	swait.ge [sflag:s23], $0x1  }
0xa3: {  	[sflag:s23] =	ssyncset.done $0x0  }
0xa4: {  	s25 =	simm.s32 $0x1B8E;
	s24 =	sld [smem:$0x3FFE];
	[sflag:s23] =	ssyncadd.s32 $0xFFFFFFFF  }
0xa5: {  	s26 =	simm.s32 $execute0_lowered;
	[smem:$0x3FD2] =	sst s25  }
0xa6: {  	s5 =	sshll.u32 s26, $0x1;
	_ =	strace $0x80000046;
	[dreg:$0x1] =	wrdreg $0xFFFFFFFF  }
0xa7: {  	s28 =	simm.s32 $_size_execute0_lowered;
	s3 =	sadd.s32 s3, s5;
	[dreg:$0x0] =	wrdreg $0x0  }
0xa8: {  	s5 =	sshll.u32 s28, $0x1;
	[dreg:$0x2] =	wrdreg s3  }
0xa9: {  	[dreg:$0x3] =	wrdreg s5  }
0xaa: {  	[dreg:$0x4] =	wrdreg $0xC0  }
0xab: {  	_ =	task [dreg:s7], $0x5FFFF  }
0xac: {  	[dreg:$0x1] =	wrdreg $0xFFFFFFFF  }
0xad: {  	[dreg:$0x0] =	wrdreg $0x60  }
0xae: {  	[dreg:$0x2] =	wrdreg s24  }
0xaf: {  	[dreg:$0x3] =	wrdreg s2  }
0xb0: {  	[dreg:$0x4] =	wrdreg $0x9  }
0xb1: {  	_ =	task.clear_ibuf [dreg:s7], $0x5FFFF;
	_ =	strace $0x90000046  }
0xb2: {  	s29 =	simm.s32 $0x9;
	_ =	strace $0x80000048  }
0xb3: {  	_ =	swait.ge [sflag:s29], $0x1  }
0xb4: {  	[sflag:s29] =	ssyncadd.s32 $0xFFFFFFFF  }
0xb5: {  	_ =	strace $0x90000048  }
0xb6: {  	_ =	sfence  }
0xb7: {  	s30 =	sld [smem:$0x0];
	_ =	sdelay $0x2  }
0xb8: {  	s31 =	sshll.u32 s1, $0xD;
	s1 =	sshrl.u32 s1, $0x2  }
0xb9: {  	s3 =	sand.u32 $0x4000, s31;
	s1 =	sadd.s32 s1, s30  }
0xba: {  	s0 =	sor.u32 s3, s0;
	s1 =	sshll.u32 s1, $0x11  }
0xbb: {  	s0 =	sor.u32 s1, s0  }
0xbc: {  	s0 =	sadd.s32 $0x8F2B, s0  }
0xbd: {  	[sflag:s0] =	ssyncadd.remote.s32 $0x1  }
0xbe: {  	_ =	sfence.sel $0xFFFF  }
0xbf: {  	[dreg:$0x0] =	wrdreg $0xFFFFFFFF;
	(pc) =	sbr.abs _section_cstart, $3  }
0xc0: {  	[dreg:$0x1] =	wrdreg $0xFFFFFFFF  }
0xc1: {  	_ =	task.clear_ibuf [dreg:s7], $0x2FFFF;
	_ =	strace $0x9FFFFFFF  }
0xc2: {  	(tm) =	ssettm $0x7FFFFFFF  }
0xc3: {  	_ =	shalt  }
tec
execute0_lowered:
.L_overlay_start_1:
0x0: {  	(tag) =	ssettag $0x1  }
0x1: {  	s0 =	rddreg [dreg:$0x0];
	s3 =	srdreg.scid  }
0x2: {  	s1 =	rddreg [dreg:$0x1];
	s4 =	stileid.u32;
	s3 =	sand.u32 $0x1, s3  }
0x3: {  	s2 =	simm.s32 $0x0;
	s4 =	sshll.u32 s4, $0xC;
	s5 =	sshll.u32 s3, $0xB  }
0x4: {  	[smem:$0x7FF] =	sst s2;
	s4 =	sor.u32 s5, s4  }
0x5: {  	s6 =	sadd.s32 $0x400, s0;
	s0 =	sadd.s32 s4, s0;
	s4 =	sshrl.u32 s4, $0x3  }
0x6: {  	_ =	strace $0x80000047;
	[dreg:$0x3] =	wrdreg s6;
	s1 =	sadd.s32 s1, s4  }
0x7: {  	s3 =	ssub.s32 $0x2, s3;
	s28 =	sadd.s32 $0xC00, s0;
	[dreg:$0x4] =	wrdreg s1  }
0x8: {  	s26 =	sshrl.u32 s3, $0x1;
	s29 =	sadd.s32 $0xE00, s0;
	[dreg:$0x5] =	wrdreg s28  }
0x9: {  	s3 =	ssub.s32 s3, s26;
	s30 =	sadd.s32 $0x1000, s0;
	[dreg:$0x6] =	wrdreg s29  }
0xa: {  	s20 =	simm.s32 $0x3;
	s31 =	smax.u32 s3, $0x1;
	[dreg:$0x7] =	wrdreg s30  }
0xb: {  	s21 =	simm.s32 $0x0;
	s8 =	sadd.s32 $0x1200, s0;
	[dreg:$0x8] =	wrdreg s31  }
.LBB2_1:
0xc: {  	s0 =	rddreg [dreg:$0x3]  }
0xd: {  	[tilespmem:s2], [sflag:$0x1] =	stream.linear.gather [hbm4b:s0+s2], $0x3C80, $0x38;
	[tilespmem:$0xC480] =	vst v63  }
0xe: {  	s6 =	simm.s32 $0x3C80;
	s1 =	rddreg [dreg:$0x4];
	s7 =	simm.s32 $0x1  }
0xf: {  	[tilespmem:s6], [sflag:$0x2] =	stream.linear.gather [hbm4b:s1+s2], $0x800, $0x38;
	[tilespmem:$0xC480] =	vst v63  }
0x10: {  	_ =	swait.ge [sflag:s7], $0x3C80  }
0x11: {  	[sflag:s7] =	ssyncset.done $0x0  }
0x12: {  	s3 =	simm.s32 $0x2;
	[sflag:s7] =	ssyncadd.s32 $0xFFFFC380  }
0x13: {  	s12 =	sand.u32 $0x60, s2;
	_ =	swait.ge [sflag:s3], $0x800  }
0x14: {  	s9 =	sand.u32 $0x180, s2;
	s14 =	sor.u32 $0x10, s12;
	[sflag:s3] =	ssyncset.done $0x0  }
0x15: {  	s1 =	sor.u32 s14, s9;
	[sflag:s3] =	ssyncadd.s32 $0xFFFFF800  }
0x16: {  	v0 =	vld [tilespmem:s1+$0x3C80];
	_ =	sdelay $0x3  }
0x17: {  	v1 =	vld [tilespmem:s6+$0x0]  }
0x18: {  	v7 =	vshll.u32 v0, $0x4;
	_ =	sdelay $0x3  }
0x19: {  	v2 =	vshll.u32 v1, $0x4  }
0x1a: {  	v0 =	vld.idx.msk [tilespmem:v7+s2+$0x0], $0xffff  }
0x1b: {  	v1 =	vor.u32 $0x1, v7  }
0x1c: {  	s16 =	sand.u32 $0xC00, s2  }
0x1d: {  	s10 =	sadd.s32 $0x4480, s16  }
0x1e: {  	s11 =	sor.u32 s14, s10;
	v3 =	vld.idx.msk [tilespmem:v2+s2+$0x0], $0xffff  }
0x1f: {  	v4 =	vor.u32 $0x1, v2;
	[tilespmem:s11+$0x0] =	vst v0  }
0x20: {  	v0 =	vld.idx.msk [tilespmem:v1+s2+$0x0], $0xffff  }
0x21: {  	v1 =	vor.u32 $0x2, v7  }
0x22: {  	s6 =	sor.u32 s12, s10  }
0x23: {  	[tilespmem:s6+$0x0] =	vst v3  }
0x24: {  	v3 =	vld.idx.msk [tilespmem:v4+s2+$0x0], $0xffff  }
0x25: {  	v4 =	vor.u32 $0x2, v2;
	[tilespmem:s11+$0x80] =	vst v0  }
0x26: {  	v0 =	vld.idx.msk [tilespmem:v1+s2+$0x0], $0xffff  }
0x27: {  	v1 =	vor.u32 $0x3, v7;
	_ =	sdelay $0x1  }
0x28: {  	s0 =	simm.s32 $0x20;
	[tilespmem:s6+$0x80] =	vst v3  }
0x29: {  	s23 =	sand.u32 $0x60, s0;
	v3 =	vld.idx.msk [tilespmem:v4+s2+$0x0], $0xffff  }
0x2a: {  	s13 =	sand.u32 $0x180, s0;
	s22 =	sor.u32 $0x10, s23;
	v4 =	vor.u32 $0x3, v2;
	[tilespmem:s11+$0x100] =	vst v0  }
0x2b: {  	s1 =	sor.u32 s22, s13;
	v0 =	vld.idx.msk [tilespmem:v1+s2+$0x0], $0xffff  }
0x2c: {  	v5 =	vld [tilespmem:s1+$0x3C80];
	v1 =	vor.u32 $0x4, v7;
	_ =	sdelay $0x1  }
0x2d: {  	[tilespmem:s6+$0x100] =	vst v3  }
0x2e: {  	s15 =	simm.s32 $0x3CA0;
	v3 =	vld.idx.msk [tilespmem:v4+s2+$0x0], $0xffff  }
0x2f: {  	v6 =	vor.u32 $0x4, v2;
	v4 =	vld [tilespmem:s15+$0x0];
	[tilespmem:s11+$0x180] =	vst v0  }
0x30: {  	v8 =	vld.idx.msk [tilespmem:v1+s2+$0x0], $0xffff;
	v1 =	vshll.u32 v5, $0x4  }
0x31: {  	v5 =	vor.u32 $0x5, v7;
	_ =	sdelay $0x1  }
0x32: {  	[tilespmem:s6+$0x180] =	vst v3  }
0x33: {  	v0 =	vshll.u32 v4, $0x4;
	v3 =	vld.idx.msk [tilespmem:v6+s2+$0x0], $0xffff  }
0x34: {  	v6 =	vor.u32 $0x5, v2;
	v4 =	vld.idx.msk [tilespmem:v1+s2+$0x0], $0xffff;
	[tilespmem:s11+$0x200] =	vst v8  }
0x35: {  	s4 =	simm.s32 $0x100;
	v8 =	vor.u32 $0x1, v1;
	v5 =	vld.idx.msk [tilespmem:v5+s2+$0x0], $0xffff  }
0x36: {  	s24 =	sand.u32 $0xC00, s4;
	v9 =	vor.u32 $0x6, v7  }
0x37: {  	s5 =	sadd.s32 $0x4480, s24  }
0x38: {  	s1 =	sor.u32 s22, s5;
	v10 =	vld.idx.msk [tilespmem:v0+s2+$0x0], $0xffff;
	[tilespmem:s6+$0x200] =	vst v3  }
0x39: {  	v3 =	vld.idx.msk [tilespmem:v6+s2+$0x0], $0xffff;
	v6 =	vor.u32 $0x1, v0;
	[tilespmem:s1+$0x0] =	vst v4  }
0x3a: {  	v4 =	vld.idx.msk [tilespmem:v8+s2+$0x0], $0xffff;
	v8 =	vor.u32 $0x6, v2;
	[tilespmem:s11+$0x280] =	vst v5  }
0x3b: {  	s17 =	sand.u32 $0x3, s2;
	v5 =	vld.idx.msk [tilespmem:v9+s2+$0x0], $0xffff;
	v9 =	vor.u32 $0x2, v1  }
0x3c: {  	s3 =	sshll.u32 s17, $0x5;
	s5 =	sor.u32 s23, s5;
	v11 =	vor.u32 $0x7, v7  }
0x3d: {  	s3 =	sadd.s32 $0x0, s3;
	[tilespmem:s5+$0x0] =	vst v10  }
0x3e: {  	s18 =	sadd.s32 $0x10, s3;
	v6 =	vld.idx.msk [tilespmem:v6+s2+$0x0], $0xffff;
	[tilespmem:s6+$0x280] =	vst v3  }
0x3f: {  	s9 =	sor.u32 $0x300, s18;
	v3 =	vld.idx.msk [tilespmem:v8+s2+$0x0], $0xffff;
	v8 =	vor.u32 $0x2, v0;
	[tilespmem:s1+$0x80] =	vst v4  }
0x40: {  	v4 =	vld.idx.msk [tilespmem:v9+s2+$0x0], $0xffff;
	v9 =	vor.u32 $0x7, v2;
	[tilespmem:s9+$0x4480] =	vst v5  }
0x41: {  	v10 =	vor.u32 $0x3, v1;
	v5 =	vld.idx.msk [tilespmem:v11+s2+$0x0], $0xffff  }
0x42: {  	v11 =	vor.u32 $0x8, v7  }
0x43: {  	s3 =	sor.u32 $0x300, s3;
	[tilespmem:s5+$0x80] =	vst v6  }
0x44: {  	v6 =	vld.idx.msk [tilespmem:v8+s2+$0x0], $0xffff;
	[tilespmem:s3+$0x4480] =	vst v3;
	s3 =	simm.s32 $0x40  }
0x45: {  	s6 =	sor.u32 $0x380, s18;
	v8 =	vor.u32 $0x3, v0;
	v3 =	vld.idx.msk [tilespmem:v9+s2+$0x0], $0xffff;
	[tilespmem:s1+$0x100] =	vst v4;
	s25 =	sand.u32 $0x60, s3  }
0x46: {  	v9 =	vor.u32 $0x8, v2;
	s19 =	sand.u32 $0x180, s3;
	v4 =	vld.idx.msk [tilespmem:v10+s2+$0x0], $0xffff;
	[tilespmem:s6+$0x4480] =	vst v5;
	s26 =	sor.u32 $0x10, s25  }
0x47: {  	v5 =	vld.idx.msk [tilespmem:v11+s2+$0x0], $0xffff;
	s6 =	sor.u32 s26, s19  }
0x48: {  	s7 =	sor.u32 s2, s2;
	s10 =	simm.s32 $0x3CC0;
	v10 =	vor.u32 $0x4, v1;
	v11 =	vld [tilespmem:s6+$0x3C80]  }
0x49: {  	v12 =	vld [tilespmem:s10+$0x0];
	s11 =	sor.u32 $0x380, s7;
	[tilespmem:s5+$0x100] =	vst v6;
	v6 =	vor.u32 $0x9, v7  }
0x4a: {  	v8 =	vld.idx.msk [tilespmem:v8+s2+$0x0], $0xffff;
	[tilespmem:s11+$0x4480] =	vst v3  }
0x4b: {  	s13 =	sadd.s32 $0x8480, s16;
	v13 =	vor.u32 $0x4, v0;
	v9 =	vld.idx.msk [tilespmem:v9+s2+$0x0], $0xffff  }
0x4c: {  	v14 =	vor.u32 $0x9, v2;
	s15 =	sor.u32 s14, s13;
	[tilespmem:s1+$0x180] =	vst v4  }
0x4d: {  	v10 =	vld.idx.msk [tilespmem:v10+s2+$0x0], $0xffff;
	[tilespmem:s15+$0x0] =	vst v5;
	v3 =	vshll.u32 v11, $0x4  }
0x4e: {  	v5 =	vld.idx.msk [tilespmem:v6+s2+$0x0], $0xffff;
	v6 =	vor.u32 $0x5, v1  }
0x4f: {  	s6 =	sor.u32 s12, s13;
	v4 =	vshll.u32 v12, $0x4;
	[tilespmem:s5+$0x180] =	vst v8  }
0x50: {  	v8 =	vor.u32 $0xA, v7;
	v11 =	vld.idx.msk [tilespmem:v13+s2+$0x0], $0xffff;
	[tilespmem:s6+$0x0] =	vst v9  }
0x51: {  	s17 =	sadd.s32 $0x8500, s16;
	v12 =	vor.u32 $0x5, v0;
	v9 =	vld.idx.msk [tilespmem:v14+s2+$0x0], $0xffff  }
0x52: {  	s18 =	sor.u32 s14, s17;
	[tilespmem:s1+$0x200] =	vst v10;
	v10 =	vor.u32 $0xA, v2;
	v13 =	vld.idx.msk [tilespmem:v3+s2+$0x0], $0xffff  }
0x53: {  	s31 =	simm.s32 $0x200;
	v6 =	vld.idx.msk [tilespmem:v6+s2+$0x0], $0xffff;
	[tilespmem:s18+$0x0] =	vst v5;
	v5 =	vor.u32 $0x1, v3  }
0x54: {  	s28 =	sand.u32 $0xC00, s31;
	v15 =	vld.idx.msk [tilespmem:v4+s2+$0x0], $0xffff;
	v14 =	vor.u32 $0x6, v1  }
0x55: {  	s19 =	sadd.s32 $0x4480, s28;
	s6 =	sor.u32 s12, s17;
	v8 =	vld.idx.msk [tilespmem:v8+s2+$0x0], $0xffff;
	[tilespmem:s5+$0x200] =	vst v11  }
0x56: {  	s9 =	sor.u32 s26, s19;
	v11 =	vor.u32 $0xB, v7;
	v12 =	vld.idx.msk [tilespmem:v12+s2+$0x0], $0xffff;
	[tilespmem:s6+$0x0] =	vst v9  }
0x57: {  	v9 =	vor.u32 $0x1, v4;
	[tilespmem:s9+$0x0] =	vst v13;
	v10 =	vld.idx.msk [tilespmem:v10+s2+$0x0], $0xffff  }
0x58: {  	s7 =	sadd.s32 $0x8580, s16;
	v13 =	vor.u32 $0x6, v0;
	v5 =	vld.idx.msk [tilespmem:v5+s2+$0x0], $0xffff;
	[tilespmem:s1+$0x280] =	vst v6  }
0x59: {  	s13 =	sor.u32 s14, s7;
	s11 =	simm.s32 $0x1;
	s15 =	simm.s32 $0x3CE0;
	v6 =	vld.idx.msk [tilespmem:v14+s2+$0x0], $0xffff;
	v14 =	vor.u32 $0xB, v2  }
0x5a: {  	s11 =	sand.u32 $0x3, s11;
	v16 =	vld [tilespmem:s15+$0x0];
	s1 =	sor.u32 s25, s19;
	[tilespmem:s13+$0x0] =	vst v8;
	v8 =	vor.u32 $0x2, v3  }
0x5b: {  	s17 =	sshll.u32 s11, $0x5;
	[tilespmem:s1+$0x0] =	vst v15;
	v15 =	vor.u32 $0x7, v1;
	v11 =	vld.idx.msk [tilespmem:v11+s2+$0x0], $0xffff  }
0x5c: {  	s18 =	sadd.s32 $0x100, s17;
	s6 =	sor.u32 s12, s7;
	v9 =	vld.idx.msk [tilespmem:v9+s2+$0x0], $0xffff;
	[tilespmem:s5+$0x280] =	vst v12;
	v12 =	vor.u32 $0xC, v7  }
0x5d: {  	s10 =	sadd.s32 $0x10, s18;
	v13 =	vld.idx.msk [tilespmem:v13+s2+$0x0], $0xffff;
	[tilespmem:s6+$0x0] =	vst v10;
	v10 =	vor.u32 $0x2, v4  }
0x5e: {  	s7 =	sadd.s32 $0x8600, s16;
	s19 =	sor.u32 $0x300, s10;
	[tilespmem:s9+$0x80] =	vst v5;
	v5 =	vld.idx.msk [tilespmem:v14+s2+$0x0], $0xffff;
	v14 =	vor.u32 $0x7, v0  }
0x5f: {  	s13 =	sor.u32 s14, s7;
	v8 =	vld.idx.msk [tilespmem:v8+s2+$0x0], $0xffff;
	[tilespmem:s19+$0x4480] =	vst v6  }
0x60: {  	v6 =	vor.u32 $0xC, v2;
	v15 =	vld.idx.msk [tilespmem:v15+s2+$0x0], $0xffff;
	[tilespmem:s13+$0x0] =	vst v11;
	s13 =	simm.s32 $0x60  }
0x61: {  	s5 =	sor.u32 $0x300, s18;
	v11 =	vor.u32 $0x3, v3;
	v12 =	vld.idx.msk [tilespmem:v12+s2+$0x0], $0xffff;
	[tilespmem:s1+$0x80] =	vst v9;
	s30 =	sand.u32 $0x60, s13  }
0x62: {  	s15 =	sor.u32 s12, s7;
	v9 =	vor.u32 $0x8, v1;
	s7 =	sand.u32 $0x180, s13;
	v10 =	vld.idx.msk [tilespmem:v10+s2+$0x0], $0xffff;
	[tilespmem:s5+$0x4480] =	vst v13;
	s29 =	sor.u32 $0x10, s30  }
0x63: {  	v13 =	vor.u32 $0xD, v7;
	s11 =	sor.u32 s29, s7;
	v14 =	vld.idx.msk [tilespmem:v14+s2+$0x0], $0xffff  }
0x64: {  	[tilespmem:s15+$0x0] =	vst v5;
	v5 =	vor.u32 $0x3, v4;
	v18 =	vld [tilespmem:s11+$0x3C80]  }
0x65: {  	v17 =	vor.u32 $0x8, v0;
	s17 =	sor.u32 $0x380, s10;
	s18 =	sadd.s32 $0x8680, s16;
	[tilespmem:s9+$0x100] =	vst v8;
	v8 =	vld.idx.msk [tilespmem:v6+s2+$0x0], $0xffff  }
0x66: {  	s19 =	sor.u32 s14, s18;
	v11 =	vld.idx.msk [tilespmem:v11+s2+$0x0], $0xffff;
	[tilespmem:s17+$0x4480] =	vst v15;
	v15 =	vor.u32 $0xD, v2  }
0x67: {  	s0 =	sor.u32 s4, s0;
	v9 =	vld.idx.msk [tilespmem:v9+s2+$0x0], $0xffff;
	[tilespmem:s19+$0x0] =	vst v12;
	v12 =	vor.u32 $0x4, v3  }
0x68: {  	s0 =	sor.u32 $0x380, s0;
	v13 =	vld.idx.msk [tilespmem:v13+s2+$0x0], $0xffff;
	[tilespmem:s1+$0x100] =	vst v10;
	v10 =	vor.u32 $0x9, v1  }
0x69: {  	s15 =	sor.u32 s12, s18;
	v6 =	vshll.u32 v16, $0x4;
	v19 =	vld.idx.msk [tilespmem:v5+s2+$0x0], $0xffff;
	[tilespmem:s0+$0x4480] =	vst v14  }
0x6a: {  	s17 =	sadd.s32 $0x8480, s24;
	v14 =	vor.u32 $0xE, v7;
	v16 =	vld.idx.msk [tilespmem:v17+s2+$0x0], $0xffff;
	[tilespmem:s15+$0x0] =	vst v8  }
0x6b: {  	s18 =	sor.u32 s22, s17;
	v8 =	vor.u32 $0x4, v4;
	[tilespmem:s9+$0x180] =	vst v11;
	v15 =	vld.idx.msk [tilespmem:v15+s2+$0x0], $0xffff  }
0x6c: {  	s19 =	sadd.s32 $0x8700, s16;
	v17 =	vor.u32 $0x9, v0;
	v12 =	vld.idx.msk [tilespmem:v12+s2+$0x0], $0xffff;
	[tilespmem:s18+$0x0] =	vst v9  }
0x6d: {  	s6 =	sor.u32 s14, s19;
	v9 =	vld.idx.msk [tilespmem:v10+s2+$0x0], $0xffff;
	v10 =	vor.u32 $0x5, v3  }
0x6e: {  	v5 =	vshll.u32 v18, $0x4;
	v11 =	vld.idx.msk [tilespmem:v6+s2+$0x0], $0xffff;
	[tilespmem:s6+$0x0] =	vst v13  }
0x6f: {  	s0 =	sor.u32 s23, s17;
	v13 =	vld.idx.msk [tilespmem:v14+s2+$0x0], $0xffff;
	[tilespmem:s1+$0x180] =	vst v19;
	v14 =	vor.u32 $0xA, v1  }
0x70: {  	v7 =	vor.u32 $0xF, v7;
	v8 =	vld.idx.msk [tilespmem:v8+s2+$0x0], $0xffff;
	[tilespmem:s0+$0x0] =	vst v16  }
0x71: {  	s7 =	sadd.s32 $0x8500, s24;
	s5 =	sor.u32 s12, s19;
	v16 =	vld.idx.msk [tilespmem:v17+s2+$0x0], $0xffff;
	v17 =	vor.u32 $0xE, v2;
	[tilespmem:s9+$0x200] =	vst v12  }
0x72: {  	s10 =	sor.u32 s22, s7;
	s11 =	sadd.s32 $0x8780, s16;
	v12 =	vor.u32 $0x5, v4;
	[tilespmem:s5+$0x0] =	vst v15;
	v19 =	vld.idx.msk [tilespmem:v10+s2+$0x0], $0xffff  }
0x73: {  	s17 =	sor.u32 s14, s11;
	v18 =	vld.idx.msk [tilespmem:v5+s2+$0x0], $0xffff;
	[tilespmem:s10+$0x0] =	vst v9;
	v9 =	vor.u32 $0xA, v0  }
0x74: {  	v21 =	vor.u32 $0x6, v3;
	[tilespmem:s17+$0x0] =	vst v13;
	s17 =	simm.s32 $0x300;
	v14 =	vld.idx.msk [tilespmem:v14+s2+$0x0], $0xffff  }
0x75: {  	v20 =	vor.u32 $0x1, v5;
	s18 =	sor.u32 s23, s7;
	s0 =	sand.u32 $0xC00, s17;
	v22 =	vld.idx.msk [tilespmem:v7+s2+$0x0], $0xffff;
	[tilespmem:s1+$0x200] =	vst v8  }
0x76: {  	v23 =	vor.u32 $0xB, v1;
	s3 =	sor.u32 s31, s3;
	s19 =	simm.s32 $0x6;
	s4 =	sadd.s32 $0x4480, s0;
	v7 =	vld.idx.msk [tilespmem:v17+s2+$0x0], $0xffff;
	[tilespmem:s18+$0x0] =	vst v16  }
0x77: {  	v13 =	vld.idx.msk [tilespmem:v12+s2+$0x0], $0xffff;
	s18 =	sor.u32 s12, s11;
	s11 =	sadd.s32 $0x8580, s24;
	s5 =	sor.u32 s29, s4;
	[tilespmem:s9+$0x280] =	vst v19  }
0x78: {  	s15 =	sor.u32 $0x380, s3;
	s7 =	sor.u32 s17, s13;
	v16 =	vor.u32 $0x1, v6;
	v10 =	vld.idx.msk [tilespmem:v9+s2+$0x0], $0xffff;
	s9 =	sor.u32 s22, s11;
	[tilespmem:s5+$0x0] =	vst v18  }
0x79: {  	s3 =	sor.u32 $0x380, s7;
	s7 =	sadd.s32 $0x8800, s16;
	s16 =	simm.s32 $0x2;
	v12 =	vld.idx.msk [tilespmem:v21+s2+$0x0], $0xffff;
	[tilespmem:s9+$0x0] =	vst v14;
	v14 =	vor.u32 $0x6, v4  }
0x7a: {  	v8 =	vor.u32 $0xB, v0;
	s6 =	sor.u32 s30, s4;
	s11 =	sor.u32 s23, s11;
	s10 =	sor.u32 s14, s7;
	v15 =	vld.idx.msk [tilespmem:v20+s2+$0x0], $0xffff  }
0x7b: {  	v17 =	vor.u32 $0x2, v5;
	s12 =	sor.u32 s12, s7;
	s14 =	simm.s32 $0x3D00;
	s9 =	sand.u32 $0x3, s16;
	[tilespmem:s10+$0x0] =	vst v22;
	v9 =	vld.idx.msk [tilespmem:v23+s2+$0x0], $0xffff  }
.LBB2_2:
0x7c: {  	v18 =	vld [tilespmem:s14+$0x0];
	[tilespmem:s6+$0x0] =	vst v11;
	s9 =	sshll.u32 s9, $0x5;
	v11 =	vor.u32 $0x7, v3;
	s4 =	smov.u32 s25;
	s25 =	smov.u32 s30  }
0x7d: {  	v16 =	vld.idx.msk [tilespmem:v16+s2+$0x0], $0xffff;
	[tilespmem:s1+$0x280] =	vst v13;
	s1 =	sadd.s32 s9, s31;
	v13 =	vor.u32 $0xC, v1;
	s9 =	smov.u32 s22;
	s22 =	smov.u32 s26  }
0x7e: {  	s26 =	smov.u32 s29;
	v14 =	vld.idx.msk [tilespmem:v14+s2+$0x0], $0xffff;
	s30 =	sor.u32 $0x300, s1;
	s7 =	sadd.s32 $0x10, s1;
	[tilespmem:s11+$0x0] =	vst v10;
	v10 =	vor.u32 $0xF, v2;
	v2 =	vmovc v0;
	v0 =	vmov v4;
	v4 =	vmov v6  }
0x7f: {  	s10 =	sadd.s32 $0x8600, s24;
	s31 =	smov.u32 s17;
	v6 =	vor.u32 $0x2, v4;
	[tilespmem:s5+$0x80] =	vst v15;
	s1 =	sor.u32 $0x300, s7;
	v8 =	vld.idx.msk [tilespmem:v8+s2+$0x0], $0xffff  }
0x80: {  	s29 =	sor.u32 s23, s10;
	v15 =	vld.idx.msk [tilespmem:v17+s2+$0x0], $0xffff;
	v17 =	vor.u32 $0x7, v0;
	[tilespmem:s1+$0x4480] =	vst v12;
	s1 =	sor.u32 s9, s10;
	s10 =	smov.u32 s24  }
0x81: {  	v12 =	vor.u32 $0xC, v2;
	s24 =	smov.u32 s28;
	s28 =	smov.u32 s0;
	v11 =	vld.idx.msk [tilespmem:v11+s2+$0x0], $0xffff;
	[tilespmem:s1+$0x0] =	vst v9;
	s1 =	smov.u32 s6  }
0x82: {  	s11 =	smov.u32 s5;
	v9 =	vor.u32 $0x3, v5;
	v13 =	vld.idx.msk [tilespmem:v13+s2+$0x0], $0xffff;
	[tilespmem:s18+$0x0] =	vst v7  }
0x83: {  	v7 =	vor.u32 $0x8, v3;
	[tilespmem:s1+$0x80] =	vst v16;
	v10 =	vld.idx.msk [tilespmem:v10+s2+$0x0], $0xffff  }
0x84: {  	v6 =	vld.idx.msk [tilespmem:v6+s2+$0x0], $0xffff;
	[tilespmem:s30+$0x4480] =	vst v14;
	v14 =	vor.u32 $0xD, v1  }
0x85: {  	v16 =	vld.idx.msk [tilespmem:v17+s2+$0x0], $0xffff;
	[tilespmem:s29+$0x0] =	vst v8  }
0x86: {  	s13 =	sadd.s32 $0x20, s13;
	s0 =	sor.u32 $0x380, s7;
	s5 =	sadd.s32 $0x8680, s10;
	v8 =	vor.u32 $0x3, v4;
	[tilespmem:s11+$0x100] =	vst v15;
	v12 =	vld.idx.msk [tilespmem:v12+s2+$0x0], $0xffff  }
0x87: {  	s19 =	sadd.s32 $0x2, s19;
	s30 =	sand.u32 $0x60, s13;
	v15 =	vor.u32 $0x8, v0;
	v9 =	vld.idx.msk [tilespmem:v9+s2+$0x0], $0xffff;
	[tilespmem:s0+$0x4480] =	vst v11;
	s0 =	sor.u32 s9, s5  }
0x88: {  	p0 =	slt.u32 s19, $0x1E;
	s6 =	sand.u32 $0x180, s13;
	s29 =	sor.u32 $0x10, s30;
	v11 =	vor.u32 $0xD, v2;
	v7 =	vld.idx.msk [tilespmem:v7+s2+$0x0], $0xffff;
	[tilespmem:s0+$0x0] =	vst v13  }
0x89: {  	s5 =	sor.u32 s23, s5;
	s0 =	sor.u32 s29, s6;
	v13 =	vor.u32 $0x4, v5;
	v14 =	vld.idx.msk [tilespmem:v14+s2+$0x0], $0xffff;
	[tilespmem:s12+$0x0] =	vst v10  }
0x8a: {  	v17 =	vor.u32 $0x9, v3;
	v10 =	vld [tilespmem:s0+$0x3C80];
	[tilespmem:s1+$0x100] =	vst v6  }
0x8b: {  	v8 =	vld.idx.msk [tilespmem:v8+s2+$0x0], $0xffff;
	[tilespmem:s15+$0x4480] =	vst v16;
	v16 =	vor.u32 $0xE, v1;
	s15 =	smov.u32 s3  }
0x8c: {  	v6 =	vshll.u32 v18, $0x4;
	s0 =	sadd.s32 $0x8480, s24;
	v15 =	vld.idx.msk [tilespmem:v15+s2+$0x0], $0xffff;
	[tilespmem:s5+$0x0] =	vst v12  }
0x8d: {  	s3 =	sor.u32 s4, s0;
	s0 =	sor.u32 s22, s0;
	v12 =	vor.u32 $0x4, v4;
	s5 =	sadd.s32 $0x8700, s10;
	[tilespmem:s11+$0x180] =	vst v9;
	v9 =	vld.idx.msk [tilespmem:v11+s2+$0x0], $0xffff  }
0x8e: {  	v18 =	vor.u32 $0x9, v0;
	v13 =	vld.idx.msk [tilespmem:v13+s2+$0x0], $0xffff;
	[tilespmem:s0+$0x0] =	vst v7;
	s0 =	sor.u32 s23, s5;
	s5 =	sor.u32 s9, s5  }
0x8f: {  	v7 =	vshll.u32 v10, $0x4;
	v10 =	vld.idx.msk [tilespmem:v17+s2+$0x0], $0xffff;
	[tilespmem:s5+$0x0] =	vst v14  }
0x90: {  	v14 =	vor.u32 $0x5, v5;
	v16 =	vld.idx.msk [tilespmem:v16+s2+$0x0], $0xffff  }
0x91: {  	v11 =	vld.idx.msk [tilespmem:v6+s2+$0x0], $0xffff;
	[tilespmem:s1+$0x180] =	vst v8;
	v8 =	vor.u32 $0xA, v3  }
0x92: {  	v12 =	vld.idx.msk [tilespmem:v12+s2+$0x0], $0xffff;
	[tilespmem:s3+$0x0] =	vst v15;
	v15 =	vor.u32 $0xF, v1;
	v1 =	vmovc v3;
	v3 =	vmov v5;
	v5 =	vmov v7  }
0x93: {  	s3 =	sadd.s32 $0x8500, s24;
	v17 =	vld.idx.msk [tilespmem:v18+s2+$0x0], $0xffff;
	[tilespmem:s0+$0x0] =	vst v9;
	v9 =	vor.u32 $0xE, v2  }
0x94: {  	v19 =	vor.u32 $0x5, v4;
	s7 =	sor.u32 s4, s3;
	s0 =	sor.u32 s22, s3;
	s3 =	sadd.s32 $0x8780, s10;
	v18 =	vld.idx.msk [tilespmem:v7+s2+$0x0], $0xffff;
	[tilespmem:s11+$0x200] =	vst v13  }
0x95: {  	s18 =	sor.u32 s23, s3;
	v20 =	vld.idx.msk [tilespmem:v14+s2+$0x0], $0xffff;
	v14 =	vor.u32 $0xA, v0;
	[tilespmem:s0+$0x0] =	vst v10;
	s0 =	sor.u32 s9, s3  }
0x96: {  	s17 =	sadd.s32 $0x100, s17;
	v21 =	vor.u32 $0x1, v5;
	v22 =	vld.idx.msk [tilespmem:v8+s2+$0x0], $0xffff;
	[tilespmem:s0+$0x0] =	vst v16  }
0x97: {  	s3 =	sor.u32 s17, s13;
	s0 =	sand.u32 $0xC00, s17;
	v8 =	vor.u32 $0x6, v3;
	v23 =	vld.idx.msk [tilespmem:v15+s2+$0x0], $0xffff  }
0x98: {  	v24 =	vor.u32 $0xB, v1;
	s3 =	sor.u32 $0x380, s3;
	s5 =	sadd.s32 $0x4480, s0;
	[tilespmem:s1+$0x200] =	vst v12;
	v7 =	vld.idx.msk [tilespmem:v9+s2+$0x0], $0xffff  }
.Ltmp0:
0x99: {  	s6 =	sor.u32 s30, s5;
	s5 =	sor.u32 s29, s5;
	v13 =	vld.idx.msk [tilespmem:v19+s2+$0x0], $0xffff;
	[tilespmem:s7+$0x0] =	vst v17;
	(pc) =	sbr.rel @p0 .LBB2_2-.Ltmp0, $4  }
0x9a: {  	v16 =	vor.u32 $0x1, v6;
	s7 =	sadd.s32 $0x8580, s24;
	[tilespmem:s5+$0x0] =	vst v18;
	v10 =	vld.idx.msk [tilespmem:v14+s2+$0x0], $0xffff  }
0x9b: {  	s10 =	sadd.s32 $0x8800, s10;
	v14 =	vor.u32 $0x6, v4;
	v15 =	vld.idx.msk [tilespmem:v21+s2+$0x0], $0xffff;
	[tilespmem:s11+$0x280] =	vst v20;
	s11 =	sor.u32 s4, s7;
	s7 =	sor.u32 s22, s7  }
0x9c: {  	s16 =	sadd.s32 $0x1, s16;
	s12 =	sor.u32 s23, s10;
	v12 =	vld.idx.msk [tilespmem:v8+s2+$0x0], $0xffff;
	v8 =	vor.u32 $0xB, v0;
	[tilespmem:s7+$0x0] =	vst v22;
	s7 =	sor.u32 s9, s10  }
0x9d: {  	s14 =	sadd.s32 $0x20, s14;
	s23 =	smov.u32 s4;
	v17 =	vor.u32 $0x2, v5;
	s9 =	sand.u32 $0x3, s16;
	v9 =	vld.idx.msk [tilespmem:v24+s2+$0x0], $0xffff;
	[tilespmem:s7+$0x0] =	vst v23  }
0x9e: {  	_ =	sdelay $0x2  }
0x9f: {  	[tilespmem:s6+$0x0] =	vst v11  }
0xa0: {  	v11 =	vld.idx.msk [tilespmem:v16+s2+$0x0], $0xffff  }
0xa1: {  	v16 =	vor.u32 $0x2, v6;
	_ =	sdelay $0x2  }
0xa2: {  	[tilespmem:s5+$0x80] =	vst v15  }
0xa3: {  	v15 =	vld.idx.msk [tilespmem:v17+s2+$0x0], $0xffff;
	[tilespmem:s6+$0x80] =	vst v11  }
0xa4: {  	v11 =	vor.u32 $0x3, v5;
	v16 =	vld.idx.msk [tilespmem:v16+s2+$0x0], $0xffff  }
0xa5: {  	v17 =	vor.u32 $0x3, v6;
	_ =	sdelay $0x2  }
0xa6: {  	[tilespmem:s5+$0x100] =	vst v15  }
0xa7: {  	v11 =	vld.idx.msk [tilespmem:v11+s2+$0x0], $0xffff;
	[tilespmem:s6+$0x100] =	vst v16  }
0xa8: {  	v15 =	vor.u32 $0x4, v5;
	v16 =	vld.idx.msk [tilespmem:v17+s2+$0x0], $0xffff  }
0xa9: {  	v17 =	vor.u32 $0x4, v6;
	_ =	sdelay $0x2  }
0xaa: {  	[tilespmem:s5+$0x180] =	vst v11  }
0xab: {  	v11 =	vld.idx.msk [tilespmem:v15+s2+$0x0], $0xffff;
	[tilespmem:s6+$0x180] =	vst v16  }
0xac: {  	v15 =	vor.u32 $0x5, v5;
	v16 =	vld.idx.msk [tilespmem:v17+s2+$0x0], $0xffff  }
0xad: {  	v17 =	vor.u32 $0x5, v6;
	_ =	sdelay $0x2  }
0xae: {  	[tilespmem:s5+$0x200] =	vst v11  }
0xaf: {  	v11 =	vld.idx.msk [tilespmem:v15+s2+$0x0], $0xffff;
	[tilespmem:s6+$0x200] =	vst v16  }
0xb0: {  	v15 =	vor.u32 $0x6, v5;
	v16 =	vld.idx.msk [tilespmem:v17+s2+$0x0], $0xffff  }
0xb1: {  	v17 =	vor.u32 $0x6, v6;
	_ =	sdelay $0x1  }
0xb2: {  	[tilespmem:s1+$0x280] =	vst v13  }
0xb3: {  	s13 =	sshll.u32 s9, $0x5;
	v13 =	vor.u32 $0x7, v3;
	s4 =	sadd.s32 $0x1, s16;
	v14 =	vld.idx.msk [tilespmem:v14+s2+$0x0], $0xffff;
	[tilespmem:s5+$0x280] =	vst v11  }
0xb4: {  	s1 =	sadd.s32 s13, s31;
	s4 =	sand.u32 $0x3, s4;
	v11 =	vor.u32 $0x7, v4;
	v15 =	vld.idx.msk [tilespmem:v15+s2+$0x0], $0xffff;
	[tilespmem:s6+$0x280] =	vst v16  }
0xb5: {  	s14 =	sadd.s32 $0x10, s1;
	s4 =	sshll.u32 s4, $0x5;
	v16 =	vor.u32 $0x7, v5;
	v17 =	vld.idx.msk [tilespmem:v17+s2+$0x0], $0xffff  }
0xb6: {  	v18 =	vor.u32 $0x7, v6;
	s16 =	sor.u32 $0x300, s14;
	s4 =	sadd.s32 s4, s17  }
0xb7: {  	s1 =	sor.u32 $0x300, s1;
	[tilespmem:s16+$0x4480] =	vst v12;
	s17 =	sadd.s32 $0x10, s4  }
0xb8: {  	v12 =	vld.idx.msk [tilespmem:v13+s2+$0x0], $0xffff;
	s19 =	sor.u32 $0x300, s17;
	[tilespmem:s1+$0x4480] =	vst v14  }
0xb9: {  	s4 =	sor.u32 $0x300, s4;
	v13 =	vor.u32 $0x8, v3;
	v11 =	vld.idx.msk [tilespmem:v11+s2+$0x0], $0xffff;
	[tilespmem:s19+$0x4480] =	vst v15  }
0xba: {  	v14 =	vor.u32 $0x8, v4;
	v15 =	vld.idx.msk [tilespmem:v16+s2+$0x0], $0xffff;
	[tilespmem:s4+$0x4480] =	vst v17  }
0xbb: {  	v16 =	vor.u32 $0x8, v5;
	v17 =	vld.idx.msk [tilespmem:v18+s2+$0x0], $0xffff  }
0xbc: {  	s4 =	sor.u32 $0x380, s14;
	v18 =	vor.u32 $0x8, v6  }
0xbd: {  	[tilespmem:s4+$0x4480] =	vst v12  }
0xbe: {  	s5 =	sor.u32 $0x380, s17;
	v12 =	vld.idx.msk [tilespmem:v13+s2+$0x0], $0xffff;
	[tilespmem:s15+$0x4480] =	vst v11  }
0xbf: {  	v11 =	vor.u32 $0x9, v3;
	v13 =	vld.idx.msk [tilespmem:v14+s2+$0x0], $0xffff;
	[tilespmem:s5+$0x4480] =	vst v15  }
0xc0: {  	v14 =	vor.u32 $0x9, v4;
	v15 =	vld.idx.msk [tilespmem:v16+s2+$0x0], $0xffff;
	[tilespmem:s3+$0x4480] =	vst v17  }
0xc1: {  	s6 =	sadd.s32 $0x8480, s28;
	v16 =	vor.u32 $0x9, v5;
	v17 =	vld.idx.msk [tilespmem:v18+s2+$0x0], $0xffff  }
0xc2: {  	s7 =	sor.u32 s26, s6;
	v18 =	vor.u32 $0x9, v6  }
0xc3: {  	s9 =	sadd.s32 $0x8480, s0;
	s1 =	sor.u32 s25, s6;
	[tilespmem:s7+$0x0] =	vst v12  }
0xc4: {  	s10 =	sor.u32 s29, s9;
	v11 =	vld.idx.msk [tilespmem:v11+s2+$0x0], $0xffff;
	[tilespmem:s1+$0x0] =	vst v13  }
0xc5: {  	s3 =	sor.u32 s30, s9;
	v12 =	vor.u32 $0xA, v3;
	v13 =	vld.idx.msk [tilespmem:v14+s2+$0x0], $0xffff;
	[tilespmem:s10+$0x0] =	vst v15  }
0xc6: {  	v14 =	vor.u32 $0xA, v4;
	v15 =	vld.idx.msk [tilespmem:v16+s2+$0x0], $0xffff;
	[tilespmem:s3+$0x0] =	vst v17  }
0xc7: {  	s13 =	sadd.s32 $0x8500, s28;
	v16 =	vor.u32 $0xA, v5;
	v17 =	vld.idx.msk [tilespmem:v18+s2+$0x0], $0xffff  }
0xc8: {  	[tilespmem:s11+$0x0] =	vst v10;
	v10 =	vor.u32 $0xA, v6;
	s14 =	sor.u32 s26, s13  }
0xc9: {  	s15 =	sadd.s32 $0x8500, s0;
	s1 =	sor.u32 s25, s13;
	[tilespmem:s14+$0x0] =	vst v11  }
0xca: {  	s16 =	sor.u32 s29, s15;
	v11 =	vor.u32 $0xC, v1;
	v12 =	vld.idx.msk [tilespmem:v12+s2+$0x0], $0xffff;
	[tilespmem:s1+$0x0] =	vst v13  }
0xcb: {  	s17 =	sadd.s32 $0x8600, s24;
	s3 =	sor.u32 s30, s15;
	v13 =	vor.u32 $0xB, v3;
	v14 =	vld.idx.msk [tilespmem:v14+s2+$0x0], $0xffff;
	[tilespmem:s16+$0x0] =	vst v15  }
0xcc: {  	s19 =	sor.u32 s22, s17;
	v15 =	vor.u32 $0xB, v4;
	v16 =	vld.idx.msk [tilespmem:v16+s2+$0x0], $0xffff;
	[tilespmem:s3+$0x0] =	vst v17  }
0xcd: {  	[tilespmem:s19+$0x0] =	vst v9;
	v9 =	vor.u32 $0xB, v5;
	s3 =	sadd.s32 $0x8580, s28;
	v10 =	vld.idx.msk [tilespmem:v10+s2+$0x0], $0xffff  }
0xce: {  	[tilespmem:s18+$0x0] =	vst v7;
	v7 =	vor.u32 $0xB, v6;
	v8 =	vld.idx.msk [tilespmem:v8+s2+$0x0], $0xffff;
	s5 =	sor.u32 s26, s3  }
0xcf: {  	v2 =	vor.u32 $0xF, v2;
	s6 =	sadd.s32 $0x8580, s0;
	v11 =	vld.idx.msk [tilespmem:v11+s2+$0x0], $0xffff;
	s1 =	sor.u32 s25, s3;
	[tilespmem:s5+$0x0] =	vst v12  }
0xd0: {  	s7 =	sor.u32 s29, s6;
	v12 =	vor.u32 $0xC, v0;
	[tilespmem:s1+$0x0] =	vst v14;
	v13 =	vld.idx.msk [tilespmem:v13+s2+$0x0], $0xffff  }
0xd1: {  	s3 =	sor.u32 s30, s6;
	v14 =	vor.u32 $0xC, v3;
	v15 =	vld.idx.msk [tilespmem:v15+s2+$0x0], $0xffff;
	[tilespmem:s7+$0x0] =	vst v16  }
0xd2: {  	s9 =	sor.u32 s23, s17;
	s10 =	sadd.s32 $0x8680, s24;
	v16 =	vor.u32 $0xC, v4;
	v9 =	vld.idx.msk [tilespmem:v9+s2+$0x0], $0xffff;
	[tilespmem:s3+$0x0] =	vst v10  }
0xd3: {  	[tilespmem:s9+$0x0] =	vst v8;
	v8 =	vor.u32 $0xC, v5;
	s13 =	sadd.s32 $0x8600, s28;
	s11 =	sor.u32 s22, s10;
	v7 =	vld.idx.msk [tilespmem:v7+s2+$0x0], $0xffff  }
0xd4: {  	v2 =	vld.idx.msk [tilespmem:v2+s2+$0x0], $0xffff;
	s14 =	sor.u32 s26, s13;
	[tilespmem:s11+$0x0] =	vst v11;
	v10 =	vor.u32 $0xC, v6  }
0xd5: {  	s15 =	sadd.s32 $0x8600, s0;
	v11 =	vor.u32 $0xD, v1;
	s3 =	sor.u32 s25, s13;
	v12 =	vld.idx.msk [tilespmem:v12+s2+$0x0], $0xffff;
	[tilespmem:s14+$0x0] =	vst v13  }
0xd6: {  	s16 =	sor.u32 s29, s15;
	v13 =	vor.u32 $0xD, v0;
	[tilespmem:s3+$0x0] =	vst v15;
	v14 =	vld.idx.msk [tilespmem:v14+s2+$0x0], $0xffff  }
0xd7: {  	s1 =	sor.u32 s30, s15;
	v15 =	vor.u32 $0xD, v3;
	v16 =	vld.idx.msk [tilespmem:v16+s2+$0x0], $0xffff;
	[tilespmem:s16+$0x0] =	vst v9  }
0xd8: {  	v9 =	vor.u32 $0xD, v4;
	v8 =	vld.idx.msk [tilespmem:v8+s2+$0x0], $0xffff;
	[tilespmem:s1+$0x0] =	vst v7  }
0xd9: {  	s18 =	sadd.s32 $0x8680, s28;
	[tilespmem:s12+$0x0] =	vst v2;
	v2 =	vor.u32 $0xD, v5;
	s17 =	sor.u32 s23, s10;
	v7 =	vld.idx.msk [tilespmem:v10+s2+$0x0], $0xffff  }
0xda: {  	s19 =	sor.u32 s26, s18;
	[tilespmem:s17+$0x0] =	vst v12;
	v10 =	vld.idx.msk [tilespmem:v11+s2+$0x0], $0xffff;
	v11 =	vor.u32 $0xD, v6  }
0xdb: {  	s4 =	sor.u32 s25, s18;
	s5 =	sadd.s32 $0x8680, s0;
	v12 =	vor.u32 $0xE, v1;
	v13 =	vld.idx.msk [tilespmem:v13+s2+$0x0], $0xffff;
	[tilespmem:s19+$0x0] =	vst v14  }
0xdc: {  	s6 =	sor.u32 s29, s5;
	v14 =	vor.u32 $0xE, v0;
	[tilespmem:s4+$0x0] =	vst v16;
	v15 =	vld.idx.msk [tilespmem:v15+s2+$0x0], $0xffff  }
0xdd: {  	s9 =	sor.u32 s30, s5;
	s7 =	sadd.s32 $0x8700, s24;
	v16 =	vor.u32 $0xE, v3;
	v9 =	vld.idx.msk [tilespmem:v9+s2+$0x0], $0xffff;
	[tilespmem:s6+$0x0] =	vst v8  }
0xde: {  	s10 =	sor.u32 s22, s7;
	v8 =	vor.u32 $0xE, v4;
	v2 =	vld.idx.msk [tilespmem:v2+s2+$0x0], $0xffff;
	[tilespmem:s9+$0x0] =	vst v7  }
0xdf: {  	s12 =	sadd.s32 $0x8700, s28;
	s11 =	sor.u32 s23, s7;
	[tilespmem:s10+$0x0] =	vst v10;
	v7 =	vor.u32 $0xE, v5;
	v10 =	vld.idx.msk [tilespmem:v11+s2+$0x0], $0xffff  }
0xe0: {  	s13 =	sor.u32 s26, s12;
	[tilespmem:s11+$0x0] =	vst v13;
	v11 =	vld.idx.msk [tilespmem:v12+s2+$0x0], $0xffff;
	v12 =	vor.u32 $0xE, v6  }
0xe1: {  	s3 =	sor.u32 s25, s12;
	s14 =	sadd.s32 $0x8700, s0;
	v1 =	vor.u32 $0xF, v1;
	v13 =	vld.idx.msk [tilespmem:v14+s2+$0x0], $0xffff;
	[tilespmem:s13+$0x0] =	vst v15  }
0xe2: {  	s15 =	sor.u32 s29, s14;
	v0 =	vor.u32 $0xF, v0;
	[tilespmem:s3+$0x0] =	vst v9;
	v14 =	vld.idx.msk [tilespmem:v16+s2+$0x0], $0xffff  }
0xe3: {  	s16 =	sadd.s32 $0x8780, s24;
	s1 =	sor.u32 s30, s14;
	v3 =	vor.u32 $0xF, v3;
	v8 =	vld.idx.msk [tilespmem:v8+s2+$0x0], $0xffff;
	[tilespmem:s15+$0x0] =	vst v2  }
0xe4: {  	s17 =	sor.u32 s22, s16;
	v2 =	vor.u32 $0xF, v4;
	v4 =	vld.idx.msk [tilespmem:v7+s2+$0x0], $0xffff;
	[tilespmem:s1+$0x0] =	vst v10  }
0xe5: {  	s18 =	sor.u32 s23, s16;
	s19 =	sadd.s32 $0x8780, s28;
	v5 =	vor.u32 $0xF, v5;
	[tilespmem:s17+$0x0] =	vst v11;
	v7 =	vld.idx.msk [tilespmem:v12+s2+$0x0], $0xffff  }
0xe6: {  	s4 =	sor.u32 s26, s19;
	v6 =	vor.u32 $0xF, v6;
	[tilespmem:s18+$0x0] =	vst v13;
	v1 =	vld.idx.msk [tilespmem:v1+s2+$0x0], $0xffff  }
0xe7: {  	s5 =	sadd.s32 $0x8780, s0;
	s3 =	sor.u32 s25, s19;
	v0 =	vld.idx.msk [tilespmem:v0+s2+$0x0], $0xffff;
	[tilespmem:s4+$0x0] =	vst v14  }
0xe8: {  	s6 =	sor.u32 s29, s5;
	[tilespmem:s3+$0x0] =	vst v8;
	v3 =	vld.idx.msk [tilespmem:v3+s2+$0x0], $0xffff  }
0xe9: {  	s7 =	sadd.s32 $0x8800, s24;
	s1 =	sor.u32 s30, s5;
	v2 =	vld.idx.msk [tilespmem:v2+s2+$0x0], $0xffff;
	[tilespmem:s6+$0x0] =	vst v4  }
0xea: {  	s9 =	sor.u32 s22, s7;
	v4 =	vld.idx.msk [tilespmem:v5+s2+$0x0], $0xffff;
	[tilespmem:s1+$0x0] =	vst v7  }
0xeb: {  	s10 =	sor.u32 s23, s7;
	s11 =	sadd.s32 $0x8800, s28;
	[tilespmem:s9+$0x0] =	vst v1;
	v1 =	vld.idx.msk [tilespmem:v6+s2+$0x0], $0xffff  }
0xec: {  	s12 =	sor.u32 s26, s11;
	[tilespmem:s10+$0x0] =	vst v0  }
0xed: {  	s13 =	sadd.s32 $0x8800, s0;
	s3 =	sor.u32 s25, s11;
	[tilespmem:s12+$0x0] =	vst v3  }
0xee: {  	s14 =	sor.u32 s29, s13;
	[tilespmem:s3+$0x0] =	vst v2  }
0xef: {  	s0 =	sor.u32 s30, s13;
	[tilespmem:s14+$0x0] =	vst v4  }
0xf0: {  	s7 =	simm.s32 $0x8480;
	s15 =	simm.s32 $0x0;
	s9 =	simm.s32 $0x200;
	[tilespmem:s0+$0x0] =	vst v1  }
0xf1: {  	s6 =	simm.s32 $0x4480;
	s12 =	sand.u32 $0x60, s9;
	s0 =	rddreg [dreg:$0x5]  }
0xf2: {  	[hbm4b:s0+s15] =	stream.linear.scatter [tilespmem:s6], [sflag:$0x3], $0x1000, $0x38;
	[tilespmem:$0xC480] =	vst v63  }
0xf3: {  	s17 =	sand.u32 $0x380, s9;
	s14 =	sor.u32 $0x10, s12;
	s0 =	sadd.s32 $0x10000, s0  }
0xf4: {  	[hbm4b:s0+s15] =	stream.linear.scatter [tilespmem:s7], [sflag:$0x3], $0x1000, $0x38;
	[tilespmem:$0xC480] =	vst v63  }
0xf5: {  	s0 =	sor.u32 s14, s17  }
0xf6: {  	v0 =	vld [tilespmem:s0+$0x3C80];
	_ =	sdelay $0x2  }
0xf7: {  	s18 =	simm.s32 $0x3E80  }
0xf8: {  	v1 =	vld [tilespmem:s18+$0x0]  }
0xf9: {  	v7 =	vshll.u32 v0, $0x4;
	_ =	sdelay $0x3  }
0xfa: {  	v2 =	vshll.u32 v1, $0x4  }
0xfb: {  	v0 =	vld.idx.msk [tilespmem:v7+s2+$0x0], $0xffff  }
0xfc: {  	s19 =	simm.s32 $0x1000;
	v1 =	vor.u32 $0x1, v7  }
0xfd: {  	s16 =	sand.u32 $0x1C00, s19  }
0xfe: {  	s25 =	sadd.s32 $0x4480, s16  }
0xff: {  	s26 =	sor.u32 s14, s25;
	v3 =	vld.idx.msk [tilespmem:v2+s2+$0x0], $0xffff  }
0x100: {  	v4 =	vor.u32 $0x1, v2;
	[tilespmem:s26+$0x0] =	vst v0  }
0x101: {  	v0 =	vld.idx.msk [tilespmem:v1+s2+$0x0], $0xffff  }
0x102: {  	v1 =	vor.u32 $0x2, v7  }
0x103: {  	s7 =	sor.u32 s12, s25  }
0x104: {  	[tilespmem:s7+$0x0] =	vst v3  }
0x105: {  	v3 =	vld.idx.msk [tilespmem:v4+s2+$0x0], $0xffff  }
0x106: {  	v4 =	vor.u32 $0x2, v2;
	[tilespmem:s26+$0x80] =	vst v0  }
0x107: {  	v0 =	vld.idx.msk [tilespmem:v1+s2+$0x0], $0xffff  }
0x108: {  	v1 =	vor.u32 $0x3, v7;
	_ =	sdelay $0x1  }
0x109: {  	s0 =	simm.s32 $0x220;
	[tilespmem:s7+$0x80] =	vst v3  }
0x10a: {  	s23 =	sand.u32 $0x60, s0;
	v3 =	vld.idx.msk [tilespmem:v4+s2+$0x0], $0xffff  }
0x10b: {  	s10 =	sand.u32 $0x380, s0;
	s22 =	sor.u32 $0x10, s23;
	v4 =	vor.u32 $0x3, v2;
	[tilespmem:s26+$0x100] =	vst v0  }
0x10c: {  	s4 =	sor.u32 s22, s10;
	v0 =	vld.idx.msk [tilespmem:v1+s2+$0x0], $0xffff  }
0x10d: {  	v5 =	vld [tilespmem:s4+$0x3C80];
	v1 =	vor.u32 $0x4, v7;
	_ =	sdelay $0x1  }
0x10e: {  	[tilespmem:s7+$0x100] =	vst v3  }
0x10f: {  	s11 =	simm.s32 $0x3EA0;
	v3 =	vld.idx.msk [tilespmem:v4+s2+$0x0], $0xffff  }
0x110: {  	v6 =	vor.u32 $0x4, v2;
	v4 =	vld [tilespmem:s11+$0x0];
	[tilespmem:s26+$0x180] =	vst v0  }
0x111: {  	v8 =	vld.idx.msk [tilespmem:v1+s2+$0x0], $0xffff;
	v1 =	vshll.u32 v5, $0x4  }
0x112: {  	v5 =	vor.u32 $0x5, v7;
	_ =	sdelay $0x1  }
0x113: {  	[tilespmem:s7+$0x180] =	vst v3  }
0x114: {  	v0 =	vshll.u32 v4, $0x4;
	v3 =	vld.idx.msk [tilespmem:v6+s2+$0x0], $0xffff  }
0x115: {  	v6 =	vor.u32 $0x5, v2;
	v4 =	vld.idx.msk [tilespmem:v1+s2+$0x0], $0xffff;
	[tilespmem:s26+$0x200] =	vst v8  }
0x116: {  	s4 =	simm.s32 $0x1100;
	v8 =	vor.u32 $0x1, v1;
	v5 =	vld.idx.msk [tilespmem:v5+s2+$0x0], $0xffff  }
0x117: {  	s24 =	sand.u32 $0x1C00, s4;
	v9 =	vor.u32 $0x6, v7  }
0x118: {  	s10 =	sadd.s32 $0x4480, s24  }
0x119: {  	s6 =	sor.u32 s22, s10;
	v10 =	vld.idx.msk [tilespmem:v0+s2+$0x0], $0xffff;
	[tilespmem:s7+$0x200] =	vst v3  }
0x11a: {  	v3 =	vld.idx.msk [tilespmem:v6+s2+$0x0], $0xffff;
	v6 =	vor.u32 $0x1, v0;
	[tilespmem:s6+$0x0] =	vst v4  }
0x11b: {  	v4 =	vld.idx.msk [tilespmem:v8+s2+$0x0], $0xffff;
	v8 =	vor.u32 $0x6, v2;
	[tilespmem:s26+$0x280] =	vst v5  }
0x11c: {  	s3 =	sand.u32 $0x3, s15;
	v5 =	vld.idx.msk [tilespmem:v9+s2+$0x0], $0xffff;
	v9 =	vor.u32 $0x2, v1  }
0x11d: {  	s3 =	sshll.u32 s3, $0x5;
	v11 =	vor.u32 $0x7, v7;
	s5 =	sor.u32 s23, s10  }
0x11e: {  	s3 =	sadd.s32 $0x1000, s3;
	[tilespmem:s5+$0x0] =	vst v10  }
0x11f: {  	s13 =	sadd.s32 $0x10, s3;
	v6 =	vld.idx.msk [tilespmem:v6+s2+$0x0], $0xffff;
	[tilespmem:s7+$0x280] =	vst v3  }
0x120: {  	s15 =	sor.u32 $0x300, s13;
	v3 =	vld.idx.msk [tilespmem:v8+s2+$0x0], $0xffff;
	v8 =	vor.u32 $0x2, v0;
	[tilespmem:s6+$0x80] =	vst v4  }
0x121: {  	v4 =	vld.idx.msk [tilespmem:v9+s2+$0x0], $0xffff;
	v9 =	vor.u32 $0x7, v2;
	[tilespmem:s15+$0x4480] =	vst v5  }
0x122: {  	v10 =	vor.u32 $0x3, v1;
	v5 =	vld.idx.msk [tilespmem:v11+s2+$0x0], $0xffff  }
0x123: {  	v11 =	vor.u32 $0x8, v7  }
0x124: {  	s3 =	sor.u32 $0x300, s3;
	[tilespmem:s5+$0x80] =	vst v6  }
0x125: {  	v6 =	vld.idx.msk [tilespmem:v8+s2+$0x0], $0xffff;
	[tilespmem:s3+$0x4480] =	vst v3;
	s3 =	simm.s32 $0x240  }
0x126: {  	s7 =	sor.u32 $0x380, s13;
	v8 =	vor.u32 $0x3, v0;
	v3 =	vld.idx.msk [tilespmem:v9+s2+$0x0], $0xffff;
	[tilespmem:s6+$0x100] =	vst v4;
	s25 =	sand.u32 $0x60, s3  }
0x127: {  	v9 =	vor.u32 $0x8, v2;
	s17 =	sand.u32 $0x380, s3;
	v4 =	vld.idx.msk [tilespmem:v10+s2+$0x0], $0xffff;
	[tilespmem:s7+$0x4480] =	vst v5;
	s26 =	sor.u32 $0x10, s25  }
0x128: {  	v5 =	vld.idx.msk [tilespmem:v11+s2+$0x0], $0xffff;
	s7 =	sor.u32 s26, s17  }
0x129: {  	s1 =	sor.u32 s19, s9;
	s18 =	simm.s32 $0x3EC0;
	v10 =	vor.u32 $0x4, v1;
	v11 =	vld [tilespmem:s7+$0x3C80]  }
0x12a: {  	s1 =	sor.u32 $0x380, s1;
	v12 =	vld [tilespmem:s18+$0x0];
	[tilespmem:s5+$0x100] =	vst v6;
	v6 =	vor.u32 $0x9, v7  }
0x12b: {  	v8 =	vld.idx.msk [tilespmem:v8+s2+$0x0], $0xffff;
	[tilespmem:s1+$0x4480] =	vst v3  }
0x12c: {  	s19 =	sadd.s32 $0x8480, s16;
	v13 =	vor.u32 $0x4, v0;
	v9 =	vld.idx.msk [tilespmem:v9+s2+$0x0], $0xffff  }
0x12d: {  	s9 =	sor.u32 s14, s19;
	v14 =	vor.u32 $0x9, v2;
	[tilespmem:s6+$0x180] =	vst v4  }
0x12e: {  	v10 =	vld.idx.msk [tilespmem:v10+s2+$0x0], $0xffff;
	[tilespmem:s9+$0x0] =	vst v5;
	v3 =	vshll.u32 v11, $0x4  }
0x12f: {  	v5 =	vld.idx.msk [tilespmem:v6+s2+$0x0], $0xffff;
	v6 =	vor.u32 $0x5, v1  }
0x130: {  	s1 =	sor.u32 s12, s19;
	v4 =	vshll.u32 v12, $0x4;
	[tilespmem:s5+$0x180] =	vst v8  }
0x131: {  	v8 =	vor.u32 $0xA, v7;
	v11 =	vld.idx.msk [tilespmem:v13+s2+$0x0], $0xffff;
	[tilespmem:s1+$0x0] =	vst v9  }
0x132: {  	s10 =	sadd.s32 $0x8500, s16;
	v12 =	vor.u32 $0x5, v0;
	v9 =	vld.idx.msk [tilespmem:v14+s2+$0x0], $0xffff  }
0x133: {  	s11 =	sor.u32 s14, s10;
	[tilespmem:s6+$0x200] =	vst v10;
	v10 =	vor.u32 $0xA, v2;
	v13 =	vld.idx.msk [tilespmem:v3+s2+$0x0], $0xffff  }
0x134: {  	s31 =	simm.s32 $0x1200;
	v6 =	vld.idx.msk [tilespmem:v6+s2+$0x0], $0xffff;
	[tilespmem:s11+$0x0] =	vst v5;
	v5 =	vor.u32 $0x1, v3  }
0x135: {  	s28 =	sand.u32 $0x1C00, s31;
	v15 =	vld.idx.msk [tilespmem:v4+s2+$0x0], $0xffff;
	v14 =	vor.u32 $0x6, v1  }
0x136: {  	s13 =	sadd.s32 $0x4480, s28;
	s1 =	sor.u32 s12, s10;
	v8 =	vld.idx.msk [tilespmem:v8+s2+$0x0], $0xffff;
	[tilespmem:s5+$0x200] =	vst v11  }
0x137: {  	s9 =	sor.u32 s26, s13;
	v11 =	vor.u32 $0xB, v7;
	v12 =	vld.idx.msk [tilespmem:v12+s2+$0x0], $0xffff;
	[tilespmem:s1+$0x0] =	vst v9  }
0x138: {  	v9 =	vor.u32 $0x1, v4;
	[tilespmem:s9+$0x0] =	vst v13;
	v10 =	vld.idx.msk [tilespmem:v10+s2+$0x0], $0xffff  }
0x139: {  	s15 =	sadd.s32 $0x8580, s16;
	v13 =	vor.u32 $0x6, v0;
	v5 =	vld.idx.msk [tilespmem:v5+s2+$0x0], $0xffff;
	[tilespmem:s6+$0x280] =	vst v6  }
0x13a: {  	s18 =	simm.s32 $0x1;
	s17 =	sor.u32 s14, s15;
	s19 =	simm.s32 $0x3EE0;
	v6 =	vld.idx.msk [tilespmem:v14+s2+$0x0], $0xffff;
	v14 =	vor.u32 $0xB, v2  }
0x13b: {  	v16 =	vld [tilespmem:s19+$0x0];
	s1 =	sor.u32 s25, s13;
	s6 =	sand.u32 $0x3, s18;
	[tilespmem:s17+$0x0] =	vst v8;
	v8 =	vor.u32 $0x2, v3  }
0x13c: {  	[tilespmem:s1+$0x0] =	vst v15;
	v15 =	vor.u32 $0x7, v1;
	s6 =	sshll.u32 s6, $0x5;
	v11 =	vld.idx.msk [tilespmem:v11+s2+$0x0], $0xffff  }
0x13d: {  	s11 =	sor.u32 s12, s15;
	s13 =	sadd.s32 $0x1100, s6;
	v9 =	vld.idx.msk [tilespmem:v9+s2+$0x0], $0xffff;
	[tilespmem:s5+$0x280] =	vst v12;
	v12 =	vor.u32 $0xC, v7  }
0x13e: {  	s17 =	sadd.s32 $0x8600, s16;
	s6 =	sadd.s32 $0x10, s13;
	v13 =	vld.idx.msk [tilespmem:v13+s2+$0x0], $0xffff;
	[tilespmem:s11+$0x0] =	vst v10  }
0x13f: {  	s5 =	sor.u32 $0x300, s13;
	s13 =	simm.s32 $0x260;
	v10 =	vor.u32 $0x2, v4;
	s15 =	sor.u32 $0x300, s6;
	[tilespmem:s9+$0x80] =	vst v5;
	v5 =	vld.idx.msk [tilespmem:v14+s2+$0x0], $0xffff  }
0x140: {  	s18 =	sor.u32 s14, s17;
	s30 =	sand.u32 $0x60, s13;
	v14 =	vor.u32 $0x7, v0;
	v8 =	vld.idx.msk [tilespmem:v8+s2+$0x0], $0xffff;
	[tilespmem:s15+$0x4480] =	vst v6  }
0x141: {  	s19 =	sor.u32 s12, s17;
	s17 =	sand.u32 $0x380, s13;
	s29 =	sor.u32 $0x10, s30;
	v6 =	vor.u32 $0xC, v2;
	v15 =	vld.idx.msk [tilespmem:v15+s2+$0x0], $0xffff;
	[tilespmem:s18+$0x0] =	vst v11  }
0x142: {  	v11 =	vor.u32 $0x3, v3;
	s18 =	sor.u32 s29, s17;
	v12 =	vld.idx.msk [tilespmem:v12+s2+$0x0], $0xffff  }
0x143: {  	[tilespmem:s1+$0x80] =	vst v9;
	v9 =	vor.u32 $0x8, v1;
	v18 =	vld [tilespmem:s18+$0x3C80]  }
0x144: {  	v10 =	vld.idx.msk [tilespmem:v10+s2+$0x0], $0xffff;
	[tilespmem:s5+$0x4480] =	vst v13;
	v13 =	vor.u32 $0xD, v7  }
0x145: {  	v14 =	vld.idx.msk [tilespmem:v14+s2+$0x0], $0xffff;
	[tilespmem:s19+$0x0] =	vst v5;
	v5 =	vor.u32 $0x3, v4  }
0x146: {  	v17 =	vor.u32 $0x8, v0;
	s10 =	sor.u32 $0x380, s6;
	s11 =	sadd.s32 $0x8680, s16;
	[tilespmem:s9+$0x100] =	vst v8;
	v8 =	vld.idx.msk [tilespmem:v6+s2+$0x0], $0xffff  }
0x147: {  	s15 =	sor.u32 s14, s11;
	v11 =	vld.idx.msk [tilespmem:v11+s2+$0x0], $0xffff;
	[tilespmem:s10+$0x4480] =	vst v15;
	v6 =	vshll.u32 v16, $0x4  }
0x148: {  	s0 =	sor.u32 s4, s0;
	v9 =	vld.idx.msk [tilespmem:v9+s2+$0x0], $0xffff;
	[tilespmem:s15+$0x0] =	vst v12;
	v12 =	vor.u32 $0x4, v3  }
0x149: {  	s0 =	sor.u32 $0x380, s0;
	v15 =	vor.u32 $0xD, v2;
	v13 =	vld.idx.msk [tilespmem:v13+s2+$0x0], $0xffff;
	[tilespmem:s1+$0x100] =	vst v10  }
0x14a: {  	s19 =	sor.u32 s12, s11;
	v10 =	vor.u32 $0x9, v1;
	v19 =	vld.idx.msk [tilespmem:v5+s2+$0x0], $0xffff;
	[tilespmem:s0+$0x4480] =	vst v14  }
0x14b: {  	v14 =	vor.u32 $0xE, v7;
	v16 =	vld.idx.msk [tilespmem:v17+s2+$0x0], $0xffff;
	[tilespmem:s19+$0x0] =	vst v8  }
0x14c: {  	s5 =	sadd.s32 $0x8480, s24;
	v8 =	vor.u32 $0x4, v4;
	[tilespmem:s9+$0x180] =	vst v11;
	v11 =	vld.idx.msk [tilespmem:v6+s2+$0x0], $0xffff  }
0x14d: {  	s7 =	sadd.s32 $0x8700, s16;
	s6 =	sor.u32 s22, s5;
	v17 =	vor.u32 $0x9, v0;
	v12 =	vld.idx.msk [tilespmem:v12+s2+$0x0], $0xffff  }
0x14e: {  	s10 =	sor.u32 s14, s7;
	v5 =	vshll.u32 v18, $0x4;
	v15 =	vld.idx.msk [tilespmem:v15+s2+$0x0], $0xffff;
	[tilespmem:s6+$0x0] =	vst v9  }
0x14f: {  	v9 =	vld.idx.msk [tilespmem:v10+s2+$0x0], $0xffff;
	[tilespmem:s10+$0x0] =	vst v13;
	v10 =	vor.u32 $0x5, v3  }
0x150: {  	s0 =	sor.u32 s23, s5;
	v13 =	vld.idx.msk [tilespmem:v14+s2+$0x0], $0xffff;
	[tilespmem:s1+$0x180] =	vst v19;
	v14 =	vor.u32 $0xA, v1  }
0x151: {  	v7 =	vor.u32 $0xF, v7;
	v8 =	vld.idx.msk [tilespmem:v8+s2+$0x0], $0xffff;
	[tilespmem:s0+$0x0] =	vst v16  }
0x152: {  	s11 =	sadd.s32 $0x8500, s24;
	s5 =	sor.u32 s12, s7;
	v16 =	vld.idx.msk [tilespmem:v17+s2+$0x0], $0xffff;
	v17 =	vor.u32 $0xE, v2;
	[tilespmem:s9+$0x200] =	vst v12  }
0x153: {  	s18 =	sadd.s32 $0x8780, s16;
	s17 =	sor.u32 s22, s11;
	v18 =	vld.idx.msk [tilespmem:v5+s2+$0x0], $0xffff;
	v12 =	vor.u32 $0x5, v4;
	[tilespmem:s5+$0x0] =	vst v15  }
0x154: {  	s19 =	sor.u32 s14, s18;
	v19 =	vld.idx.msk [tilespmem:v10+s2+$0x0], $0xffff;
	[tilespmem:s17+$0x0] =	vst v9;
	v9 =	vor.u32 $0xA, v0;
	s17 =	simm.s32 $0x1300  }
0x155: {  	v20 =	vor.u32 $0x1, v5;
	s0 =	sand.u32 $0x1C00, s17;
	[tilespmem:s19+$0x0] =	vst v13;
	v14 =	vld.idx.msk [tilespmem:v14+s2+$0x0], $0xffff  }
0x156: {  	v21 =	vor.u32 $0x6, v3;
	s7 =	sor.u32 s23, s11;
	s4 =	sadd.s32 $0x4480, s0;
	v22 =	vld.idx.msk [tilespmem:v7+s2+$0x0], $0xffff;
	[tilespmem:s1+$0x200] =	vst v8  }
0x157: {  	v23 =	vor.u32 $0xB, v1;
	s3 =	sor.u32 s31, s3;
	s5 =	sor.u32 s29, s4;
	v7 =	vld.idx.msk [tilespmem:v17+s2+$0x0], $0xffff;
	[tilespmem:s7+$0x0] =	vst v16  }
0x158: {  	s15 =	sor.u32 $0x380, s3;
	s11 =	sadd.s32 $0x8580, s24;
	s10 =	sor.u32 s17, s13;
	v13 =	vld.idx.msk [tilespmem:v12+s2+$0x0], $0xffff;
	[tilespmem:s5+$0x0] =	vst v18  }
0x159: {  	s18 =	sor.u32 s12, s18;
	s3 =	sor.u32 $0x380, s10;
	s10 =	sor.u32 s22, s11;
	v16 =	vor.u32 $0x1, v6;
	v10 =	vld.idx.msk [tilespmem:v9+s2+$0x0], $0xffff;
	[tilespmem:s9+$0x280] =	vst v19  }
0x15a: {  	s19 =	simm.s32 $0x26;
	s11 =	sor.u32 s23, s11;
	v15 =	vld.idx.msk [tilespmem:v20+s2+$0x0], $0xffff;
	s9 =	sadd.s32 $0x8800, s16;
	[tilespmem:s10+$0x0] =	vst v14;
	v14 =	vor.u32 $0x6, v4  }
0x15b: {  	s6 =	sor.u32 s30, s4;
	v8 =	vor.u32 $0xB, v0;
	s16 =	simm.s32 $0x2;
	v12 =	vld.idx.msk [tilespmem:v21+s2+$0x0], $0xffff;
	s10 =	sor.u32 s14, s9  }
0x15c: {  	v17 =	vor.u32 $0x2, v5;
	s12 =	sor.u32 s12, s9;
	s14 =	simm.s32 $0x3F00;
	s9 =	sand.u32 $0x3, s16;
	[tilespmem:s10+$0x0] =	vst v22;
	v9 =	vld.idx.msk [tilespmem:v23+s2+$0x0], $0xffff  }
.LBB2_4:
0x15d: {  	v18 =	vld [tilespmem:s14+$0x0];
	[tilespmem:s6+$0x0] =	vst v11;
	s7 =	sshll.u32 s9, $0x5;
	v11 =	vor.u32 $0x7, v3;
	s4 =	smov.u32 s25;
	s25 =	smov.u32 s30  }
0x15e: {  	s9 =	smov.u32 s22;
	s22 =	smov.u32 s26;
	v16 =	vld.idx.msk [tilespmem:v16+s2+$0x0], $0xffff;
	[tilespmem:s1+$0x280] =	vst v13;
	s1 =	sadd.s32 s7, s31;
	v13 =	vor.u32 $0xC, v1  }
0x15f: {  	s26 =	smov.u32 s29;
	v14 =	vld.idx.msk [tilespmem:v14+s2+$0x0], $0xffff;
	s7 =	sor.u32 $0x300, s1;
	s30 =	sadd.s32 $0x10, s1;
	[tilespmem:s11+$0x0] =	vst v10;
	v10 =	vor.u32 $0xF, v2;
	v2 =	vmovc v0;
	v0 =	vmov v4;
	v4 =	vmov v6  }
0x160: {  	s10 =	sadd.s32 $0x8600, s24;
	s31 =	smov.u32 s17;
	v6 =	vor.u32 $0x2, v4;
	[tilespmem:s5+$0x80] =	vst v15;
	s1 =	sor.u32 $0x300, s30;
	v8 =	vld.idx.msk [tilespmem:v8+s2+$0x0], $0xffff  }
0x161: {  	s29 =	sor.u32 s23, s10;
	v15 =	vld.idx.msk [tilespmem:v17+s2+$0x0], $0xffff;
	v17 =	vor.u32 $0x7, v0;
	[tilespmem:s1+$0x4480] =	vst v12;
	s1 =	sor.u32 s9, s10;
	s10 =	smov.u32 s24  }
0x162: {  	v12 =	vor.u32 $0xC, v2;
	s24 =	smov.u32 s28;
	s28 =	smov.u32 s0;
	v11 =	vld.idx.msk [tilespmem:v11+s2+$0x0], $0xffff;
	[tilespmem:s1+$0x0] =	vst v9;
	s1 =	smov.u32 s6  }
0x163: {  	s11 =	smov.u32 s5;
	v9 =	vor.u32 $0x3, v5;
	v13 =	vld.idx.msk [tilespmem:v13+s2+$0x0], $0xffff;
	[tilespmem:s18+$0x0] =	vst v7  }
0x164: {  	v7 =	vor.u32 $0x8, v3;
	[tilespmem:s1+$0x80] =	vst v16;
	v10 =	vld.idx.msk [tilespmem:v10+s2+$0x0], $0xffff  }
0x165: {  	v6 =	vld.idx.msk [tilespmem:v6+s2+$0x0], $0xffff;
	[tilespmem:s7+$0x4480] =	vst v14;
	v14 =	vor.u32 $0xD, v1  }
0x166: {  	v16 =	vld.idx.msk [tilespmem:v17+s2+$0x0], $0xffff;
	[tilespmem:s29+$0x0] =	vst v8  }
0x167: {  	s13 =	sadd.s32 $0x20, s13;
	s0 =	sor.u32 $0x380, s30;
	s5 =	sadd.s32 $0x8680, s10;
	v8 =	vor.u32 $0x3, v4;
	[tilespmem:s11+$0x100] =	vst v15;
	v12 =	vld.idx.msk [tilespmem:v12+s2+$0x0], $0xffff  }
0x168: {  	s19 =	sadd.s32 $0x2, s19;
	s30 =	sand.u32 $0x60, s13;
	v15 =	vor.u32 $0x8, v0;
	v9 =	vld.idx.msk [tilespmem:v9+s2+$0x0], $0xffff;
	[tilespmem:s0+$0x4480] =	vst v11;
	s0 =	sor.u32 s9, s5  }
0x169: {  	p0 =	slt.u32 s19, $0x3E;
	s6 =	sand.u32 $0x380, s13;
	s29 =	sor.u32 $0x10, s30;
	v11 =	vor.u32 $0xD, v2;
	v7 =	vld.idx.msk [tilespmem:v7+s2+$0x0], $0xffff;
	[tilespmem:s0+$0x0] =	vst v13  }
0x16a: {  	s5 =	sor.u32 s23, s5;
	s0 =	sor.u32 s29, s6;
	v13 =	vor.u32 $0x4, v5;
	v14 =	vld.idx.msk [tilespmem:v14+s2+$0x0], $0xffff;
	[tilespmem:s12+$0x0] =	vst v10  }
0x16b: {  	v17 =	vor.u32 $0x9, v3;
	v10 =	vld [tilespmem:s0+$0x3C80];
	[tilespmem:s1+$0x100] =	vst v6  }
0x16c: {  	v8 =	vld.idx.msk [tilespmem:v8+s2+$0x0], $0xffff;
	[tilespmem:s15+$0x4480] =	vst v16;
	v16 =	vor.u32 $0xE, v1;
	s15 =	smov.u32 s3  }
0x16d: {  	v6 =	vshll.u32 v18, $0x4;
	s0 =	sadd.s32 $0x8480, s24;
	v15 =	vld.idx.msk [tilespmem:v15+s2+$0x0], $0xffff;
	[tilespmem:s5+$0x0] =	vst v12  }
0x16e: {  	s3 =	sor.u32 s4, s0;
	s0 =	sor.u32 s22, s0;
	v12 =	vor.u32 $0x4, v4;
	s5 =	sadd.s32 $0x8700, s10;
	[tilespmem:s11+$0x180] =	vst v9;
	v9 =	vld.idx.msk [tilespmem:v11+s2+$0x0], $0xffff  }
0x16f: {  	v18 =	vor.u32 $0x9, v0;
	v13 =	vld.idx.msk [tilespmem:v13+s2+$0x0], $0xffff;
	[tilespmem:s0+$0x0] =	vst v7;
	s0 =	sor.u32 s23, s5;
	s5 =	sor.u32 s9, s5  }
0x170: {  	v7 =	vshll.u32 v10, $0x4;
	v10 =	vld.idx.msk [tilespmem:v17+s2+$0x0], $0xffff;
	[tilespmem:s5+$0x0] =	vst v14  }
0x171: {  	v14 =	vor.u32 $0x5, v5;
	v16 =	vld.idx.msk [tilespmem:v16+s2+$0x0], $0xffff  }
0x172: {  	v11 =	vld.idx.msk [tilespmem:v6+s2+$0x0], $0xffff;
	[tilespmem:s1+$0x180] =	vst v8;
	v8 =	vor.u32 $0xA, v3  }
0x173: {  	v12 =	vld.idx.msk [tilespmem:v12+s2+$0x0], $0xffff;
	[tilespmem:s3+$0x0] =	vst v15;
	v15 =	vor.u32 $0xF, v1;
	v1 =	vmovc v3;
	v3 =	vmov v5;
	v5 =	vmov v7  }
0x174: {  	s3 =	sadd.s32 $0x8500, s24;
	v17 =	vld.idx.msk [tilespmem:v18+s2+$0x0], $0xffff;
	[tilespmem:s0+$0x0] =	vst v9;
	v9 =	vor.u32 $0xE, v2  }
0x175: {  	v19 =	vor.u32 $0x5, v4;
	s7 =	sor.u32 s4, s3;
	s0 =	sor.u32 s22, s3;
	s3 =	sadd.s32 $0x8780, s10;
	v18 =	vld.idx.msk [tilespmem:v7+s2+$0x0], $0xffff;
	[tilespmem:s11+$0x200] =	vst v13  }
0x176: {  	s18 =	sor.u32 s23, s3;
	v20 =	vld.idx.msk [tilespmem:v14+s2+$0x0], $0xffff;
	v14 =	vor.u32 $0xA, v0;
	[tilespmem:s0+$0x0] =	vst v10;
	s0 =	sor.u32 s9, s3  }
0x177: {  	s17 =	sadd.s32 $0x100, s17;
	v21 =	vor.u32 $0x1, v5;
	v22 =	vld.idx.msk [tilespmem:v8+s2+$0x0], $0xffff;
	[tilespmem:s0+$0x0] =	vst v16  }
0x178: {  	s3 =	sor.u32 s17, s13;
	s0 =	sand.u32 $0x1C00, s17;
	v8 =	vor.u32 $0x6, v3;
	v23 =	vld.idx.msk [tilespmem:v15+s2+$0x0], $0xffff  }
0x179: {  	v24 =	vor.u32 $0xB, v1;
	s3 =	sor.u32 $0x380, s3;
	s5 =	sadd.s32 $0x4480, s0;
	[tilespmem:s1+$0x200] =	vst v12;
	v7 =	vld.idx.msk [tilespmem:v9+s2+$0x0], $0xffff  }
.Ltmp1:
0x17a: {  	s6 =	sor.u32 s30, s5;
	s5 =	sor.u32 s29, s5;
	v13 =	vld.idx.msk [tilespmem:v19+s2+$0x0], $0xffff;
	[tilespmem:s7+$0x0] =	vst v17;
	(pc) =	sbr.rel @p0 .LBB2_4-.Ltmp1, $4  }
0x17b: {  	v16 =	vor.u32 $0x1, v6;
	s7 =	sadd.s32 $0x8580, s24;
	[tilespmem:s5+$0x0] =	vst v18;
	v10 =	vld.idx.msk [tilespmem:v14+s2+$0x0], $0xffff  }
0x17c: {  	s10 =	sadd.s32 $0x8800, s10;
	v14 =	vor.u32 $0x6, v4;
	v15 =	vld.idx.msk [tilespmem:v21+s2+$0x0], $0xffff;
	[tilespmem:s11+$0x280] =	vst v20;
	s11 =	sor.u32 s4, s7;
	s7 =	sor.u32 s22, s7  }
0x17d: {  	s16 =	sadd.s32 $0x1, s16;
	s12 =	sor.u32 s23, s10;
	v12 =	vld.idx.msk [tilespmem:v8+s2+$0x0], $0xffff;
	v8 =	vor.u32 $0xB, v0;
	[tilespmem:s7+$0x0] =	vst v22;
	s7 =	sor.u32 s9, s10  }
0x17e: {  	s14 =	sadd.s32 $0x20, s14;
	s23 =	smov.u32 s4;
	v17 =	vor.u32 $0x2, v5;
	s9 =	sand.u32 $0x3, s16;
	v9 =	vld.idx.msk [tilespmem:v24+s2+$0x0], $0xffff;
	[tilespmem:s7+$0x0] =	vst v23  }
0x17f: {  	_ =	sdelay $0x2  }
0x180: {  	[tilespmem:s6+$0x0] =	vst v11  }
0x181: {  	v11 =	vld.idx.msk [tilespmem:v16+s2+$0x0], $0xffff  }
0x182: {  	v16 =	vor.u32 $0x2, v6;
	_ =	sdelay $0x2  }
0x183: {  	[tilespmem:s5+$0x80] =	vst v15  }
0x184: {  	v15 =	vld.idx.msk [tilespmem:v17+s2+$0x0], $0xffff;
	[tilespmem:s6+$0x80] =	vst v11  }
0x185: {  	v11 =	vor.u32 $0x3, v5;
	v16 =	vld.idx.msk [tilespmem:v16+s2+$0x0], $0xffff  }
0x186: {  	v17 =	vor.u32 $0x3, v6;
	_ =	sdelay $0x2  }
0x187: {  	[tilespmem:s5+$0x100] =	vst v15  }
0x188: {  	v11 =	vld.idx.msk [tilespmem:v11+s2+$0x0], $0xffff;
	[tilespmem:s6+$0x100] =	vst v16  }
0x189: {  	v15 =	vor.u32 $0x4, v5;
	v16 =	vld.idx.msk [tilespmem:v17+s2+$0x0], $0xffff  }
0x18a: {  	v17 =	vor.u32 $0x4, v6;
	_ =	sdelay $0x2  }
0x18b: {  	[tilespmem:s5+$0x180] =	vst v11  }
0x18c: {  	v11 =	vld.idx.msk [tilespmem:v15+s2+$0x0], $0xffff;
	[tilespmem:s6+$0x180] =	vst v16  }
0x18d: {  	v15 =	vor.u32 $0x5, v5;
	v16 =	vld.idx.msk [tilespmem:v17+s2+$0x0], $0xffff  }
0x18e: {  	v17 =	vor.u32 $0x5, v6;
	_ =	sdelay $0x2  }
0x18f: {  	[tilespmem:s5+$0x200] =	vst v11  }
0x190: {  	v11 =	vld.idx.msk [tilespmem:v15+s2+$0x0], $0xffff;
	[tilespmem:s6+$0x200] =	vst v16  }
0x191: {  	v15 =	vor.u32 $0x6, v5;
	v16 =	vld.idx.msk [tilespmem:v17+s2+$0x0], $0xffff  }
0x192: {  	v17 =	vor.u32 $0x6, v6;
	_ =	sdelay $0x1  }
0x193: {  	[tilespmem:s1+$0x280] =	vst v13  }
0x194: {  	s9 =	sshll.u32 s9, $0x5;
	v13 =	vor.u32 $0x7, v3;
	s4 =	sadd.s32 $0x1, s16;
	v14 =	vld.idx.msk [tilespmem:v14+s2+$0x0], $0xffff;
	[tilespmem:s5+$0x280] =	vst v11  }
0x195: {  	s1 =	sadd.s32 s9, s31;
	s4 =	sand.u32 $0x3, s4;
	v11 =	vor.u32 $0x7, v4;
	v15 =	vld.idx.msk [tilespmem:v15+s2+$0x0], $0xffff;
	[tilespmem:s6+$0x280] =	vst v16  }
0x196: {  	s10 =	sadd.s32 $0x10, s1;
	s4 =	sshll.u32 s4, $0x5;
	v16 =	vor.u32 $0x7, v5;
	v17 =	vld.idx.msk [tilespmem:v17+s2+$0x0], $0xffff  }
0x197: {  	v18 =	vor.u32 $0x7, v6;
	s13 =	sor.u32 $0x300, s10;
	s4 =	sadd.s32 s4, s17  }
0x198: {  	s1 =	sor.u32 $0x300, s1;
	[tilespmem:s13+$0x4480] =	vst v12;
	s14 =	sadd.s32 $0x10, s4  }
0x199: {  	v12 =	vld.idx.msk [tilespmem:v13+s2+$0x0], $0xffff;
	s16 =	sor.u32 $0x300, s14;
	[tilespmem:s1+$0x4480] =	vst v14  }
0x19a: {  	s4 =	sor.u32 $0x300, s4;
	v13 =	vor.u32 $0x8, v3;
	v11 =	vld.idx.msk [tilespmem:v11+s2+$0x0], $0xffff;
	[tilespmem:s16+$0x4480] =	vst v15  }
0x19b: {  	v14 =	vor.u32 $0x8, v4;
	v15 =	vld.idx.msk [tilespmem:v16+s2+$0x0], $0xffff;
	[tilespmem:s4+$0x4480] =	vst v17  }
0x19c: {  	v16 =	vor.u32 $0x8, v5;
	v17 =	vld.idx.msk [tilespmem:v18+s2+$0x0], $0xffff  }
0x19d: {  	s17 =	sor.u32 $0x380, s10;
	v18 =	vor.u32 $0x8, v6  }
0x19e: {  	[tilespmem:s17+$0x4480] =	vst v12  }
0x19f: {  	s19 =	sor.u32 $0x380, s14;
	v12 =	vld.idx.msk [tilespmem:v13+s2+$0x0], $0xffff;
	[tilespmem:s15+$0x4480] =	vst v11  }
0x1a0: {  	v11 =	vor.u32 $0x9, v3;
	v13 =	vld.idx.msk [tilespmem:v14+s2+$0x0], $0xffff;
	[tilespmem:s19+$0x4480] =	vst v15  }
0x1a1: {  	v14 =	vor.u32 $0x9, v4;
	v15 =	vld.idx.msk [tilespmem:v16+s2+$0x0], $0xffff;
	[tilespmem:s3+$0x4480] =	vst v17  }
0x1a2: {  	s4 =	sadd.s32 $0x8480, s28;
	v16 =	vor.u32 $0x9, v5;
	v17 =	vld.idx.msk [tilespmem:v18+s2+$0x0], $0xffff  }
0x1a3: {  	s5 =	sor.u32 s26, s4;
	v18 =	vor.u32 $0x9, v6  }
0x1a4: {  	s6 =	sadd.s32 $0x8480, s0;
	s1 =	sor.u32 s25, s4;
	[tilespmem:s5+$0x0] =	vst v12  }
0x1a5: {  	s7 =	sor.u32 s29, s6;
	v11 =	vld.idx.msk [tilespmem:v11+s2+$0x0], $0xffff;
	[tilespmem:s1+$0x0] =	vst v13  }
0x1a6: {  	v12 =	vor.u32 $0xA, v3;
	s3 =	sor.u32 s30, s6;
	v13 =	vld.idx.msk [tilespmem:v14+s2+$0x0], $0xffff;
	[tilespmem:s7+$0x0] =	vst v15  }
0x1a7: {  	v14 =	vor.u32 $0xA, v4;
	v15 =	vld.idx.msk [tilespmem:v16+s2+$0x0], $0xffff;
	[tilespmem:s3+$0x0] =	vst v17  }
0x1a8: {  	s9 =	sadd.s32 $0x8500, s28;
	v16 =	vor.u32 $0xA, v5;
	v17 =	vld.idx.msk [tilespmem:v18+s2+$0x0], $0xffff  }
0x1a9: {  	[tilespmem:s11+$0x0] =	vst v10;
	v10 =	vor.u32 $0xA, v6;
	s10 =	sor.u32 s26, s9  }
0x1aa: {  	s11 =	sadd.s32 $0x8500, s0;
	s1 =	sor.u32 s25, s9;
	[tilespmem:s10+$0x0] =	vst v11  }
0x1ab: {  	s13 =	sor.u32 s29, s11;
	v11 =	vor.u32 $0xC, v1;
	v12 =	vld.idx.msk [tilespmem:v12+s2+$0x0], $0xffff;
	[tilespmem:s1+$0x0] =	vst v13  }
0x1ac: {  	s14 =	sadd.s32 $0x8600, s24;
	s3 =	sor.u32 s30, s11;
	v13 =	vor.u32 $0xB, v3;
	v14 =	vld.idx.msk [tilespmem:v14+s2+$0x0], $0xffff;
	[tilespmem:s13+$0x0] =	vst v15  }
0x1ad: {  	s15 =	sor.u32 s22, s14;
	v15 =	vor.u32 $0xB, v4;
	v16 =	vld.idx.msk [tilespmem:v16+s2+$0x0], $0xffff;
	[tilespmem:s3+$0x0] =	vst v17  }
0x1ae: {  	s16 =	sadd.s32 $0x8580, s28;
	[tilespmem:s15+$0x0] =	vst v9;
	v9 =	vor.u32 $0xB, v5;
	v10 =	vld.idx.msk [tilespmem:v10+s2+$0x0], $0xffff  }
0x1af: {  	[tilespmem:s18+$0x0] =	vst v7;
	v7 =	vor.u32 $0xB, v6;
	v8 =	vld.idx.msk [tilespmem:v8+s2+$0x0], $0xffff;
	s17 =	sor.u32 s26, s16  }
0x1b0: {  	v2 =	vor.u32 $0xF, v2;
	s18 =	sadd.s32 $0x8580, s0;
	s1 =	sor.u32 s25, s16;
	v11 =	vld.idx.msk [tilespmem:v11+s2+$0x0], $0xffff;
	[tilespmem:s17+$0x0] =	vst v12  }
0x1b1: {  	s19 =	sor.u32 s29, s18;
	v12 =	vor.u32 $0xC, v0;
	v13 =	vld.idx.msk [tilespmem:v13+s2+$0x0], $0xffff;
	[tilespmem:s1+$0x0] =	vst v14  }
0x1b2: {  	s3 =	sor.u32 s30, s18;
	v14 =	vor.u32 $0xC, v3;
	v15 =	vld.idx.msk [tilespmem:v15+s2+$0x0], $0xffff;
	[tilespmem:s19+$0x0] =	vst v16  }
0x1b3: {  	s4 =	sor.u32 s23, s14;
	s5 =	sadd.s32 $0x8680, s24;
	v16 =	vor.u32 $0xC, v4;
	v9 =	vld.idx.msk [tilespmem:v9+s2+$0x0], $0xffff;
	[tilespmem:s3+$0x0] =	vst v10  }
0x1b4: {  	[tilespmem:s4+$0x0] =	vst v8;
	v8 =	vor.u32 $0xC, v5;
	s6 =	sor.u32 s22, s5;
	s7 =	sadd.s32 $0x8600, s28;
	v7 =	vld.idx.msk [tilespmem:v7+s2+$0x0], $0xffff  }
0x1b5: {  	v2 =	vld.idx.msk [tilespmem:v2+s2+$0x0], $0xffff;
	s9 =	sor.u32 s26, s7;
	[tilespmem:s6+$0x0] =	vst v11;
	v10 =	vor.u32 $0xC, v6  }
0x1b6: {  	s10 =	sadd.s32 $0x8600, s0;
	v11 =	vor.u32 $0xD, v1;
	v12 =	vld.idx.msk [tilespmem:v12+s2+$0x0], $0xffff;
	s3 =	sor.u32 s25, s7;
	[tilespmem:s9+$0x0] =	vst v13  }
0x1b7: {  	s11 =	sor.u32 s29, s10;
	v13 =	vor.u32 $0xD, v0;
	v14 =	vld.idx.msk [tilespmem:v14+s2+$0x0], $0xffff;
	[tilespmem:s3+$0x0] =	vst v15  }
0x1b8: {  	s1 =	sor.u32 s30, s10;
	v15 =	vor.u32 $0xD, v3;
	v16 =	vld.idx.msk [tilespmem:v16+s2+$0x0], $0xffff;
	[tilespmem:s11+$0x0] =	vst v9  }
0x1b9: {  	v9 =	vor.u32 $0xD, v4;
	v8 =	vld.idx.msk [tilespmem:v8+s2+$0x0], $0xffff;
	[tilespmem:s1+$0x0] =	vst v7  }
0x1ba: {  	[tilespmem:s12+$0x0] =	vst v2;
	v2 =	vor.u32 $0xD, v5;
	s14 =	sadd.s32 $0x8680, s28;
	s13 =	sor.u32 s23, s5;
	v7 =	vld.idx.msk [tilespmem:v10+s2+$0x0], $0xffff  }
0x1bb: {  	s15 =	sor.u32 s26, s14;
	[tilespmem:s13+$0x0] =	vst v12;
	v10 =	vld.idx.msk [tilespmem:v11+s2+$0x0], $0xffff;
	v11 =	vor.u32 $0xD, v6  }
0x1bc: {  	s16 =	sor.u32 s25, s14;
	s17 =	sadd.s32 $0x8680, s0;
	v12 =	vor.u32 $0xE, v1;
	v13 =	vld.idx.msk [tilespmem:v13+s2+$0x0], $0xffff;
	[tilespmem:s15+$0x0] =	vst v14  }
0x1bd: {  	s18 =	sor.u32 s29, s17;
	v14 =	vor.u32 $0xE, v0;
	v15 =	vld.idx.msk [tilespmem:v15+s2+$0x0], $0xffff;
	[tilespmem:s16+$0x0] =	vst v16  }
0x1be: {  	s19 =	sadd.s32 $0x8700, s24;
	s3 =	sor.u32 s30, s17;
	v16 =	vor.u32 $0xE, v3;
	v9 =	vld.idx.msk [tilespmem:v9+s2+$0x0], $0xffff;
	[tilespmem:s18+$0x0] =	vst v8  }
0x1bf: {  	s5 =	sor.u32 s22, s19;
	v8 =	vor.u32 $0xE, v4;
	v2 =	vld.idx.msk [tilespmem:v2+s2+$0x0], $0xffff;
	[tilespmem:s3+$0x0] =	vst v7  }
0x1c0: {  	s6 =	sor.u32 s23, s19;
	s7 =	sadd.s32 $0x8700, s28;
	[tilespmem:s5+$0x0] =	vst v10;
	v7 =	vor.u32 $0xE, v5;
	v10 =	vld.idx.msk [tilespmem:v11+s2+$0x0], $0xffff  }
0x1c1: {  	s9 =	sor.u32 s26, s7;
	[tilespmem:s6+$0x0] =	vst v13;
	v11 =	vld.idx.msk [tilespmem:v12+s2+$0x0], $0xffff;
	v12 =	vor.u32 $0xE, v6  }
0x1c2: {  	s10 =	sadd.s32 $0x8700, s0;
	v1 =	vor.u32 $0xF, v1;
	v13 =	vld.idx.msk [tilespmem:v14+s2+$0x0], $0xffff;
	s3 =	sor.u32 s25, s7;
	[tilespmem:s9+$0x0] =	vst v15  }
0x1c3: {  	s11 =	sor.u32 s29, s10;
	v0 =	vor.u32 $0xF, v0;
	v14 =	vld.idx.msk [tilespmem:v16+s2+$0x0], $0xffff;
	[tilespmem:s3+$0x0] =	vst v9  }
0x1c4: {  	s12 =	sadd.s32 $0x8780, s24;
	s1 =	sor.u32 s30, s10;
	v3 =	vor.u32 $0xF, v3;
	v8 =	vld.idx.msk [tilespmem:v8+s2+$0x0], $0xffff;
	[tilespmem:s11+$0x0] =	vst v2  }
0x1c5: {  	s13 =	sor.u32 s22, s12;
	v2 =	vor.u32 $0xF, v4;
	v4 =	vld.idx.msk [tilespmem:v7+s2+$0x0], $0xffff;
	[tilespmem:s1+$0x0] =	vst v10  }
0x1c6: {  	s14 =	sor.u32 s23, s12;
	s15 =	sadd.s32 $0x8780, s28;
	v5 =	vor.u32 $0xF, v5;
	[tilespmem:s13+$0x0] =	vst v11;
	v7 =	vld.idx.msk [tilespmem:v12+s2+$0x0], $0xffff  }
0x1c7: {  	s16 =	sor.u32 s26, s15;
	v6 =	vor.u32 $0xF, v6;
	[tilespmem:s14+$0x0] =	vst v13;
	v1 =	vld.idx.msk [tilespmem:v1+s2+$0x0], $0xffff  }
0x1c8: {  	s17 =	sadd.s32 $0x8780, s0;
	s3 =	sor.u32 s25, s15;
	v0 =	vld.idx.msk [tilespmem:v0+s2+$0x0], $0xffff;
	[tilespmem:s16+$0x0] =	vst v14  }
0x1c9: {  	s18 =	sor.u32 s29, s17;
	v3 =	vld.idx.msk [tilespmem:v3+s2+$0x0], $0xffff;
	[tilespmem:s3+$0x0] =	vst v8  }
0x1ca: {  	s19 =	sadd.s32 $0x8800, s24;
	s1 =	sor.u32 s30, s17;
	v2 =	vld.idx.msk [tilespmem:v2+s2+$0x0], $0xffff;
	[tilespmem:s18+$0x0] =	vst v4  }
0x1cb: {  	s24 =	sor.u32 s22, s19;
	v4 =	vld.idx.msk [tilespmem:v5+s2+$0x0], $0xffff;
	[tilespmem:s1+$0x0] =	vst v7  }
0x1cc: {  	s6 =	sadd.s32 $0x8800, s28;
	s5 =	sor.u32 s23, s19;
	[tilespmem:s24+$0x0] =	vst v1;
	v1 =	vld.idx.msk [tilespmem:v6+s2+$0x0], $0xffff  }
0x1cd: {  	s7 =	sor.u32 s26, s6;
	[tilespmem:s5+$0x0] =	vst v0  }
0x1ce: {  	s9 =	sadd.s32 $0x8800, s0;
	s3 =	sor.u32 s25, s6;
	[tilespmem:s7+$0x0] =	vst v3  }
0x1cf: {  	s10 =	sor.u32 s29, s9;
	[tilespmem:s3+$0x0] =	vst v2  }
0x1d0: {  	s0 =	sor.u32 s30, s9;
	[tilespmem:s10+$0x0] =	vst v4  }
0x1d1: {  	s12 =	simm.s32 $0x5480;
	[tilespmem:s0+$0x0] =	vst v1  }
0x1d2: {  	s11 =	simm.s32 $0x0;
	s14 =	simm.s32 $0x400;
	s0 =	rddreg [dreg:$0x6]  }
0x1d3: {  	[hbm4b:s0+s11] =	stream.linear.scatter [tilespmem:s12], [sflag:$0x3], $0x1000, $0x38;
	[tilespmem:$0xC480] =	vst v63  }
0x1d4: {  	s13 =	simm.s32 $0x9480;
	s1 =	sand.u32 $0x60, s14;
	s0 =	sadd.s32 $0x10000, s0  }
0x1d5: {  	[hbm4b:s0+s11] =	stream.linear.scatter [tilespmem:s13], [sflag:$0x3], $0x1000, $0x38;
	[tilespmem:$0xC480] =	vst v63  }
0x1d6: {  	s12 =	sor.u32 $0x10, s1;
	s0 =	sand.u32 $0x780, s14  }
0x1d7: {  	s0 =	sor.u32 s12, s0  }
0x1d8: {  	v0 =	vld [tilespmem:s0+$0x3C80];
	_ =	sdelay $0x2  }
0x1d9: {  	s15 =	simm.s32 $0x4080  }
0x1da: {  	v1 =	vld [tilespmem:s15+$0x0]  }
0x1db: {  	v7 =	vshll.u32 v0, $0x4;
	_ =	sdelay $0x3  }
0x1dc: {  	v2 =	vshll.u32 v1, $0x4  }
0x1dd: {  	v0 =	vld.idx.msk [tilespmem:v7+s2+$0x0], $0xffff  }
0x1de: {  	s16 =	simm.s32 $0x2000;
	v1 =	vor.u32 $0x1, v7  }
0x1df: {  	s14 =	sand.u32 $0x3C00, s16  }
0x1e0: {  	s0 =	sadd.s32 $0x4480, s14  }
0x1e1: {  	s17 =	sor.u32 s12, s0;
	v3 =	vld.idx.msk [tilespmem:v2+s2+$0x0], $0xffff  }
0x1e2: {  	v4 =	vor.u32 $0x1, v2;
	[tilespmem:s17+$0x0] =	vst v0  }
0x1e3: {  	v0 =	vld.idx.msk [tilespmem:v1+s2+$0x0], $0xffff  }
0x1e4: {  	v1 =	vor.u32 $0x2, v7  }
0x1e5: {  	s18 =	sor.u32 s1, s0  }
0x1e6: {  	[tilespmem:s18+$0x0] =	vst v3  }
0x1e7: {  	v3 =	vld.idx.msk [tilespmem:v4+s2+$0x0], $0xffff  }
0x1e8: {  	v4 =	vor.u32 $0x2, v2;
	[tilespmem:s17+$0x80] =	vst v0  }
0x1e9: {  	v0 =	vld.idx.msk [tilespmem:v1+s2+$0x0], $0xffff  }
0x1ea: {  	v1 =	vor.u32 $0x3, v7;
	_ =	sdelay $0x1  }
0x1eb: {  	s19 =	simm.s32 $0x420;
	[tilespmem:s18+$0x80] =	vst v3  }
0x1ec: {  	s22 =	sand.u32 $0x60, s19;
	v3 =	vld.idx.msk [tilespmem:v4+s2+$0x0], $0xffff  }
0x1ed: {  	s23 =	sor.u32 $0x10, s22;
	s0 =	sand.u32 $0x780, s19;
	v4 =	vor.u32 $0x3, v2;
	[tilespmem:s17+$0x100] =	vst v0  }
0x1ee: {  	s0 =	sor.u32 s23, s0;
	v0 =	vld.idx.msk [tilespmem:v1+s2+$0x0], $0xffff  }
0x1ef: {  	v5 =	vld [tilespmem:s0+$0x3C80];
	v1 =	vor.u32 $0x4, v7;
	_ =	sdelay $0x1  }
0x1f0: {  	[tilespmem:s18+$0x100] =	vst v3  }
0x1f1: {  	s24 =	simm.s32 $0x40A0;
	v3 =	vld.idx.msk [tilespmem:v4+s2+$0x0], $0xffff  }
0x1f2: {  	v6 =	vor.u32 $0x4, v2;
	v4 =	vld [tilespmem:s24+$0x0];
	[tilespmem:s17+$0x180] =	vst v0  }
0x1f3: {  	v8 =	vld.idx.msk [tilespmem:v1+s2+$0x0], $0xffff;
	v1 =	vshll.u32 v5, $0x4  }
0x1f4: {  	v5 =	vor.u32 $0x5, v7;
	_ =	sdelay $0x1  }
0x1f5: {  	[tilespmem:s18+$0x180] =	vst v3  }
0x1f6: {  	v0 =	vshll.u32 v4, $0x4;
	v3 =	vld.idx.msk [tilespmem:v6+s2+$0x0], $0xffff  }
0x1f7: {  	v6 =	vor.u32 $0x5, v2;
	v4 =	vld.idx.msk [tilespmem:v1+s2+$0x0], $0xffff;
	[tilespmem:s17+$0x200] =	vst v8  }
0x1f8: {  	s25 =	simm.s32 $0x2100;
	v8 =	vor.u32 $0x1, v1;
	v5 =	vld.idx.msk [tilespmem:v5+s2+$0x0], $0xffff  }
0x1f9: {  	v9 =	vor.u32 $0x6, v7;
	s24 =	sand.u32 $0x3C00, s25  }
0x1fa: {  	s26 =	sadd.s32 $0x4480, s24  }
0x1fb: {  	s0 =	sor.u32 s23, s26;
	v10 =	vld.idx.msk [tilespmem:v0+s2+$0x0], $0xffff;
	[tilespmem:s18+$0x200] =	vst v3  }
0x1fc: {  	v3 =	vld.idx.msk [tilespmem:v6+s2+$0x0], $0xffff;
	v6 =	vor.u32 $0x1, v0;
	[tilespmem:s0+$0x0] =	vst v4  }
0x1fd: {  	v4 =	vld.idx.msk [tilespmem:v8+s2+$0x0], $0xffff;
	v8 =	vor.u32 $0x6, v2;
	[tilespmem:s17+$0x280] =	vst v5  }
0x1fe: {  	s7 =	sand.u32 $0x3, s11;
	v5 =	vld.idx.msk [tilespmem:v9+s2+$0x0], $0xffff;
	v9 =	vor.u32 $0x2, v1  }
0x1ff: {  	s4 =	sshll.u32 s7, $0x5;
	v11 =	vor.u32 $0x7, v7;
	s3 =	sor.u32 s22, s26  }
0x200: {  	s4 =	sadd.s32 $0x0, s4;
	[tilespmem:s3+$0x0] =	vst v10  }
0x201: {  	s9 =	sadd.s32 $0x2010, s4;
	v6 =	vld.idx.msk [tilespmem:v6+s2+$0x0], $0xffff;
	[tilespmem:s18+$0x280] =	vst v3  }
0x202: {  	s10 =	sor.u32 $0x300, s9;
	v3 =	vld.idx.msk [tilespmem:v8+s2+$0x0], $0xffff;
	v8 =	vor.u32 $0x2, v0;
	[tilespmem:s0+$0x80] =	vst v4  }
0x203: {  	v4 =	vld.idx.msk [tilespmem:v9+s2+$0x0], $0xffff;
	v9 =	vor.u32 $0x7, v2;
	[tilespmem:s10+$0x4480] =	vst v5  }
0x204: {  	v10 =	vor.u32 $0x3, v1;
	v5 =	vld.idx.msk [tilespmem:v11+s2+$0x0], $0xffff  }
0x205: {  	s4 =	sadd.s32 $0x2000, s4;
	v11 =	vor.u32 $0x8, v7  }
0x206: {  	s11 =	sor.u32 $0x300, s4;
	[tilespmem:s3+$0x80] =	vst v6  }
0x207: {  	s13 =	simm.s32 $0x440;
	v6 =	vld.idx.msk [tilespmem:v8+s2+$0x0], $0xffff;
	[tilespmem:s11+$0x4480] =	vst v3  }
0x208: {  	s5 =	sor.u32 $0x380, s9;
	s25 =	sand.u32 $0x60, s13;
	v8 =	vor.u32 $0x3, v0;
	v3 =	vld.idx.msk [tilespmem:v9+s2+$0x0], $0xffff;
	[tilespmem:s0+$0x100] =	vst v4  }
0x209: {  	s15 =	sand.u32 $0x780, s13;
	s26 =	sor.u32 $0x10, s25;
	v9 =	vor.u32 $0x8, v2;
	v4 =	vld.idx.msk [tilespmem:v10+s2+$0x0], $0xffff;
	[tilespmem:s5+$0x4480] =	vst v5  }
0x20a: {  	s5 =	sor.u32 s26, s15;
	v5 =	vld.idx.msk [tilespmem:v11+s2+$0x0], $0xffff  }
0x20b: {  	s16 =	simm.s32 $0x40C0;
	v10 =	vor.u32 $0x4, v1;
	v11 =	vld [tilespmem:s5+$0x3C80]  }
0x20c: {  	s4 =	sor.u32 $0x380, s4;
	v12 =	vld [tilespmem:s16+$0x0];
	[tilespmem:s3+$0x100] =	vst v6;
	v6 =	vor.u32 $0x9, v7  }
0x20d: {  	v8 =	vld.idx.msk [tilespmem:v8+s2+$0x0], $0xffff;
	[tilespmem:s4+$0x4480] =	vst v3  }
0x20e: {  	v13 =	vor.u32 $0x4, v0;
	s17 =	sadd.s32 $0x8480, s14;
	v9 =	vld.idx.msk [tilespmem:v9+s2+$0x0], $0xffff  }
0x20f: {  	v14 =	vor.u32 $0x9, v2;
	s18 =	sor.u32 s12, s17;
	[tilespmem:s0+$0x180] =	vst v4  }
0x210: {  	v10 =	vld.idx.msk [tilespmem:v10+s2+$0x0], $0xffff;
	[tilespmem:s18+$0x0] =	vst v5;
	v3 =	vshll.u32 v11, $0x4  }
0x211: {  	s15 =	simm.s32 $0x40E0;
	v5 =	vld.idx.msk [tilespmem:v6+s2+$0x0], $0xffff;
	v6 =	vor.u32 $0x5, v1  }
0x212: {  	v16 =	vld [tilespmem:s15+$0x0];
	s4 =	sor.u32 s1, s17;
	[tilespmem:s3+$0x180] =	vst v8;
	v8 =	vor.u32 $0xA, v7  }
0x213: {  	v4 =	vshll.u32 v12, $0x4;
	v11 =	vld.idx.msk [tilespmem:v13+s2+$0x0], $0xffff;
	[tilespmem:s4+$0x0] =	vst v9  }
0x214: {  	s19 =	sadd.s32 $0x8500, s14;
	v12 =	vor.u32 $0x5, v0;
	v9 =	vld.idx.msk [tilespmem:v14+s2+$0x0], $0xffff  }
0x215: {  	s6 =	sor.u32 s12, s19;
	v13 =	vld.idx.msk [tilespmem:v3+s2+$0x0], $0xffff;
	[tilespmem:s0+$0x200] =	vst v10;
	v10 =	vor.u32 $0xA, v2  }
0x216: {  	s7 =	simm.s32 $0x2200;
	v6 =	vld.idx.msk [tilespmem:v6+s2+$0x0], $0xffff;
	[tilespmem:s6+$0x0] =	vst v5;
	v5 =	vor.u32 $0x1, v3  }
0x217: {  	s28 =	sand.u32 $0x3C00, s7;
	v14 =	vor.u32 $0x6, v1;
	v8 =	vld.idx.msk [tilespmem:v8+s2+$0x0], $0xffff  }
0x218: {  	s9 =	sor.u32 s1, s19;
	s10 =	sadd.s32 $0x4480, s28;
	v15 =	vld.idx.msk [tilespmem:v4+s2+$0x0], $0xffff;
	[tilespmem:s3+$0x200] =	vst v11;
	v11 =	vor.u32 $0xB, v7  }
0x219: {  	s4 =	sor.u32 s26, s10;
	v12 =	vld.idx.msk [tilespmem:v12+s2+$0x0], $0xffff;
	[tilespmem:s9+$0x0] =	vst v9;
	v9 =	vor.u32 $0x1, v4  }
0x21a: {  	s7 =	simm.s32 $0x1;
	s11 =	sadd.s32 $0x8580, s14;
	[tilespmem:s4+$0x0] =	vst v13;
	v13 =	vor.u32 $0x6, v0;
	v10 =	vld.idx.msk [tilespmem:v10+s2+$0x0], $0xffff  }
0x21b: {  	s7 =	sand.u32 $0x3, s7;
	s13 =	sor.u32 s12, s11;
	v5 =	vld.idx.msk [tilespmem:v5+s2+$0x0], $0xffff;
	[tilespmem:s0+$0x280] =	vst v6  }
0x21c: {  	s16 =	sshll.u32 s7, $0x5;
	s0 =	sor.u32 s25, s10;
	v6 =	vld.idx.msk [tilespmem:v14+s2+$0x0], $0xffff;
	v14 =	vor.u32 $0xB, v2;
	[tilespmem:s13+$0x0] =	vst v8;
	s13 =	simm.s32 $0x460  }
0x21d: {  	s5 =	sor.u32 s1, s11;
	s6 =	sadd.s32 $0x100, s16;
	v8 =	vor.u32 $0x2, v3;
	[tilespmem:s0+$0x0] =	vst v15;
	v11 =	vld.idx.msk [tilespmem:v11+s2+$0x0], $0xffff;
	s30 =	sand.u32 $0x60, s13  }
0x21e: {  	s17 =	sadd.s32 $0x2010, s6;
	v15 =	vor.u32 $0x7, v1;
	s16 =	sand.u32 $0x780, s13;
	v9 =	vld.idx.msk [tilespmem:v9+s2+$0x0], $0xffff;
	[tilespmem:s3+$0x280] =	vst v12;
	s29 =	sor.u32 $0x10, s30  }
0x21f: {  	s18 =	sor.u32 $0x300, s17;
	v12 =	vor.u32 $0xC, v7;
	s3 =	sor.u32 $0x380, s17;
	v13 =	vld.idx.msk [tilespmem:v13+s2+$0x0], $0xffff;
	s17 =	sor.u32 s29, s16  }
0x220: {  	[tilespmem:s5+$0x0] =	vst v10;
	v10 =	vor.u32 $0x2, v4;
	v18 =	vld [tilespmem:s17+$0x3C80]  }
0x221: {  	s19 =	sadd.s32 $0x8600, s14;
	[tilespmem:s4+$0x80] =	vst v5;
	v5 =	vld.idx.msk [tilespmem:v14+s2+$0x0], $0xffff;
	v14 =	vor.u32 $0x7, v0  }
0x222: {  	s9 =	sor.u32 s12, s19;
	v8 =	vld.idx.msk [tilespmem:v8+s2+$0x0], $0xffff;
	[tilespmem:s18+$0x4480] =	vst v6;
	v6 =	vor.u32 $0xC, v2  }
0x223: {  	s6 =	sadd.s32 $0x2000, s6;
	v15 =	vld.idx.msk [tilespmem:v15+s2+$0x0], $0xffff;
	[tilespmem:s9+$0x0] =	vst v11;
	v11 =	vor.u32 $0x3, v3  }
0x224: {  	s10 =	sor.u32 $0x300, s6;
	v12 =	vld.idx.msk [tilespmem:v12+s2+$0x0], $0xffff;
	[tilespmem:s0+$0x80] =	vst v9;
	v9 =	vor.u32 $0x8, v1  }
0x225: {  	s7 =	sor.u32 s1, s19;
	v10 =	vld.idx.msk [tilespmem:v10+s2+$0x0], $0xffff;
	[tilespmem:s10+$0x4480] =	vst v13;
	v13 =	vor.u32 $0xD, v7  }
0x226: {  	v14 =	vld.idx.msk [tilespmem:v14+s2+$0x0], $0xffff;
	[tilespmem:s7+$0x0] =	vst v5;
	v5 =	vor.u32 $0x3, v4  }
0x227: {  	v17 =	vor.u32 $0x8, v0;
	s11 =	sadd.s32 $0x8680, s14;
	[tilespmem:s4+$0x100] =	vst v8;
	v8 =	vld.idx.msk [tilespmem:v6+s2+$0x0], $0xffff  }
0x228: {  	s15 =	sor.u32 s12, s11;
	v11 =	vld.idx.msk [tilespmem:v11+s2+$0x0], $0xffff;
	[tilespmem:s3+$0x4480] =	vst v15;
	v15 =	vor.u32 $0xD, v2  }
0x229: {  	v9 =	vld.idx.msk [tilespmem:v9+s2+$0x0], $0xffff;
	[tilespmem:s15+$0x0] =	vst v12;
	v12 =	vor.u32 $0x4, v3  }
0x22a: {  	s6 =	sor.u32 $0x380, s6;
	v13 =	vld.idx.msk [tilespmem:v13+s2+$0x0], $0xffff;
	[tilespmem:s0+$0x100] =	vst v10;
	v10 =	vor.u32 $0x9, v1  }
0x22b: {  	s18 =	sor.u32 s1, s11;
	v6 =	vshll.u32 v16, $0x4;
	v19 =	vld.idx.msk [tilespmem:v5+s2+$0x0], $0xffff;
	[tilespmem:s6+$0x4480] =	vst v14  }
0x22c: {  	s19 =	sadd.s32 $0x8480, s24;
	v14 =	vor.u32 $0xE, v7;
	v16 =	vld.idx.msk [tilespmem:v17+s2+$0x0], $0xffff;
	[tilespmem:s18+$0x0] =	vst v8  }
0x22d: {  	s6 =	sor.u32 s23, s19;
	v8 =	vor.u32 $0x4, v4;
	[tilespmem:s4+$0x180] =	vst v11;
	v15 =	vld.idx.msk [tilespmem:v15+s2+$0x0], $0xffff  }
0x22e: {  	s7 =	sadd.s32 $0x8700, s14;
	v17 =	vor.u32 $0x9, v0;
	v12 =	vld.idx.msk [tilespmem:v12+s2+$0x0], $0xffff;
	[tilespmem:s6+$0x0] =	vst v9  }
0x22f: {  	s9 =	sor.u32 s12, s7;
	v9 =	vld.idx.msk [tilespmem:v10+s2+$0x0], $0xffff;
	v10 =	vor.u32 $0x5, v3  }
0x230: {  	v5 =	vshll.u32 v18, $0x4;
	v11 =	vld.idx.msk [tilespmem:v6+s2+$0x0], $0xffff;
	[tilespmem:s9+$0x0] =	vst v13  }
0x231: {  	s10 =	sor.u32 s22, s19;
	v13 =	vld.idx.msk [tilespmem:v14+s2+$0x0], $0xffff;
	[tilespmem:s0+$0x180] =	vst v19;
	v14 =	vor.u32 $0xA, v1  }
0x232: {  	v7 =	vor.u32 $0xF, v7;
	v8 =	vld.idx.msk [tilespmem:v8+s2+$0x0], $0xffff;
	[tilespmem:s10+$0x0] =	vst v16  }
0x233: {  	s11 =	sadd.s32 $0x8500, s24;
	s6 =	sor.u32 s1, s7;
	v16 =	vld.idx.msk [tilespmem:v17+s2+$0x0], $0xffff;
	v17 =	vor.u32 $0xE, v2;
	[tilespmem:s4+$0x200] =	vst v12  }
0x234: {  	s16 =	sadd.s32 $0x8780, s14;
	s15 =	sor.u32 s23, s11;
	v12 =	vor.u32 $0x5, v4;
	[tilespmem:s6+$0x0] =	vst v15;
	v19 =	vld.idx.msk [tilespmem:v10+s2+$0x0], $0xffff  }
0x235: {  	s17 =	sor.u32 s12, s16;
	v18 =	vld.idx.msk [tilespmem:v5+s2+$0x0], $0xffff;
	[tilespmem:s15+$0x0] =	vst v9;
	v9 =	vor.u32 $0xA, v0  }
0x236: {  	v21 =	vor.u32 $0x6, v3;
	[tilespmem:s17+$0x0] =	vst v13;
	s17 =	simm.s32 $0x2300;
	v14 =	vld.idx.msk [tilespmem:v14+s2+$0x0], $0xffff  }
0x237: {  	s3 =	sor.u32 s22, s11;
	v20 =	vor.u32 $0x1, v5;
	s31 =	sand.u32 $0x3C00, s17;
	v22 =	vld.idx.msk [tilespmem:v7+s2+$0x0], $0xffff;
	[tilespmem:s0+$0x200] =	vst v8  }
0x238: {  	v23 =	vor.u32 $0xB, v1;
	s18 =	sadd.s32 $0x4480, s31;
	v7 =	vld.idx.msk [tilespmem:v17+s2+$0x0], $0xffff;
	[tilespmem:s3+$0x0] =	vst v16  }
0x239: {  	s19 =	sadd.s32 $0x8580, s24;
	v13 =	vld.idx.msk [tilespmem:v12+s2+$0x0], $0xffff;
	s10 =	sor.u32 s29, s18;
	[tilespmem:s4+$0x280] =	vst v19  }
0x23a: {  	s7 =	sor.u32 s23, s19;
	s9 =	sadd.s32 $0x8800, s14;
	s14 =	simm.s32 $0x2;
	v16 =	vor.u32 $0x1, v6;
	v10 =	vld.idx.msk [tilespmem:v9+s2+$0x0], $0xffff;
	[tilespmem:s10+$0x0] =	vst v18  }
0x23b: {  	s16 =	sor.u32 s1, s16;
	s1 =	sor.u32 s1, s9;
	s5 =	sand.u32 $0x3, s14;
	v12 =	vld.idx.msk [tilespmem:v21+s2+$0x0], $0xffff;
	[tilespmem:s7+$0x0] =	vst v14;
	v14 =	vor.u32 $0x6, v4  }
0x23c: {  	v8 =	vor.u32 $0xB, v0;
	s11 =	sor.u32 s30, s18;
	s18 =	sor.u32 s22, s19;
	s19 =	sor.u32 s12, s9;
	v15 =	vld.idx.msk [tilespmem:v20+s2+$0x0], $0xffff  }
0x23d: {  	s15 =	simm.s32 $0x100;
	s3 =	simm.s32 $0x46;
	v17 =	vor.u32 $0x2, v5;
	s12 =	simm.s32 $0x4100;
	[tilespmem:s19+$0x0] =	vst v22;
	v9 =	vld.idx.msk [tilespmem:v23+s2+$0x0], $0xffff  }
.LBB2_6:
0x23e: {  	v18 =	vld [tilespmem:s12+$0x0];
	[tilespmem:s11+$0x0] =	vst v11;
	s5 =	sshll.u32 s5, $0x5;
	v11 =	vor.u32 $0x7, v3;
	s15 =	sadd.s32 $0x100, s15;
	s4 =	smov.u32 s25  }
0x23f: {  	s25 =	smov.u32 s30;
	s9 =	smov.u32 s23;
	v16 =	vld.idx.msk [tilespmem:v16+s2+$0x0], $0xffff;
	s5 =	sadd.s32 s5, s15;
	[tilespmem:s0+$0x280] =	vst v13;
	v13 =	vor.u32 $0xC, v1  }
0x240: {  	s23 =	smov.u32 s26;
	v14 =	vld.idx.msk [tilespmem:v14+s2+$0x0], $0xffff;
	s0 =	sadd.s32 $0x2000, s5;
	s7 =	sadd.s32 $0x2010, s5;
	[tilespmem:s18+$0x0] =	vst v10;
	v10 =	vor.u32 $0xF, v2;
	v2 =	vmovc v0;
	v0 =	vmov v4;
	v4 =	vmov v6  }
0x241: {  	s6 =	sadd.s32 $0x8600, s24;
	v6 =	vor.u32 $0x2, v4;
	[tilespmem:s10+$0x80] =	vst v15;
	s18 =	sor.u32 $0x300, s0;
	s5 =	sor.u32 $0x300, s7;
	v8 =	vld.idx.msk [tilespmem:v8+s2+$0x0], $0xffff  }
0x242: {  	s30 =	sor.u32 s22, s6;
	s19 =	sor.u32 $0x380, s0;
	s0 =	sor.u32 s9, s6;
	v15 =	vld.idx.msk [tilespmem:v17+s2+$0x0], $0xffff;
	v17 =	vor.u32 $0x7, v0;
	[tilespmem:s5+$0x4480] =	vst v12  }
0x243: {  	s26 =	smov.u32 s29;
	v12 =	vor.u32 $0xC, v2;
	s5 =	smov.u32 s24;
	s24 =	smov.u32 s28;
	v11 =	vld.idx.msk [tilespmem:v11+s2+$0x0], $0xffff;
	[tilespmem:s0+$0x0] =	vst v9  }
0x244: {  	s6 =	smov.u32 s10;
	s28 =	smov.u32 s31;
	v9 =	vor.u32 $0x3, v5;
	s0 =	smov.u32 s11;
	v13 =	vld.idx.msk [tilespmem:v13+s2+$0x0], $0xffff;
	[tilespmem:s16+$0x0] =	vst v7  }
0x245: {  	v7 =	vor.u32 $0x8, v3;
	[tilespmem:s0+$0x80] =	vst v16;
	v10 =	vld.idx.msk [tilespmem:v10+s2+$0x0], $0xffff  }
0x246: {  	v6 =	vld.idx.msk [tilespmem:v6+s2+$0x0], $0xffff;
	[tilespmem:s18+$0x4480] =	vst v14;
	v14 =	vor.u32 $0xD, v1  }
0x247: {  	v16 =	vld.idx.msk [tilespmem:v17+s2+$0x0], $0xffff;
	[tilespmem:s30+$0x0] =	vst v8  }
0x248: {  	s13 =	sadd.s32 $0x20, s13;
	s7 =	sor.u32 $0x380, s7;
	s10 =	sadd.s32 $0x8680, s5;
	v8 =	vor.u32 $0x3, v4;
	[tilespmem:s6+$0x100] =	vst v15;
	v12 =	vld.idx.msk [tilespmem:v12+s2+$0x0], $0xffff  }
0x249: {  	s3 =	sadd.s32 $0x2, s3;
	s30 =	sand.u32 $0x60, s13;
	v15 =	vor.u32 $0x8, v0;
	v9 =	vld.idx.msk [tilespmem:v9+s2+$0x0], $0xffff;
	[tilespmem:s7+$0x4480] =	vst v11;
	s7 =	sor.u32 s9, s10  }
0x24a: {  	p0 =	slt.u32 s3, $0x5E;
	s11 =	sand.u32 $0x780, s13;
	s29 =	sor.u32 $0x10, s30;
	v11 =	vor.u32 $0xD, v2;
	v7 =	vld.idx.msk [tilespmem:v7+s2+$0x0], $0xffff;
	[tilespmem:s7+$0x0] =	vst v13  }
0x24b: {  	s10 =	sor.u32 s22, s10;
	s7 =	sor.u32 s29, s11;
	v13 =	vor.u32 $0x4, v5;
	v14 =	vld.idx.msk [tilespmem:v14+s2+$0x0], $0xffff;
	[tilespmem:s1+$0x0] =	vst v10  }
0x24c: {  	v17 =	vor.u32 $0x9, v3;
	v10 =	vld [tilespmem:s7+$0x3C80];
	[tilespmem:s0+$0x100] =	vst v6  }
0x24d: {  	v8 =	vld.idx.msk [tilespmem:v8+s2+$0x0], $0xffff;
	[tilespmem:s19+$0x4480] =	vst v16;
	v16 =	vor.u32 $0xE, v1  }
0x24e: {  	s1 =	sadd.s32 $0x8480, s24;
	v6 =	vshll.u32 v18, $0x4;
	v15 =	vld.idx.msk [tilespmem:v15+s2+$0x0], $0xffff;
	[tilespmem:s10+$0x0] =	vst v12  }
0x24f: {  	s7 =	sor.u32 s4, s1;
	s1 =	sor.u32 s23, s1;
	v12 =	vor.u32 $0x4, v4;
	s10 =	sadd.s32 $0x8700, s5;
	[tilespmem:s6+$0x180] =	vst v9;
	v9 =	vld.idx.msk [tilespmem:v11+s2+$0x0], $0xffff  }
0x250: {  	v18 =	vor.u32 $0x9, v0;
	v13 =	vld.idx.msk [tilespmem:v13+s2+$0x0], $0xffff;
	[tilespmem:s1+$0x0] =	vst v7;
	s1 =	sor.u32 s22, s10;
	s10 =	sor.u32 s9, s10  }
0x251: {  	v7 =	vshll.u32 v10, $0x4;
	v10 =	vld.idx.msk [tilespmem:v17+s2+$0x0], $0xffff;
	[tilespmem:s10+$0x0] =	vst v14  }
0x252: {  	v14 =	vor.u32 $0x5, v5;
	v16 =	vld.idx.msk [tilespmem:v16+s2+$0x0], $0xffff  }
0x253: {  	v11 =	vld.idx.msk [tilespmem:v6+s2+$0x0], $0xffff;
	[tilespmem:s0+$0x180] =	vst v8;
	v8 =	vor.u32 $0xA, v3  }
0x254: {  	v12 =	vld.idx.msk [tilespmem:v12+s2+$0x0], $0xffff;
	[tilespmem:s7+$0x0] =	vst v15;
	v15 =	vor.u32 $0xF, v1;
	v1 =	vmovc v3;
	v3 =	vmov v5;
	v5 =	vmov v7  }
0x255: {  	s7 =	sadd.s32 $0x8500, s24;
	v17 =	vld.idx.msk [tilespmem:v18+s2+$0x0], $0xffff;
	[tilespmem:s1+$0x0] =	vst v9;
	v9 =	vor.u32 $0xE, v2  }
0x256: {  	v19 =	vor.u32 $0x5, v4;
	s10 =	sadd.s32 $0x8780, s5;
	s1 =	sor.u32 s4, s7;
	s7 =	sor.u32 s23, s7;
	v18 =	vld.idx.msk [tilespmem:v7+s2+$0x0], $0xffff;
	[tilespmem:s6+$0x200] =	vst v13  }
0x257: {  	s16 =	sor.u32 s22, s10;
	v20 =	vld.idx.msk [tilespmem:v14+s2+$0x0], $0xffff;
	v14 =	vor.u32 $0xA, v0;
	[tilespmem:s7+$0x0] =	vst v10;
	s7 =	sor.u32 s9, s10  }
0x258: {  	s17 =	sadd.s32 $0x100, s17;
	v21 =	vor.u32 $0x1, v5;
	v22 =	vld.idx.msk [tilespmem:v8+s2+$0x0], $0xffff;
	[tilespmem:s7+$0x0] =	vst v16  }
0x259: {  	s31 =	sand.u32 $0x3C00, s17;
	v8 =	vor.u32 $0x6, v3;
	v23 =	vld.idx.msk [tilespmem:v15+s2+$0x0], $0xffff  }
0x25a: {  	v24 =	vor.u32 $0xB, v1;
	s7 =	sadd.s32 $0x4480, s31;
	[tilespmem:s0+$0x200] =	vst v12;
	v7 =	vld.idx.msk [tilespmem:v9+s2+$0x0], $0xffff  }
.Ltmp2:
0x25b: {  	s11 =	sor.u32 s30, s7;
	s10 =	sor.u32 s29, s7;
	v13 =	vld.idx.msk [tilespmem:v19+s2+$0x0], $0xffff;
	[tilespmem:s1+$0x0] =	vst v17;
	(pc) =	sbr.rel @p0 .LBB2_6-.Ltmp2, $4  }
0x25c: {  	v16 =	vor.u32 $0x1, v6;
	s1 =	sadd.s32 $0x8580, s24;
	[tilespmem:s10+$0x0] =	vst v18;
	v10 =	vld.idx.msk [tilespmem:v14+s2+$0x0], $0xffff  }
0x25d: {  	s5 =	sadd.s32 $0x8800, s5;
	v14 =	vor.u32 $0x6, v4;
	s18 =	sor.u32 s4, s1;
	s1 =	sor.u32 s23, s1;
	v15 =	vld.idx.msk [tilespmem:v21+s2+$0x0], $0xffff;
	[tilespmem:s6+$0x280] =	vst v20  }
0x25e: {  	s14 =	sadd.s32 $0x1, s14;
	s6 =	sor.u32 s9, s5;
	v12 =	vld.idx.msk [tilespmem:v8+s2+$0x0], $0xffff;
	v8 =	vor.u32 $0xB, v0;
	[tilespmem:s1+$0x0] =	vst v22;
	s1 =	sor.u32 s22, s5  }
0x25f: {  	s12 =	sadd.s32 $0x20, s12;
	v17 =	vor.u32 $0x2, v5;
	s5 =	sand.u32 $0x3, s14;
	s22 =	smov.u32 s4;
	v9 =	vld.idx.msk [tilespmem:v24+s2+$0x0], $0xffff;
	[tilespmem:s6+$0x0] =	vst v23  }
0x260: {  	_ =	sdelay $0x2  }
0x261: {  	[tilespmem:s11+$0x0] =	vst v11  }
0x262: {  	v11 =	vld.idx.msk [tilespmem:v16+s2+$0x0], $0xffff  }
0x263: {  	v16 =	vor.u32 $0x2, v6;
	_ =	sdelay $0x2  }
0x264: {  	[tilespmem:s10+$0x80] =	vst v15  }
0x265: {  	v15 =	vld.idx.msk [tilespmem:v17+s2+$0x0], $0xffff;
	[tilespmem:s11+$0x80] =	vst v11  }
0x266: {  	v11 =	vor.u32 $0x3, v5;
	v16 =	vld.idx.msk [tilespmem:v16+s2+$0x0], $0xffff  }
0x267: {  	v17 =	vor.u32 $0x3, v6;
	_ =	sdelay $0x2  }
0x268: {  	[tilespmem:s10+$0x100] =	vst v15  }
0x269: {  	v11 =	vld.idx.msk [tilespmem:v11+s2+$0x0], $0xffff;
	[tilespmem:s11+$0x100] =	vst v16  }
0x26a: {  	v15 =	vor.u32 $0x4, v5;
	v16 =	vld.idx.msk [tilespmem:v17+s2+$0x0], $0xffff  }
0x26b: {  	v17 =	vor.u32 $0x4, v6;
	_ =	sdelay $0x2  }
0x26c: {  	[tilespmem:s10+$0x180] =	vst v11  }
0x26d: {  	v11 =	vld.idx.msk [tilespmem:v15+s2+$0x0], $0xffff;
	[tilespmem:s11+$0x180] =	vst v16  }
0x26e: {  	v15 =	vor.u32 $0x5, v5;
	v16 =	vld.idx.msk [tilespmem:v17+s2+$0x0], $0xffff  }
0x26f: {  	v17 =	vor.u32 $0x5, v6;
	_ =	sdelay $0x2  }
0x270: {  	[tilespmem:s10+$0x200] =	vst v11  }
0x271: {  	v11 =	vld.idx.msk [tilespmem:v15+s2+$0x0], $0xffff;
	[tilespmem:s11+$0x200] =	vst v16  }
0x272: {  	v15 =	vor.u32 $0x6, v5;
	v16 =	vld.idx.msk [tilespmem:v17+s2+$0x0], $0xffff  }
0x273: {  	v17 =	vor.u32 $0x6, v6;
	_ =	sdelay $0x1  }
0x274: {  	[tilespmem:s0+$0x280] =	vst v13  }
0x275: {  	s9 =	sshll.u32 s5, $0x5;
	v13 =	vor.u32 $0x7, v3;
	s3 =	sadd.s32 $0x100, s15;
	s4 =	sadd.s32 $0x1, s14;
	v14 =	vld.idx.msk [tilespmem:v14+s2+$0x0], $0xffff;
	[tilespmem:s10+$0x280] =	vst v11  }
0x276: {  	s0 =	sadd.s32 s9, s3;
	s4 =	sand.u32 $0x3, s4;
	v11 =	vor.u32 $0x7, v4;
	v15 =	vld.idx.msk [tilespmem:v15+s2+$0x0], $0xffff;
	[tilespmem:s11+$0x280] =	vst v16  }
0x277: {  	s3 =	sadd.s32 $0x100, s3;
	s12 =	sadd.s32 $0x2010, s0;
	s4 =	sshll.u32 s4, $0x5;
	v16 =	vor.u32 $0x7, v5;
	v17 =	vld.idx.msk [tilespmem:v17+s2+$0x0], $0xffff  }
0x278: {  	v18 =	vor.u32 $0x7, v6;
	s0 =	sadd.s32 $0x2000, s0;
	s6 =	sor.u32 $0x300, s12;
	s3 =	sadd.s32 s4, s3  }
0x279: {  	s13 =	sor.u32 $0x300, s0;
	[tilespmem:s6+$0x4480] =	vst v12;
	s14 =	sadd.s32 $0x2010, s3  }
0x27a: {  	s3 =	sadd.s32 $0x2000, s3;
	v12 =	vld.idx.msk [tilespmem:v13+s2+$0x0], $0xffff;
	s15 =	sor.u32 $0x300, s14;
	[tilespmem:s13+$0x4480] =	vst v14  }
0x27b: {  	v13 =	vor.u32 $0x8, v3;
	s7 =	sor.u32 $0x300, s3;
	v11 =	vld.idx.msk [tilespmem:v11+s2+$0x0], $0xffff;
	[tilespmem:s15+$0x4480] =	vst v15  }
0x27c: {  	v14 =	vor.u32 $0x8, v4;
	v15 =	vld.idx.msk [tilespmem:v16+s2+$0x0], $0xffff;
	[tilespmem:s7+$0x4480] =	vst v17  }
0x27d: {  	v16 =	vor.u32 $0x8, v5;
	v17 =	vld.idx.msk [tilespmem:v18+s2+$0x0], $0xffff  }
0x27e: {  	s17 =	sor.u32 $0x380, s12;
	v18 =	vor.u32 $0x8, v6  }
0x27f: {  	s0 =	sor.u32 $0x380, s0;
	[tilespmem:s17+$0x4480] =	vst v12  }
0x280: {  	s19 =	sor.u32 $0x380, s14;
	v12 =	vld.idx.msk [tilespmem:v13+s2+$0x0], $0xffff;
	[tilespmem:s0+$0x4480] =	vst v11  }
0x281: {  	s3 =	sor.u32 $0x380, s3;
	v11 =	vor.u32 $0x9, v3;
	v13 =	vld.idx.msk [tilespmem:v14+s2+$0x0], $0xffff;
	[tilespmem:s19+$0x4480] =	vst v15  }
0x282: {  	v14 =	vor.u32 $0x9, v4;
	v15 =	vld.idx.msk [tilespmem:v16+s2+$0x0], $0xffff;
	[tilespmem:s3+$0x4480] =	vst v17  }
0x283: {  	s4 =	sadd.s32 $0x8480, s28;
	v16 =	vor.u32 $0x9, v5;
	v17 =	vld.idx.msk [tilespmem:v18+s2+$0x0], $0xffff  }
0x284: {  	s5 =	sor.u32 s26, s4;
	v18 =	vor.u32 $0x9, v6  }
0x285: {  	s6 =	sadd.s32 $0x8480, s31;
	[tilespmem:s5+$0x0] =	vst v12;
	s0 =	sor.u32 s25, s4  }
0x286: {  	s7 =	sor.u32 s29, s6;
	v11 =	vld.idx.msk [tilespmem:v11+s2+$0x0], $0xffff;
	[tilespmem:s0+$0x0] =	vst v13  }
0x287: {  	v12 =	vor.u32 $0xA, v3;
	s3 =	sor.u32 s30, s6;
	v13 =	vld.idx.msk [tilespmem:v14+s2+$0x0], $0xffff;
	[tilespmem:s7+$0x0] =	vst v15  }
0x288: {  	v14 =	vor.u32 $0xA, v4;
	v15 =	vld.idx.msk [tilespmem:v16+s2+$0x0], $0xffff;
	[tilespmem:s3+$0x0] =	vst v17  }
0x289: {  	s9 =	sadd.s32 $0x8500, s28;
	v16 =	vor.u32 $0xA, v5;
	v17 =	vld.idx.msk [tilespmem:v18+s2+$0x0], $0xffff  }
0x28a: {  	[tilespmem:s18+$0x0] =	vst v10;
	v10 =	vor.u32 $0xA, v6;
	s10 =	sor.u32 s26, s9  }
0x28b: {  	s11 =	sadd.s32 $0x8500, s31;
	s0 =	sor.u32 s25, s9;
	[tilespmem:s10+$0x0] =	vst v11  }
0x28c: {  	s12 =	sor.u32 s29, s11;
	v11 =	vor.u32 $0xC, v1;
	v12 =	vld.idx.msk [tilespmem:v12+s2+$0x0], $0xffff;
	[tilespmem:s0+$0x0] =	vst v13  }
0x28d: {  	s13 =	sadd.s32 $0x8600, s24;
	s3 =	sor.u32 s30, s11;
	v13 =	vor.u32 $0xB, v3;
	v14 =	vld.idx.msk [tilespmem:v14+s2+$0x0], $0xffff;
	[tilespmem:s12+$0x0] =	vst v15  }
0x28e: {  	s14 =	sor.u32 s23, s13;
	v15 =	vor.u32 $0xB, v4;
	v16 =	vld.idx.msk [tilespmem:v16+s2+$0x0], $0xffff;
	[tilespmem:s3+$0x0] =	vst v17  }
0x28f: {  	[tilespmem:s14+$0x0] =	vst v9;
	v9 =	vor.u32 $0xB, v5;
	s15 =	sadd.s32 $0x8580, s28;
	v10 =	vld.idx.msk [tilespmem:v10+s2+$0x0], $0xffff  }
0x290: {  	[tilespmem:s16+$0x0] =	vst v7;
	v7 =	vor.u32 $0xB, v6;
	v8 =	vld.idx.msk [tilespmem:v8+s2+$0x0], $0xffff;
	s17 =	sor.u32 s26, s15  }
0x291: {  	v2 =	vor.u32 $0xF, v2;
	s18 =	sadd.s32 $0x8580, s31;
	s0 =	sor.u32 s25, s15;
	v11 =	vld.idx.msk [tilespmem:v11+s2+$0x0], $0xffff;
	[tilespmem:s17+$0x0] =	vst v12  }
0x292: {  	s19 =	sor.u32 s29, s18;
	v12 =	vor.u32 $0xC, v0;
	v13 =	vld.idx.msk [tilespmem:v13+s2+$0x0], $0xffff;
	[tilespmem:s0+$0x0] =	vst v14  }
0x293: {  	s3 =	sor.u32 s30, s18;
	v14 =	vor.u32 $0xC, v3;
	v15 =	vld.idx.msk [tilespmem:v15+s2+$0x0], $0xffff;
	[tilespmem:s19+$0x0] =	vst v16  }
0x294: {  	s5 =	sor.u32 s22, s13;
	s6 =	sadd.s32 $0x8680, s24;
	v16 =	vor.u32 $0xC, v4;
	v9 =	vld.idx.msk [tilespmem:v9+s2+$0x0], $0xffff;
	[tilespmem:s3+$0x0] =	vst v10  }
0x295: {  	[tilespmem:s5+$0x0] =	vst v8;
	v8 =	vor.u32 $0xC, v5;
	s9 =	sadd.s32 $0x8600, s28;
	s7 =	sor.u32 s23, s6;
	v7 =	vld.idx.msk [tilespmem:v7+s2+$0x0], $0xffff  }
0x296: {  	v2 =	vld.idx.msk [tilespmem:v2+s2+$0x0], $0xffff;
	s10 =	sor.u32 s26, s9;
	[tilespmem:s7+$0x0] =	vst v11;
	v10 =	vor.u32 $0xC, v6  }
0x297: {  	s11 =	sadd.s32 $0x8600, s31;
	v11 =	vor.u32 $0xD, v1;
	v12 =	vld.idx.msk [tilespmem:v12+s2+$0x0], $0xffff;
	s3 =	sor.u32 s25, s9;
	[tilespmem:s10+$0x0] =	vst v13  }
0x298: {  	s12 =	sor.u32 s29, s11;
	v13 =	vor.u32 $0xD, v0;
	v14 =	vld.idx.msk [tilespmem:v14+s2+$0x0], $0xffff;
	[tilespmem:s3+$0x0] =	vst v15  }
0x299: {  	s0 =	sor.u32 s30, s11;
	v15 =	vor.u32 $0xD, v3;
	v16 =	vld.idx.msk [tilespmem:v16+s2+$0x0], $0xffff;
	[tilespmem:s12+$0x0] =	vst v9  }
0x29a: {  	v9 =	vor.u32 $0xD, v4;
	v8 =	vld.idx.msk [tilespmem:v8+s2+$0x0], $0xffff;
	[tilespmem:s0+$0x0] =	vst v7  }
0x29b: {  	s14 =	sadd.s32 $0x8680, s28;
	[tilespmem:s1+$0x0] =	vst v2;
	v2 =	vor.u32 $0xD, v5;
	s13 =	sor.u32 s22, s6;
	v7 =	vld.idx.msk [tilespmem:v10+s2+$0x0], $0xffff  }
0x29c: {  	s15 =	sor.u32 s26, s14;
	[tilespmem:s13+$0x0] =	vst v12;
	v10 =	vld.idx.msk [tilespmem:v11+s2+$0x0], $0xffff;
	v11 =	vor.u32 $0xD, v6  }
0x29d: {  	s16 =	sor.u32 s25, s14;
	s17 =	sadd.s32 $0x8680, s31;
	v12 =	vor.u32 $0xE, v1;
	v13 =	vld.idx.msk [tilespmem:v13+s2+$0x0], $0xffff;
	[tilespmem:s15+$0x0] =	vst v14  }
0x29e: {  	s18 =	sor.u32 s29, s17;
	v14 =	vor.u32 $0xE, v0;
	v15 =	vld.idx.msk [tilespmem:v15+s2+$0x0], $0xffff;
	[tilespmem:s16+$0x0] =	vst v16  }
0x29f: {  	s4 =	sor.u32 s30, s17;
	s19 =	sadd.s32 $0x8700, s24;
	v16 =	vor.u32 $0xE, v3;
	v9 =	vld.idx.msk [tilespmem:v9+s2+$0x0], $0xffff;
	[tilespmem:s18+$0x0] =	vst v8  }
0x2a0: {  	s5 =	sor.u32 s23, s19;
	v8 =	vor.u32 $0xE, v4;
	v2 =	vld.idx.msk [tilespmem:v2+s2+$0x0], $0xffff;
	[tilespmem:s4+$0x0] =	vst v7  }
0x2a1: {  	s7 =	sadd.s32 $0x8700, s28;
	s6 =	sor.u32 s22, s19;
	[tilespmem:s5+$0x0] =	vst v10;
	v7 =	vor.u32 $0xE, v5;
	v10 =	vld.idx.msk [tilespmem:v11+s2+$0x0], $0xffff  }
0x2a2: {  	s9 =	sor.u32 s26, s7;
	[tilespmem:s6+$0x0] =	vst v13;
	v11 =	vld.idx.msk [tilespmem:v12+s2+$0x0], $0xffff;
	v12 =	vor.u32 $0xE, v6  }
0x2a3: {  	s1 =	sor.u32 s25, s7;
	s10 =	sadd.s32 $0x8700, s31;
	v1 =	vor.u32 $0xF, v1;
	v13 =	vld.idx.msk [tilespmem:v14+s2+$0x0], $0xffff;
	[tilespmem:s9+$0x0] =	vst v15  }
0x2a4: {  	s11 =	sor.u32 s29, s10;
	v0 =	vor.u32 $0xF, v0;
	v14 =	vld.idx.msk [tilespmem:v16+s2+$0x0], $0xffff;
	[tilespmem:s1+$0x0] =	vst v9  }
0x2a5: {  	s12 =	sadd.s32 $0x8780, s24;
	s0 =	sor.u32 s30, s10;
	v3 =	vor.u32 $0xF, v3;
	v8 =	vld.idx.msk [tilespmem:v8+s2+$0x0], $0xffff;
	[tilespmem:s11+$0x0] =	vst v2  }
0x2a6: {  	s13 =	sor.u32 s23, s12;
	v2 =	vor.u32 $0xF, v4;
	v4 =	vld.idx.msk [tilespmem:v7+s2+$0x0], $0xffff;
	[tilespmem:s0+$0x0] =	vst v10  }
0x2a7: {  	s14 =	sor.u32 s22, s12;
	s15 =	sadd.s32 $0x8780, s28;
	v5 =	vor.u32 $0xF, v5;
	[tilespmem:s13+$0x0] =	vst v11;
	v7 =	vld.idx.msk [tilespmem:v12+s2+$0x0], $0xffff  }
0x2a8: {  	s16 =	sor.u32 s26, s15;
	v6 =	vor.u32 $0xF, v6;
	[tilespmem:s14+$0x0] =	vst v13;
	v1 =	vld.idx.msk [tilespmem:v1+s2+$0x0], $0xffff  }
0x2a9: {  	s17 =	sadd.s32 $0x8780, s31;
	s1 =	sor.u32 s25, s15;
	v0 =	vld.idx.msk [tilespmem:v0+s2+$0x0], $0xffff;
	[tilespmem:s16+$0x0] =	vst v14  }
0x2aa: {  	s18 =	sor.u32 s29, s17;
	v3 =	vld.idx.msk [tilespmem:v3+s2+$0x0], $0xffff;
	[tilespmem:s1+$0x0] =	vst v8  }
0x2ab: {  	s19 =	sadd.s32 $0x8800, s24;
	s0 =	sor.u32 s30, s17;
	v2 =	vld.idx.msk [tilespmem:v2+s2+$0x0], $0xffff;
	[tilespmem:s18+$0x0] =	vst v4  }
0x2ac: {  	s24 =	sor.u32 s23, s19;
	v4 =	vld.idx.msk [tilespmem:v5+s2+$0x0], $0xffff;
	[tilespmem:s0+$0x0] =	vst v7  }
0x2ad: {  	s4 =	sor.u32 s22, s19;
	s5 =	sadd.s32 $0x8800, s28;
	[tilespmem:s24+$0x0] =	vst v1;
	v1 =	vld.idx.msk [tilespmem:v6+s2+$0x0], $0xffff  }
0x2ae: {  	s6 =	sor.u32 s26, s5;
	[tilespmem:s4+$0x0] =	vst v0  }
0x2af: {  	s7 =	sadd.s32 $0x8800, s31;
	s1 =	sor.u32 s25, s5;
	[tilespmem:s6+$0x0] =	vst v3  }
0x2b0: {  	s9 =	sor.u32 s29, s7;
	[tilespmem:s1+$0x0] =	vst v2  }
0x2b1: {  	s0 =	sor.u32 s30, s7;
	[tilespmem:s9+$0x0] =	vst v4  }
0x2b2: {  	s10 =	simm.s32 $0x0;
	[tilespmem:s0+$0x0] =	vst v1  }
0x2b3: {  	s11 =	simm.s32 $0x6480;
	s13 =	simm.s32 $0x600;
	s0 =	rddreg [dreg:$0x7]  }
0x2b4: {  	[hbm4b:s0+s10] =	stream.linear.scatter [tilespmem:s11], [sflag:$0x3], $0x1000, $0x38;
	[tilespmem:$0xC480] =	vst v63  }
0x2b5: {  	s12 =	simm.s32 $0xA480;
	s1 =	sand.u32 $0x60, s13;
	s0 =	sadd.s32 $0x10000, s0  }
0x2b6: {  	[hbm4b:s0+s10] =	stream.linear.scatter [tilespmem:s12], [sflag:$0x3], $0x1000, $0x38;
	[tilespmem:$0xC480] =	vst v63  }
0x2b7: {  	s12 =	sor.u32 $0x10, s1;
	s0 =	sand.u32 $0x780, s13  }
0x2b8: {  	s0 =	sor.u32 s12, s0  }
0x2b9: {  	v0 =	vld [tilespmem:s0+$0x3C80];
	_ =	sdelay $0x2  }
0x2ba: {  	s14 =	simm.s32 $0x4280  }
0x2bb: {  	v1 =	vld [tilespmem:s14+$0x0]  }
0x2bc: {  	v7 =	vshll.u32 v0, $0x4;
	_ =	sdelay $0x3  }
0x2bd: {  	v2 =	vshll.u32 v1, $0x4  }
0x2be: {  	v0 =	vld.idx.msk [tilespmem:v7+s2+$0x0], $0xffff  }
0x2bf: {  	s15 =	simm.s32 $0x3000;
	v1 =	vor.u32 $0x1, v7  }
0x2c0: {  	s14 =	sand.u32 $0x3C00, s15  }
0x2c1: {  	s0 =	sadd.s32 $0x4480, s14  }
0x2c2: {  	s16 =	sor.u32 s12, s0;
	v3 =	vld.idx.msk [tilespmem:v2+s2+$0x0], $0xffff  }
0x2c3: {  	v4 =	vor.u32 $0x1, v2;
	[tilespmem:s16+$0x0] =	vst v0  }
0x2c4: {  	v0 =	vld.idx.msk [tilespmem:v1+s2+$0x0], $0xffff  }
0x2c5: {  	v1 =	vor.u32 $0x2, v7  }
0x2c6: {  	s17 =	sor.u32 s1, s0  }
0x2c7: {  	[tilespmem:s17+$0x0] =	vst v3  }
0x2c8: {  	v3 =	vld.idx.msk [tilespmem:v4+s2+$0x0], $0xffff  }
0x2c9: {  	v4 =	vor.u32 $0x2, v2;
	[tilespmem:s16+$0x80] =	vst v0  }
0x2ca: {  	v0 =	vld.idx.msk [tilespmem:v1+s2+$0x0], $0xffff  }
0x2cb: {  	v1 =	vor.u32 $0x3, v7;
	_ =	sdelay $0x1  }
0x2cc: {  	s18 =	simm.s32 $0x620;
	[tilespmem:s17+$0x80] =	vst v3  }
0x2cd: {  	s22 =	sand.u32 $0x60, s18;
	v3 =	vld.idx.msk [tilespmem:v4+s2+$0x0], $0xffff  }
0x2ce: {  	s23 =	sor.u32 $0x10, s22;
	s0 =	sand.u32 $0x780, s18;
	v4 =	vor.u32 $0x3, v2;
	[tilespmem:s16+$0x100] =	vst v0  }
0x2cf: {  	s0 =	sor.u32 s23, s0;
	v0 =	vld.idx.msk [tilespmem:v1+s2+$0x0], $0xffff  }
0x2d0: {  	v5 =	vld [tilespmem:s0+$0x3C80];
	v1 =	vor.u32 $0x4, v7;
	_ =	sdelay $0x1  }
0x2d1: {  	[tilespmem:s17+$0x100] =	vst v3  }
0x2d2: {  	s19 =	simm.s32 $0x42A0;
	v3 =	vld.idx.msk [tilespmem:v4+s2+$0x0], $0xffff  }
0x2d3: {  	v6 =	vor.u32 $0x4, v2;
	v4 =	vld [tilespmem:s19+$0x0];
	[tilespmem:s16+$0x180] =	vst v0  }
0x2d4: {  	v8 =	vld.idx.msk [tilespmem:v1+s2+$0x0], $0xffff;
	v1 =	vshll.u32 v5, $0x4  }
0x2d5: {  	v5 =	vor.u32 $0x5, v7;
	_ =	sdelay $0x1  }
0x2d6: {  	[tilespmem:s17+$0x180] =	vst v3  }
0x2d7: {  	v0 =	vshll.u32 v4, $0x4;
	v3 =	vld.idx.msk [tilespmem:v6+s2+$0x0], $0xffff  }
0x2d8: {  	v6 =	vor.u32 $0x5, v2;
	v4 =	vld.idx.msk [tilespmem:v1+s2+$0x0], $0xffff;
	[tilespmem:s16+$0x200] =	vst v8  }
0x2d9: {  	s24 =	simm.s32 $0x3100;
	v8 =	vor.u32 $0x1, v1;
	v5 =	vld.idx.msk [tilespmem:v5+s2+$0x0], $0xffff  }
0x2da: {  	s24 =	sand.u32 $0x3C00, s24;
	v9 =	vor.u32 $0x6, v7  }
0x2db: {  	s25 =	sadd.s32 $0x4480, s24  }
0x2dc: {  	s0 =	sor.u32 s23, s25;
	v10 =	vld.idx.msk [tilespmem:v0+s2+$0x0], $0xffff;
	[tilespmem:s17+$0x200] =	vst v3  }
0x2dd: {  	v3 =	vld.idx.msk [tilespmem:v6+s2+$0x0], $0xffff;
	v6 =	vor.u32 $0x1, v0;
	[tilespmem:s0+$0x0] =	vst v4  }
0x2de: {  	v4 =	vld.idx.msk [tilespmem:v8+s2+$0x0], $0xffff;
	v8 =	vor.u32 $0x6, v2;
	[tilespmem:s16+$0x280] =	vst v5  }
0x2df: {  	s26 =	sand.u32 $0x3, s10;
	v5 =	vld.idx.msk [tilespmem:v9+s2+$0x0], $0xffff;
	v9 =	vor.u32 $0x2, v1  }
0x2e0: {  	s4 =	sshll.u32 s26, $0x5;
	s3 =	sor.u32 s22, s25;
	v11 =	vor.u32 $0x7, v7  }
0x2e1: {  	s4 =	sadd.s32 $0x0, s4;
	[tilespmem:s3+$0x0] =	vst v10  }
0x2e2: {  	s7 =	sadd.s32 $0x3010, s4;
	v6 =	vld.idx.msk [tilespmem:v6+s2+$0x0], $0xffff;
	[tilespmem:s17+$0x280] =	vst v3  }
0x2e3: {  	s9 =	sor.u32 $0x300, s7;
	v3 =	vld.idx.msk [tilespmem:v8+s2+$0x0], $0xffff;
	v8 =	vor.u32 $0x2, v0;
	[tilespmem:s0+$0x80] =	vst v4  }
0x2e4: {  	v4 =	vld.idx.msk [tilespmem:v9+s2+$0x0], $0xffff;
	v9 =	vor.u32 $0x7, v2;
	[tilespmem:s9+$0x4480] =	vst v5  }
0x2e5: {  	v10 =	vor.u32 $0x3, v1;
	v5 =	vld.idx.msk [tilespmem:v11+s2+$0x0], $0xffff  }
0x2e6: {  	s4 =	sadd.s32 $0x3000, s4;
	v11 =	vor.u32 $0x8, v7  }
0x2e7: {  	s10 =	sor.u32 $0x300, s4;
	[tilespmem:s3+$0x80] =	vst v6  }
0x2e8: {  	s11 =	simm.s32 $0x640;
	v6 =	vld.idx.msk [tilespmem:v8+s2+$0x0], $0xffff;
	[tilespmem:s10+$0x4480] =	vst v3  }
0x2e9: {  	s5 =	sor.u32 $0x380, s7;
	s25 =	sand.u32 $0x60, s11;
	v8 =	vor.u32 $0x3, v0;
	v3 =	vld.idx.msk [tilespmem:v9+s2+$0x0], $0xffff;
	[tilespmem:s0+$0x100] =	vst v4  }
0x2ea: {  	s13 =	sand.u32 $0x780, s11;
	s26 =	sor.u32 $0x10, s25;
	v9 =	vor.u32 $0x8, v2;
	v4 =	vld.idx.msk [tilespmem:v10+s2+$0x0], $0xffff;
	[tilespmem:s5+$0x4480] =	vst v5  }
0x2eb: {  	s5 =	sor.u32 s26, s13;
	v5 =	vld.idx.msk [tilespmem:v11+s2+$0x0], $0xffff  }
0x2ec: {  	s15 =	simm.s32 $0x42C0;
	v10 =	vor.u32 $0x4, v1;
	v11 =	vld [tilespmem:s5+$0x3C80]  }
0x2ed: {  	s4 =	sor.u32 $0x380, s4;
	v12 =	vld [tilespmem:s15+$0x0];
	[tilespmem:s3+$0x100] =	vst v6;
	v6 =	vor.u32 $0x9, v7  }
0x2ee: {  	v8 =	vld.idx.msk [tilespmem:v8+s2+$0x0], $0xffff;
	[tilespmem:s4+$0x4480] =	vst v3  }
0x2ef: {  	v13 =	vor.u32 $0x4, v0;
	s16 =	sadd.s32 $0x8480, s14;
	v9 =	vld.idx.msk [tilespmem:v9+s2+$0x0], $0xffff  }
0x2f0: {  	v14 =	vor.u32 $0x9, v2;
	s17 =	sor.u32 s12, s16;
	[tilespmem:s0+$0x180] =	vst v4  }
0x2f1: {  	v10 =	vld.idx.msk [tilespmem:v10+s2+$0x0], $0xffff;
	[tilespmem:s17+$0x0] =	vst v5;
	v3 =	vshll.u32 v11, $0x4  }
0x2f2: {  	s15 =	simm.s32 $0x42E0;
	v5 =	vld.idx.msk [tilespmem:v6+s2+$0x0], $0xffff;
	v6 =	vor.u32 $0x5, v1  }
0x2f3: {  	v16 =	vld [tilespmem:s15+$0x0];
	s4 =	sor.u32 s1, s16;
	[tilespmem:s3+$0x180] =	vst v8;
	v8 =	vor.u32 $0xA, v7  }
0x2f4: {  	v4 =	vshll.u32 v12, $0x4;
	v11 =	vld.idx.msk [tilespmem:v13+s2+$0x0], $0xffff;
	[tilespmem:s4+$0x0] =	vst v9  }
0x2f5: {  	s18 =	sadd.s32 $0x8500, s14;
	v12 =	vor.u32 $0x5, v0;
	v9 =	vld.idx.msk [tilespmem:v14+s2+$0x0], $0xffff  }
0x2f6: {  	s19 =	sor.u32 s12, s18;
	v13 =	vld.idx.msk [tilespmem:v3+s2+$0x0], $0xffff;
	[tilespmem:s0+$0x200] =	vst v10;
	v10 =	vor.u32 $0xA, v2  }
0x2f7: {  	s6 =	simm.s32 $0x3200;
	v6 =	vld.idx.msk [tilespmem:v6+s2+$0x0], $0xffff;
	[tilespmem:s19+$0x0] =	vst v5;
	v5 =	vor.u32 $0x1, v3  }
0x2f8: {  	s28 =	sand.u32 $0x3C00, s6;
	v14 =	vor.u32 $0x6, v1;
	v8 =	vld.idx.msk [tilespmem:v8+s2+$0x0], $0xffff  }
0x2f9: {  	s7 =	sor.u32 s1, s18;
	s9 =	sadd.s32 $0x4480, s28;
	v15 =	vld.idx.msk [tilespmem:v4+s2+$0x0], $0xffff;
	[tilespmem:s3+$0x200] =	vst v11;
	v11 =	vor.u32 $0xB, v7  }
0x2fa: {  	s4 =	sor.u32 s26, s9;
	v12 =	vld.idx.msk [tilespmem:v12+s2+$0x0], $0xffff;
	[tilespmem:s7+$0x0] =	vst v9;
	v9 =	vor.u32 $0x1, v4  }
0x2fb: {  	s10 =	sadd.s32 $0x8580, s14;
	s13 =	simm.s32 $0x1;
	[tilespmem:s4+$0x0] =	vst v13;
	v13 =	vor.u32 $0x6, v0;
	v10 =	vld.idx.msk [tilespmem:v10+s2+$0x0], $0xffff  }
0x2fc: {  	s11 =	sor.u32 s12, s10;
	s7 =	sand.u32 $0x3, s13;
	v5 =	vld.idx.msk [tilespmem:v5+s2+$0x0], $0xffff;
	[tilespmem:s0+$0x280] =	vst v6  }
0x2fd: {  	s13 =	simm.s32 $0x660;
	s16 =	sshll.u32 s7, $0x5;
	s0 =	sor.u32 s25, s9;
	v6 =	vld.idx.msk [tilespmem:v14+s2+$0x0], $0xffff;
	v14 =	vor.u32 $0xB, v2;
	[tilespmem:s11+$0x0] =	vst v8  }
0x2fe: {  	s5 =	sor.u32 s1, s10;
	s30 =	sand.u32 $0x60, s13;
	s6 =	sadd.s32 $0x100, s16;
	v8 =	vor.u32 $0x2, v3;
	[tilespmem:s0+$0x0] =	vst v15;
	v11 =	vld.idx.msk [tilespmem:v11+s2+$0x0], $0xffff  }
0x2ff: {  	s29 =	sor.u32 $0x10, s30;
	s16 =	sand.u32 $0x780, s13;
	v15 =	vor.u32 $0x7, v1;
	s17 =	sadd.s32 $0x3010, s6;
	v9 =	vld.idx.msk [tilespmem:v9+s2+$0x0], $0xffff;
	[tilespmem:s3+$0x280] =	vst v12  }
0x300: {  	s18 =	sor.u32 $0x300, s17;
	v12 =	vor.u32 $0xC, v7;
	s3 =	sor.u32 $0x380, s17;
	s17 =	sor.u32 s29, s16;
	v13 =	vld.idx.msk [tilespmem:v13+s2+$0x0], $0xffff  }
0x301: {  	[tilespmem:s5+$0x0] =	vst v10;
	v10 =	vor.u32 $0x2, v4;
	v18 =	vld [tilespmem:s17+$0x3C80]  }
0x302: {  	s19 =	sadd.s32 $0x8600, s14;
	[tilespmem:s4+$0x80] =	vst v5;
	v5 =	vld.idx.msk [tilespmem:v14+s2+$0x0], $0xffff;
	v14 =	vor.u32 $0x7, v0  }
0x303: {  	s9 =	sor.u32 s12, s19;
	v8 =	vld.idx.msk [tilespmem:v8+s2+$0x0], $0xffff;
	[tilespmem:s18+$0x4480] =	vst v6;
	v6 =	vor.u32 $0xC, v2  }
0x304: {  	s6 =	sadd.s32 $0x3000, s6;
	v15 =	vld.idx.msk [tilespmem:v15+s2+$0x0], $0xffff;
	[tilespmem:s9+$0x0] =	vst v11;
	v11 =	vor.u32 $0x3, v3  }
0x305: {  	s10 =	sor.u32 $0x300, s6;
	v12 =	vld.idx.msk [tilespmem:v12+s2+$0x0], $0xffff;
	[tilespmem:s0+$0x80] =	vst v9;
	v9 =	vor.u32 $0x8, v1  }
0x306: {  	s7 =	sor.u32 s1, s19;
	v10 =	vld.idx.msk [tilespmem:v10+s2+$0x0], $0xffff;
	[tilespmem:s10+$0x4480] =	vst v13;
	v13 =	vor.u32 $0xD, v7  }
0x307: {  	v14 =	vld.idx.msk [tilespmem:v14+s2+$0x0], $0xffff;
	[tilespmem:s7+$0x0] =	vst v5;
	v5 =	vor.u32 $0x3, v4  }
0x308: {  	v17 =	vor.u32 $0x8, v0;
	s11 =	sadd.s32 $0x8680, s14;
	[tilespmem:s4+$0x100] =	vst v8;
	v8 =	vld.idx.msk [tilespmem:v6+s2+$0x0], $0xffff  }
0x309: {  	s15 =	sor.u32 s12, s11;
	v11 =	vld.idx.msk [tilespmem:v11+s2+$0x0], $0xffff;
	[tilespmem:s3+$0x4480] =	vst v15;
	v15 =	vor.u32 $0xD, v2  }
0x30a: {  	v9 =	vld.idx.msk [tilespmem:v9+s2+$0x0], $0xffff;
	[tilespmem:s15+$0x0] =	vst v12;
	v12 =	vor.u32 $0x4, v3  }
0x30b: {  	s6 =	sor.u32 $0x380, s6;
	v13 =	vld.idx.msk [tilespmem:v13+s2+$0x0], $0xffff;
	[tilespmem:s0+$0x100] =	vst v10;
	v10 =	vor.u32 $0x9, v1  }
0x30c: {  	s18 =	sor.u32 s1, s11;
	v6 =	vshll.u32 v16, $0x4;
	v19 =	vld.idx.msk [tilespmem:v5+s2+$0x0], $0xffff;
	[tilespmem:s6+$0x4480] =	vst v14  }
0x30d: {  	s19 =	sadd.s32 $0x8480, s24;
	v14 =	vor.u32 $0xE, v7;
	v16 =	vld.idx.msk [tilespmem:v17+s2+$0x0], $0xffff;
	[tilespmem:s18+$0x0] =	vst v8  }
0x30e: {  	s6 =	sor.u32 s23, s19;
	v8 =	vor.u32 $0x4, v4;
	[tilespmem:s4+$0x180] =	vst v11;
	v15 =	vld.idx.msk [tilespmem:v15+s2+$0x0], $0xffff  }
0x30f: {  	s7 =	sadd.s32 $0x8700, s14;
	v17 =	vor.u32 $0x9, v0;
	v12 =	vld.idx.msk [tilespmem:v12+s2+$0x0], $0xffff;
	[tilespmem:s6+$0x0] =	vst v9  }
0x310: {  	s9 =	sor.u32 s12, s7;
	v9 =	vld.idx.msk [tilespmem:v10+s2+$0x0], $0xffff;
	v10 =	vor.u32 $0x5, v3  }
0x311: {  	v5 =	vshll.u32 v18, $0x4;
	v11 =	vld.idx.msk [tilespmem:v6+s2+$0x0], $0xffff;
	[tilespmem:s9+$0x0] =	vst v13  }
0x312: {  	s10 =	sor.u32 s22, s19;
	v13 =	vld.idx.msk [tilespmem:v14+s2+$0x0], $0xffff;
	[tilespmem:s0+$0x180] =	vst v19;
	v14 =	vor.u32 $0xA, v1  }
0x313: {  	v7 =	vor.u32 $0xF, v7;
	v8 =	vld.idx.msk [tilespmem:v8+s2+$0x0], $0xffff;
	[tilespmem:s10+$0x0] =	vst v16  }
0x314: {  	s11 =	sadd.s32 $0x8500, s24;
	s6 =	sor.u32 s1, s7;
	v16 =	vld.idx.msk [tilespmem:v17+s2+$0x0], $0xffff;
	v17 =	vor.u32 $0xE, v2;
	[tilespmem:s4+$0x200] =	vst v12  }
0x315: {  	s16 =	sadd.s32 $0x8780, s14;
	s15 =	sor.u32 s23, s11;
	v12 =	vor.u32 $0x5, v4;
	[tilespmem:s6+$0x0] =	vst v15;
	v19 =	vld.idx.msk [tilespmem:v10+s2+$0x0], $0xffff  }
0x316: {  	s17 =	sor.u32 s12, s16;
	v18 =	vld.idx.msk [tilespmem:v5+s2+$0x0], $0xffff;
	[tilespmem:s15+$0x0] =	vst v9;
	v9 =	vor.u32 $0xA, v0  }
0x317: {  	v21 =	vor.u32 $0x6, v3;
	[tilespmem:s17+$0x0] =	vst v13;
	s17 =	simm.s32 $0x3300;
	v14 =	vld.idx.msk [tilespmem:v14+s2+$0x0], $0xffff  }
0x318: {  	s3 =	sor.u32 s22, s11;
	v20 =	vor.u32 $0x1, v5;
	s31 =	sand.u32 $0x3C00, s17;
	v22 =	vld.idx.msk [tilespmem:v7+s2+$0x0], $0xffff;
	[tilespmem:s0+$0x200] =	vst v8  }
0x319: {  	v23 =	vor.u32 $0xB, v1;
	s18 =	sadd.s32 $0x4480, s31;
	v7 =	vld.idx.msk [tilespmem:v17+s2+$0x0], $0xffff;
	[tilespmem:s3+$0x0] =	vst v16  }
0x31a: {  	s19 =	sadd.s32 $0x8580, s24;
	v13 =	vld.idx.msk [tilespmem:v12+s2+$0x0], $0xffff;
	s10 =	sor.u32 s29, s18;
	[tilespmem:s4+$0x280] =	vst v19  }
0x31b: {  	s7 =	sor.u32 s23, s19;
	s9 =	sadd.s32 $0x8800, s14;
	s14 =	simm.s32 $0x2;
	v16 =	vor.u32 $0x1, v6;
	v10 =	vld.idx.msk [tilespmem:v9+s2+$0x0], $0xffff;
	[tilespmem:s10+$0x0] =	vst v18  }
0x31c: {  	s16 =	sor.u32 s1, s16;
	s1 =	sor.u32 s1, s9;
	s5 =	sand.u32 $0x3, s14;
	v12 =	vld.idx.msk [tilespmem:v21+s2+$0x0], $0xffff;
	[tilespmem:s7+$0x0] =	vst v14;
	v14 =	vor.u32 $0x6, v4  }
0x31d: {  	v8 =	vor.u32 $0xB, v0;
	s11 =	sor.u32 s30, s18;
	s18 =	sor.u32 s22, s19;
	s19 =	sor.u32 s12, s9;
	v15 =	vld.idx.msk [tilespmem:v20+s2+$0x0], $0xffff  }
0x31e: {  	s15 =	simm.s32 $0x100;
	s3 =	simm.s32 $0x66;
	v17 =	vor.u32 $0x2, v5;
	s12 =	simm.s32 $0x4300;
	[tilespmem:s19+$0x0] =	vst v22;
	v9 =	vld.idx.msk [tilespmem:v23+s2+$0x0], $0xffff  }
.LBB2_8:
0x31f: {  	v18 =	vld [tilespmem:s12+$0x0];
	[tilespmem:s11+$0x0] =	vst v11;
	s5 =	sshll.u32 s5, $0x5;
	v11 =	vor.u32 $0x7, v3;
	s15 =	sadd.s32 $0x100, s15;
	s4 =	smov.u32 s25  }
0x320: {  	s25 =	smov.u32 s30;
	s9 =	smov.u32 s23;
	v16 =	vld.idx.msk [tilespmem:v16+s2+$0x0], $0xffff;
	s5 =	sadd.s32 s5, s15;
	[tilespmem:s0+$0x280] =	vst v13;
	v13 =	vor.u32 $0xC, v1  }
0x321: {  	s23 =	smov.u32 s26;
	v14 =	vld.idx.msk [tilespmem:v14+s2+$0x0], $0xffff;
	s0 =	sadd.s32 $0x3000, s5;
	s7 =	sadd.s32 $0x3010, s5;
	[tilespmem:s18+$0x0] =	vst v10;
	v10 =	vor.u32 $0xF, v2;
	v2 =	vmovc v0;
	v0 =	vmov v4;
	v4 =	vmov v6  }
0x322: {  	s6 =	sadd.s32 $0x8600, s24;
	v6 =	vor.u32 $0x2, v4;
	[tilespmem:s10+$0x80] =	vst v15;
	s18 =	sor.u32 $0x300, s0;
	s5 =	sor.u32 $0x300, s7;
	v8 =	vld.idx.msk [tilespmem:v8+s2+$0x0], $0xffff  }
0x323: {  	s30 =	sor.u32 s22, s6;
	s19 =	sor.u32 $0x380, s0;
	s0 =	sor.u32 s9, s6;
	v15 =	vld.idx.msk [tilespmem:v17+s2+$0x0], $0xffff;
	v17 =	vor.u32 $0x7, v0;
	[tilespmem:s5+$0x4480] =	vst v12  }
0x324: {  	s26 =	smov.u32 s29;
	v12 =	vor.u32 $0xC, v2;
	s5 =	smov.u32 s24;
	s24 =	smov.u32 s28;
	v11 =	vld.idx.msk [tilespmem:v11+s2+$0x0], $0xffff;
	[tilespmem:s0+$0x0] =	vst v9  }
0x325: {  	s6 =	smov.u32 s10;
	s28 =	smov.u32 s31;
	v9 =	vor.u32 $0x3, v5;
	s0 =	smov.u32 s11;
	v13 =	vld.idx.msk [tilespmem:v13+s2+$0x0], $0xffff;
	[tilespmem:s16+$0x0] =	vst v7  }
0x326: {  	v7 =	vor.u32 $0x8, v3;
	[tilespmem:s0+$0x80] =	vst v16;
	v10 =	vld.idx.msk [tilespmem:v10+s2+$0x0], $0xffff  }
0x327: {  	v6 =	vld.idx.msk [tilespmem:v6+s2+$0x0], $0xffff;
	[tilespmem:s18+$0x4480] =	vst v14;
	v14 =	vor.u32 $0xD, v1  }
0x328: {  	v16 =	vld.idx.msk [tilespmem:v17+s2+$0x0], $0xffff;
	[tilespmem:s30+$0x0] =	vst v8  }
0x329: {  	s13 =	sadd.s32 $0x20, s13;
	s7 =	sor.u32 $0x380, s7;
	s10 =	sadd.s32 $0x8680, s5;
	v8 =	vor.u32 $0x3, v4;
	[tilespmem:s6+$0x100] =	vst v15;
	v12 =	vld.idx.msk [tilespmem:v12+s2+$0x0], $0xffff  }
0x32a: {  	s3 =	sadd.s32 $0x2, s3;
	s30 =	sand.u32 $0x60, s13;
	v15 =	vor.u32 $0x8, v0;
	v9 =	vld.idx.msk [tilespmem:v9+s2+$0x0], $0xffff;
	[tilespmem:s7+$0x4480] =	vst v11;
	s7 =	sor.u32 s9, s10  }
0x32b: {  	p0 =	slt.u32 s3, $0x7E;
	s11 =	sand.u32 $0x780, s13;
	s29 =	sor.u32 $0x10, s30;
	v11 =	vor.u32 $0xD, v2;
	v7 =	vld.idx.msk [tilespmem:v7+s2+$0x0], $0xffff;
	[tilespmem:s7+$0x0] =	vst v13  }
0x32c: {  	s10 =	sor.u32 s22, s10;
	s7 =	sor.u32 s29, s11;
	v13 =	vor.u32 $0x4, v5;
	v14 =	vld.idx.msk [tilespmem:v14+s2+$0x0], $0xffff;
	[tilespmem:s1+$0x0] =	vst v10  }
0x32d: {  	v17 =	vor.u32 $0x9, v3;
	v10 =	vld [tilespmem:s7+$0x3C80];
	[tilespmem:s0+$0x100] =	vst v6  }
0x32e: {  	v8 =	vld.idx.msk [tilespmem:v8+s2+$0x0], $0xffff;
	[tilespmem:s19+$0x4480] =	vst v16;
	v16 =	vor.u32 $0xE, v1  }
0x32f: {  	s1 =	sadd.s32 $0x8480, s24;
	v6 =	vshll.u32 v18, $0x4;
	v15 =	vld.idx.msk [tilespmem:v15+s2+$0x0], $0xffff;
	[tilespmem:s10+$0x0] =	vst v12  }
0x330: {  	s7 =	sor.u32 s4, s1;
	s1 =	sor.u32 s23, s1;
	v12 =	vor.u32 $0x4, v4;
	s10 =	sadd.s32 $0x8700, s5;
	[tilespmem:s6+$0x180] =	vst v9;
	v9 =	vld.idx.msk [tilespmem:v11+s2+$0x0], $0xffff  }
0x331: {  	v18 =	vor.u32 $0x9, v0;
	v13 =	vld.idx.msk [tilespmem:v13+s2+$0x0], $0xffff;
	[tilespmem:s1+$0x0] =	vst v7;
	s1 =	sor.u32 s22, s10;
	s10 =	sor.u32 s9, s10  }
0x332: {  	v7 =	vshll.u32 v10, $0x4;
	v10 =	vld.idx.msk [tilespmem:v17+s2+$0x0], $0xffff;
	[tilespmem:s10+$0x0] =	vst v14  }
0x333: {  	v14 =	vor.u32 $0x5, v5;
	v16 =	vld.idx.msk [tilespmem:v16+s2+$0x0], $0xffff  }
0x334: {  	v11 =	vld.idx.msk [tilespmem:v6+s2+$0x0], $0xffff;
	[tilespmem:s0+$0x180] =	vst v8;
	v8 =	vor.u32 $0xA, v3  }
0x335: {  	v12 =	vld.idx.msk [tilespmem:v12+s2+$0x0], $0xffff;
	[tilespmem:s7+$0x0] =	vst v15;
	v15 =	vor.u32 $0xF, v1;
	v1 =	vmovc v3;
	v3 =	vmov v5;
	v5 =	vmov v7  }
0x336: {  	s7 =	sadd.s32 $0x8500, s24;
	v17 =	vld.idx.msk [tilespmem:v18+s2+$0x0], $0xffff;
	[tilespmem:s1+$0x0] =	vst v9;
	v9 =	vor.u32 $0xE, v2  }
0x337: {  	v19 =	vor.u32 $0x5, v4;
	s10 =	sadd.s32 $0x8780, s5;
	s1 =	sor.u32 s4, s7;
	s7 =	sor.u32 s23, s7;
	v18 =	vld.idx.msk [tilespmem:v7+s2+$0x0], $0xffff;
	[tilespmem:s6+$0x200] =	vst v13  }
0x338: {  	s16 =	sor.u32 s22, s10;
	v20 =	vld.idx.msk [tilespmem:v14+s2+$0x0], $0xffff;
	v14 =	vor.u32 $0xA, v0;
	[tilespmem:s7+$0x0] =	vst v10;
	s7 =	sor.u32 s9, s10  }
0x339: {  	s17 =	sadd.s32 $0x100, s17;
	v21 =	vor.u32 $0x1, v5;
	v22 =	vld.idx.msk [tilespmem:v8+s2+$0x0], $0xffff;
	[tilespmem:s7+$0x0] =	vst v16  }
0x33a: {  	s31 =	sand.u32 $0x3C00, s17;
	v8 =	vor.u32 $0x6, v3;
	v23 =	vld.idx.msk [tilespmem:v15+s2+$0x0], $0xffff  }
0x33b: {  	v24 =	vor.u32 $0xB, v1;
	s7 =	sadd.s32 $0x4480, s31;
	[tilespmem:s0+$0x200] =	vst v12;
	v7 =	vld.idx.msk [tilespmem:v9+s2+$0x0], $0xffff  }
.Ltmp3:
0x33c: {  	s11 =	sor.u32 s30, s7;
	s10 =	sor.u32 s29, s7;
	v13 =	vld.idx.msk [tilespmem:v19+s2+$0x0], $0xffff;
	[tilespmem:s1+$0x0] =	vst v17;
	(pc) =	sbr.rel @p0 .LBB2_8-.Ltmp3, $4  }
0x33d: {  	v16 =	vor.u32 $0x1, v6;
	s1 =	sadd.s32 $0x8580, s24;
	[tilespmem:s10+$0x0] =	vst v18;
	v10 =	vld.idx.msk [tilespmem:v14+s2+$0x0], $0xffff  }
0x33e: {  	s5 =	sadd.s32 $0x8800, s5;
	v14 =	vor.u32 $0x6, v4;
	s18 =	sor.u32 s4, s1;
	s1 =	sor.u32 s23, s1;
	v15 =	vld.idx.msk [tilespmem:v21+s2+$0x0], $0xffff;
	[tilespmem:s6+$0x280] =	vst v20  }
0x33f: {  	s14 =	sadd.s32 $0x1, s14;
	s6 =	sor.u32 s9, s5;
	v12 =	vld.idx.msk [tilespmem:v8+s2+$0x0], $0xffff;
	v8 =	vor.u32 $0xB, v0;
	[tilespmem:s1+$0x0] =	vst v22;
	s1 =	sor.u32 s22, s5  }
0x340: {  	s12 =	sadd.s32 $0x20, s12;
	v17 =	vor.u32 $0x2, v5;
	s5 =	sand.u32 $0x3, s14;
	s22 =	smov.u32 s4;
	v9 =	vld.idx.msk [tilespmem:v24+s2+$0x0], $0xffff;
	[tilespmem:s6+$0x0] =	vst v23  }
0x341: {  	_ =	sdelay $0x2  }
0x342: {  	[tilespmem:s11+$0x0] =	vst v11  }
0x343: {  	v11 =	vld.idx.msk [tilespmem:v16+s2+$0x0], $0xffff  }
0x344: {  	v47 =	vor.u32 $0x2, v6;
	_ =	sdelay $0x2  }
0x345: {  	[tilespmem:s10+$0x80] =	vst v15  }
0x346: {  	v15 =	vld.idx.msk [tilespmem:v17+s2+$0x0], $0xffff;
	[tilespmem:s11+$0x80] =	vst v11  }
0x347: {  	v48 =	vor.u32 $0x3, v5;
	v16 =	vld.idx.msk [tilespmem:v47+s2+$0x0], $0xffff  }
0x348: {  	v49 =	vor.u32 $0x3, v6;
	_ =	sdelay $0x2  }
0x349: {  	[tilespmem:s10+$0x100] =	vst v15  }
0x34a: {  	v11 =	vld.idx.msk [tilespmem:v48+s2+$0x0], $0xffff;
	[tilespmem:s11+$0x100] =	vst v16  }
0x34b: {  	v50 =	vor.u32 $0x4, v5;
	v16 =	vld.idx.msk [tilespmem:v49+s2+$0x0], $0xffff  }
0x34c: {  	v51 =	vor.u32 $0x4, v6;
	_ =	sdelay $0x2  }
0x34d: {  	[tilespmem:s10+$0x180] =	vst v11  }
0x34e: {  	v11 =	vld.idx.msk [tilespmem:v50+s2+$0x0], $0xffff;
	[tilespmem:s11+$0x180] =	vst v16  }
0x34f: {  	v52 =	vor.u32 $0x5, v5;
	v16 =	vld.idx.msk [tilespmem:v51+s2+$0x0], $0xffff  }
0x350: {  	v53 =	vor.u32 $0x5, v6;
	_ =	sdelay $0x2  }
0x351: {  	[tilespmem:s10+$0x200] =	vst v11  }
0x352: {  	v11 =	vld.idx.msk [tilespmem:v52+s2+$0x0], $0xffff;
	[tilespmem:s11+$0x200] =	vst v16  }
0x353: {  	v54 =	vor.u32 $0x6, v5;
	v16 =	vld.idx.msk [tilespmem:v53+s2+$0x0], $0xffff  }
0x354: {  	v55 =	vor.u32 $0x6, v6;
	_ =	sdelay $0x1  }
0x355: {  	[tilespmem:s0+$0x280] =	vst v13;
	s12 =	sshll.u32 s5, $0x5;
	v56 =	vor.u32 $0x7, v3;
	s3 =	sadd.s32 $0x100, s15  }
0x356: {  	s4 =	sadd.s32 $0x1, s14;
	v14 =	vld.idx.msk [tilespmem:v14+s2+$0x0], $0xffff;
	s0 =	sadd.s32 s12, s3;
	[tilespmem:s10+$0x280] =	vst v11  }
0x357: {  	v57 =	vor.u32 $0x7, v4;
	s4 =	sand.u32 $0x3, s4;
	s13 =	sadd.s32 $0x3010, s0;
	v15 =	vld.idx.msk [tilespmem:v54+s2+$0x0], $0xffff;
	[tilespmem:s11+$0x280] =	vst v16  }
0x358: {  	v58 =	vor.u32 $0x7, v5;
	s3 =	sadd.s32 $0x100, s3;
	s4 =	sshll.u32 s4, $0x5;
	s6 =	sor.u32 $0x300, s13;
	v17 =	vld.idx.msk [tilespmem:v55+s2+$0x0], $0xffff  }
0x359: {  	v18 =	vor.u32 $0x7, v6;
	s0 =	sadd.s32 $0x3000, s0;
	s3 =	sadd.s32 s4, s3;
	[tilespmem:s6+$0x4480] =	vst v12  }
0x35a: {  	s14 =	sor.u32 $0x300, s0;
	s15 =	sadd.s32 $0x3010, s3;
	v12 =	vld.idx.msk [tilespmem:v56+s2+$0x0], $0xffff  }
0x35b: {  	v59 =	vor.u32 $0x8, v3;
	s3 =	sadd.s32 $0x3000, s3;
	s17 =	sor.u32 $0x300, s15;
	[tilespmem:s14+$0x4480] =	vst v14  }
0x35c: {  	s19 =	sor.u32 $0x300, s3;
	v11 =	vld.idx.msk [tilespmem:v57+s2+$0x0], $0xffff;
	[tilespmem:s17+$0x4480] =	vst v15  }
0x35d: {  	v60 =	vor.u32 $0x8, v4;
	v15 =	vld.idx.msk [tilespmem:v58+s2+$0x0], $0xffff;
	[tilespmem:s19+$0x4480] =	vst v17  }
0x35e: {  	v61 =	vor.u32 $0x8, v5;
	s5 =	sor.u32 $0x380, s13;
	v17 =	vld.idx.msk [tilespmem:v18+s2+$0x0], $0xffff  }
0x35f: {  	v62 =	vor.u32 $0x8, v6;
	[tilespmem:s5+$0x4480] =	vst v12  }
0x360: {  	s0 =	sor.u32 $0x380, s0;
	v63 =	vld.idx.msk [tilespmem:v59+s2+$0x0], $0xffff  }
0x361: {  	v21 =	vor.u32 $0x9, v3;
	s7 =	sor.u32 $0x380, s15;
	[tilespmem:s0+$0x4480] =	vst v11  }
0x362: {  	s3 =	sor.u32 $0x380, s3;
	v22 =	vld.idx.msk [tilespmem:v60+s2+$0x0], $0xffff;
	[tilespmem:s7+$0x4480] =	vst v15  }
0x363: {  	v23 =	vor.u32 $0x9, v4;
	s9 =	sadd.s32 $0x8480, s28;
	v15 =	vld.idx.msk [tilespmem:v61+s2+$0x0], $0xffff;
	[tilespmem:s3+$0x4480] =	vst v17  }
0x364: {  	v24 =	vor.u32 $0x9, v5;
	s10 =	sor.u32 s26, s9;
	v17 =	vld.idx.msk [tilespmem:v62+s2+$0x0], $0xffff  }
0x365: {  	v25 =	vor.u32 $0x9, v6;
	[tilespmem:s10+$0x0] =	vst v63  }
0x366: {  	s11 =	sadd.s32 $0x8480, s31;
	s0 =	sor.u32 s25, s9;
	v11 =	vld.idx.msk [tilespmem:v21+s2+$0x0], $0xffff  }
0x367: {  	v26 =	vor.u32 $0xA, v3;
	s12 =	sor.u32 s29, s11;
	[tilespmem:s0+$0x0] =	vst v22  }
0x368: {  	s13 =	sor.u32 s30, s11;
	v13 =	vld.idx.msk [tilespmem:v23+s2+$0x0], $0xffff;
	[tilespmem:s12+$0x0] =	vst v15  }
0x369: {  	v27 =	vor.u32 $0xA, v4;
	s14 =	sadd.s32 $0x8500, s28;
	v15 =	vld.idx.msk [tilespmem:v24+s2+$0x0], $0xffff;
	[tilespmem:s13+$0x0] =	vst v17  }
0x36a: {  	v28 =	vor.u32 $0xA, v5;
	s15 =	sor.u32 s26, s14;
	v17 =	vld.idx.msk [tilespmem:v25+s2+$0x0], $0xffff  }
0x36b: {  	v29 =	vor.u32 $0xA, v6;
	[tilespmem:s15+$0x0] =	vst v11  }
0x36c: {  	v2 =	vor.u32 $0xF, v2;
	[tilespmem:s18+$0x0] =	vst v10;
	s17 =	sadd.s32 $0x8500, s31;
	s0 =	sor.u32 s25, s14;
	v12 =	vld.idx.msk [tilespmem:v26+s2+$0x0], $0xffff  }
0x36d: {  	v31 =	vor.u32 $0xB, v3;
	s18 =	sor.u32 s29, s17;
	[tilespmem:s0+$0x0] =	vst v13  }
0x36e: {  	s3 =	sor.u32 s30, s17;
	v14 =	vld.idx.msk [tilespmem:v27+s2+$0x0], $0xffff;
	[tilespmem:s18+$0x0] =	vst v15  }
0x36f: {  	v32 =	vor.u32 $0xB, v4;
	s6 =	sadd.s32 $0x8580, s28;
	v16 =	vld.idx.msk [tilespmem:v28+s2+$0x0], $0xffff;
	[tilespmem:s3+$0x0] =	vst v17  }
0x370: {  	v33 =	vor.u32 $0xB, v5;
	[tilespmem:s16+$0x0] =	vst v7;
	s19 =	sadd.s32 $0x8600, s24;
	s7 =	sor.u32 s26, s6;
	v10 =	vld.idx.msk [tilespmem:v29+s2+$0x0], $0xffff  }
0x371: {  	v34 =	vor.u32 $0xB, v6;
	v2 =	vld.idx.msk [tilespmem:v2+s2+$0x0], $0xffff;
	s5 =	sor.u32 s23, s19;
	[tilespmem:s7+$0x0] =	vst v12  }
0x372: {  	v30 =	vor.u32 $0xC, v1;
	s9 =	sadd.s32 $0x8580, s31;
	[tilespmem:s5+$0x0] =	vst v9;
	v13 =	vld.idx.msk [tilespmem:v31+s2+$0x0], $0xffff;
	s3 =	sor.u32 s25, s6  }
0x373: {  	v36 =	vor.u32 $0xC, v3;
	v8 =	vld.idx.msk [tilespmem:v8+s2+$0x0], $0xffff;
	s10 =	sor.u32 s29, s9;
	[tilespmem:s3+$0x0] =	vst v14  }
0x374: {  	v35 =	vor.u32 $0xC, v0;
	s4 =	sor.u32 s30, s9;
	v15 =	vld.idx.msk [tilespmem:v32+s2+$0x0], $0xffff;
	[tilespmem:s10+$0x0] =	vst v16  }
0x375: {  	v37 =	vor.u32 $0xC, v4;
	s13 =	sadd.s32 $0x8600, s28;
	v9 =	vld.idx.msk [tilespmem:v33+s2+$0x0], $0xffff;
	[tilespmem:s4+$0x0] =	vst v10  }
0x376: {  	v38 =	vor.u32 $0xC, v5;
	[tilespmem:s1+$0x0] =	vst v2;
	s14 =	sor.u32 s26, s13;
	v7 =	vld.idx.msk [tilespmem:v34+s2+$0x0], $0xffff  }
0x377: {  	v39 =	vor.u32 $0xC, v6;
	v11 =	vld.idx.msk [tilespmem:v30+s2+$0x0], $0xffff;
	s0 =	sor.u32 s22, s19;
	[tilespmem:s14+$0x0] =	vst v13  }
0x378: {  	v40 =	vor.u32 $0xD, v1;
	s15 =	sadd.s32 $0x8600, s31;
	[tilespmem:s0+$0x0] =	vst v8;
	v14 =	vld.idx.msk [tilespmem:v36+s2+$0x0], $0xffff;
	s4 =	sor.u32 s25, s13  }
0x379: {  	v42 =	vor.u32 $0xD, v3;
	s16 =	sor.u32 s29, s15;
	v12 =	vld.idx.msk [tilespmem:v35+s2+$0x0], $0xffff;
	[tilespmem:s4+$0x0] =	vst v15  }
0x37a: {  	v41 =	vor.u32 $0xD, v0;
	s11 =	sadd.s32 $0x8680, s24;
	s0 =	sor.u32 s30, s15;
	[tilespmem:s16+$0x0] =	vst v9;
	v15 =	vld.idx.msk [tilespmem:v37+s2+$0x0], $0xffff  }
0x37b: {  	v43 =	vor.u32 $0xD, v4;
	s12 =	sor.u32 s23, s11;
	s18 =	sadd.s32 $0x8680, s28;
	v8 =	vld.idx.msk [tilespmem:v38+s2+$0x0], $0xffff;
	[tilespmem:s0+$0x0] =	vst v7  }
0x37c: {  	v44 =	vor.u32 $0xD, v5;
	[tilespmem:s12+$0x0] =	vst v11;
	s19 =	sor.u32 s26, s18;
	v10 =	vld.idx.msk [tilespmem:v39+s2+$0x0], $0xffff  }
0x37d: {  	v45 =	vor.u32 $0xD, v6;
	s17 =	sor.u32 s22, s11;
	v11 =	vld.idx.msk [tilespmem:v40+s2+$0x0], $0xffff;
	[tilespmem:s19+$0x0] =	vst v14  }
0x37e: {  	v46 =	vor.u32 $0xE, v1;
	[tilespmem:s17+$0x0] =	vst v12;
	s1 =	sor.u32 s25, s18;
	s3 =	sadd.s32 $0x8680, s31;
	v9 =	vld.idx.msk [tilespmem:v42+s2+$0x0], $0xffff  }
0x37f: {  	v48 =	vor.u32 $0xE, v3;
	v13 =	vld.idx.msk [tilespmem:v41+s2+$0x0], $0xffff;
	s4 =	sor.u32 s29, s3;
	[tilespmem:s1+$0x0] =	vst v15  }
0x380: {  	v47 =	vor.u32 $0xE, v0;
	s5 =	sadd.s32 $0x8700, s24;
	s1 =	sor.u32 s30, s3;
	[tilespmem:s4+$0x0] =	vst v8;
	v7 =	vld.idx.msk [tilespmem:v43+s2+$0x0], $0xffff  }
0x381: {  	v49 =	vor.u32 $0xE, v4;
	s7 =	sadd.s32 $0x8700, s28;
	s6 =	sor.u32 s23, s5;
	v2 =	vld.idx.msk [tilespmem:v44+s2+$0x0], $0xffff;
	[tilespmem:s1+$0x0] =	vst v10  }
0x382: {  	v50 =	vor.u32 $0xE, v5;
	s9 =	sor.u32 s26, s7;
	[tilespmem:s6+$0x0] =	vst v11;
	v12 =	vld.idx.msk [tilespmem:v45+s2+$0x0], $0xffff  }
0x383: {  	v52 =	vor.u32 $0xE, v6;
	v51 =	vld.idx.msk [tilespmem:v46+s2+$0x0], $0xffff;
	s0 =	sor.u32 s22, s5;
	[tilespmem:s9+$0x0] =	vst v9  }
0x384: {  	v53 =	vor.u32 $0xF, v1;
	s10 =	sadd.s32 $0x8700, s31;
	[tilespmem:s0+$0x0] =	vst v13;
	v8 =	vld.idx.msk [tilespmem:v48+s2+$0x0], $0xffff;
	s1 =	sor.u32 s25, s7  }
0x385: {  	v55 =	vor.u32 $0xF, v3;
	s11 =	sor.u32 s29, s10;
	v14 =	vld.idx.msk [tilespmem:v47+s2+$0x0], $0xffff;
	[tilespmem:s1+$0x0] =	vst v7  }
0x386: {  	v54 =	vor.u32 $0xF, v0;
	s12 =	sadd.s32 $0x8780, s24;
	s0 =	sor.u32 s30, s10;
	[tilespmem:s11+$0x0] =	vst v2;
	v56 =	vld.idx.msk [tilespmem:v49+s2+$0x0], $0xffff  }
0x387: {  	v57 =	vor.u32 $0xF, v4;
	s14 =	sadd.s32 $0x8780, s28;
	s13 =	sor.u32 s23, s12;
	v58 =	vld.idx.msk [tilespmem:v50+s2+$0x0], $0xffff;
	[tilespmem:s0+$0x0] =	vst v12  }
0x388: {  	v59 =	vor.u32 $0xF, v5;
	s15 =	sor.u32 s26, s14;
	[tilespmem:s13+$0x0] =	vst v51;
	v60 =	vld.idx.msk [tilespmem:v52+s2+$0x0], $0xffff  }
0x389: {  	v61 =	vor.u32 $0xF, v6;
	v1 =	vld.idx.msk [tilespmem:v53+s2+$0x0], $0xffff;
	s1 =	sor.u32 s22, s12;
	[tilespmem:s15+$0x0] =	vst v8  }
0x38a: {  	s16 =	sadd.s32 $0x8780, s31;
	[tilespmem:s1+$0x0] =	vst v14;
	v2 =	vld.idx.msk [tilespmem:v55+s2+$0x0], $0xffff;
	s0 =	sor.u32 s25, s14  }
0x38b: {  	s17 =	sor.u32 s29, s16;
	v0 =	vld.idx.msk [tilespmem:v54+s2+$0x0], $0xffff;
	[tilespmem:s0+$0x0] =	vst v56  }
0x38c: {  	s18 =	sadd.s32 $0x8800, s24;
	s1 =	sor.u32 s30, s16;
	[tilespmem:s17+$0x0] =	vst v58;
	v3 =	vld.idx.msk [tilespmem:v57+s2+$0x0], $0xffff  }
0x38d: {  	s19 =	sor.u32 s23, s18;
	s23 =	sadd.s32 $0x8800, s28;
	v62 =	vld.idx.msk [tilespmem:v59+s2+$0x0], $0xffff;
	[tilespmem:s1+$0x0] =	vst v60  }
0x38e: {  	s24 =	sor.u32 s26, s23;
	[tilespmem:s19+$0x0] =	vst v1;
	v63 =	vld.idx.msk [tilespmem:v61+s2+$0x0], $0xffff  }
0x38f: {  	s0 =	sor.u32 s22, s18;
	[tilespmem:s24+$0x0] =	vst v2  }
0x390: {  	[tilespmem:s0+$0x0] =	vst v0;
	s1 =	sor.u32 s25, s23;
	s25 =	sadd.s32 $0x8800, s31  }
0x391: {  	[tilespmem:s1+$0x0] =	vst v3;
	s26 =	sor.u32 s29, s25  }
0x392: {  	s0 =	sor.u32 s30, s25;
	[tilespmem:s26+$0x0] =	vst v62  }
0x393: {  	s28 =	simm.s32 $0x7480;
	[tilespmem:s0+$0x0] =	vst v63  }
0x394: {  	[hbm4b:s8+s2] =	stream.linear.scatter [tilespmem:s28], [sflag:$0x3], $0x1000, $0x38;
	[tilespmem:$0xC480] =	vst v63  }
0x395: {  	s29 =	sadd.s32 $0x10000, s8;
	s30 =	simm.s32 $0xB480  }
0x396: {  	[hbm4b:s29+s2] =	stream.linear.scatter [tilespmem:s30], [sflag:$0x3], $0x1000, $0x38;
	[tilespmem:$0xC480] =	vst v63  }
0x397: {  	_ =	swait.ge [sflag:s20], $0x2000  }
0x398: {  	[sflag:s20] =	ssyncset.done $0x0  }
0x399: {  	[sflag:s20] =	ssyncadd.s32 $0xFFFFE000  }
0x39a: {  	_ =	swait.ge [sflag:s20], $0x2000  }
0x39b: {  	[sflag:s20] =	ssyncset.done $0x0  }
0x39c: {  	[sflag:s20] =	ssyncadd.s32 $0xFFFFE000  }
0x39d: {  	_ =	swait.ge [sflag:s20], $0x2000  }
0x39e: {  	[sflag:s20] =	ssyncset.done $0x0  }
0x39f: {  	[sflag:s20] =	ssyncadd.s32 $0xFFFFE000  }
0x3a0: {  	_ =	swait.ge [sflag:s20], $0x2000  }
0x3a1: {  	s21 =	sadd.s32 $0x1, s21;
	s31 =	rddreg [dreg:$0x8]  }
0x3a2: {  	p0 =	sne.s32 s21, s31  }
.Ltmp4:
0x3a3: {  	_ = 	snop;
	(pc) =	sbr.rel @p0 .LBB2_1-.Ltmp4, $3  }
0x3a4: {  	_ =	sdelay $0x1  }
0x3a5: {  	[sflag:s20] =	ssyncset.done $0x0  }
0x3a6: {  	[sflag:s20] =	ssyncadd.s32 $0xFFFFE000  }
0x3a7: {  	_ =	sfence.sel $0x180000  }
0x3a8: {  	[bflag:$0x0] =	sbarrier.arrive $0xFFFF  }
0x3a9: {  	_ =	strace $0x90000047  }
0x3aa: {  	s0 =	stileid.u32;
	[bflag:$0x2] =	sbarrier.arrive $0xFFFF  }
0x3ab: {  	p0 =	sne.s32 s0, $0x0;
	s0 =	rddreg [dreg:$0x2]  }
0x3ac: {  	s0 =	sadd.s32 @!p0 $0x100000, s0  }
0x3ad: {  	[sflag:s0] =	ssyncadd.tile.s32 @!p0 $0x1;
	_ =	shalt  }
.Lfunc_end2:
_tile_overlayer_lowered:
.L_overlay_start_2:
0x3ae: {  	(tag) =	ssettag $0x2  }
0x3af: {  	s0 =	rddreg [dreg:$0x0];
	s2 =	stileid.u32  }
0x3b0: {  	s1 =	rddreg [dreg:$0x1];
	p0 =	sne.s32 s2, $0x0  }
0x3b1: {  	s3 =	rddreg [dreg:$0x2];
	[bflag:$0x3] =	sbarrier.arrive $0xFFFF;
	s2 =	simm.s32 @!p0 $0x1C04  }
0x3b2: {  	[timem:s3], [sflag:s2] =	dma.local @!p0 [hbm:s0], s1  }
0x3b3: {  	s0 =	simm.s32 @!p0 $0x4  }
0x3b4: {  	_ =	swait.ge @!p0 [sflag:s0], s1  }
0x3b5: {  	s1 =	ssub.s32 @!p0 $0x0, s1;
	[sflag:s0] =	ssyncset.done @!p0 $0x0  }
0x3b6: {  	[sflag:s0] =	ssyncadd.s32 @!p0 s1  }
0x3b7: {  	[bflag:$0x3] =	sbarrier.arrive $0xFFFF  }
0x3b8: {  	_ =	shalt  }

</sc_bundles>
